<compile_context>
chip_gen: v7x
topology: tpu7x:2x2x1
jax: 0.10.2.dev20260603
libtpu: 0.0.44.dev20260713+nightly
codegen_flags: <defaults>
</compile_context>

<pallas_src>
import jax
import jax.numpy as jnp
from jax import lax
from jax.experimental import pallas as pl
from jax.experimental.pallas import tpu as pltpu
from jax.experimental.pallas import tpu_sc as plsc

N_NODES = 10000
N_EDGES = 320000
D_FEAT = 128
TEXT_DIM = 768
N_GRAPHS = 1024
F1 = 8
F2 = 4

NPAD = 10240
GPAD = 1152
NSUB = 16
CHUNK = NPAD // NSUB
E_STREAM = 200
E_TILE_STREAMS = 100
E_TILE = E_STREAM * E_TILE_STREAMS
GROWS = N_GRAPHS // NSUB

_LANES = 16


def _ae_body(x_ref, w1, b1, w2, b2, dw1, db1, dw2, db2, cwt, cb,
             xhat_ref, zt_ref, tpart_ref):
    x = x_ref[...]
    h = jax.nn.relu(jnp.dot(x, w1[...], preferred_element_type=jnp.float32)
                    + b1[...])
    z = jax.nn.relu(jnp.dot(h, w2[...], preferred_element_type=jnp.float32)
                    + b2[...])
    d = jax.nn.relu(jnp.dot(z, dw1[...], preferred_element_type=jnp.float32)
                    + db1[...])
    xhat_ref[...] = jax.nn.sigmoid(
        jnp.dot(d, dw2[...], preferred_element_type=jnp.float32) + db2[...])
    zt_ref[...] = z
    tpart_ref[...] = (jnp.dot(z, cwt[...], preferred_element_type=jnp.float32)
                      + cb[...])


def _mm_body(x_ref, w_ref, o_ref):
    o_ref[...] = jnp.dot(x_ref[...], w_ref[...],
                         preferred_element_type=jnp.float32)


def _rsqrt16(d):
    bits = plsc.bitcast(d, jnp.int32)
    m = jnp.int32(0x5F3759DF) - lax.shift_right_arithmetic(bits, 1)
    y = plsc.bitcast(m, jnp.float32)
    for _ in range(3):
        y = y * (jnp.float32(1.5) - jnp.float32(0.5) * d * y * y)
    return y


def _sc_body(src_hbm, dst_hbm, batch_hbm, y1_hbm, zt_hbm, tpart_hbm,
             pbuf_hbm, z_hbm, logits_hbm,
             e_src, e_dst, b_idx, hist, tmp640, acc640, dinvb, rowbuf,
             rowbuf2, zbuf4, gbufs, pbuf, lbuf,
             sg0, sg1, sg2, sg3, ss0, ss1, ss2, ss3,
             dinv_s, hist_slab, y1s, acc1, y2s, acc2, gsum):
    sid = lax.axis_index("s")
    base = sid * CHUNK
    iota = lax.iota(jnp.int32, _LANES)
    r2 = lax.shift_right_logical(iota, 3)
    c8 = lax.bitwise_and(iota, 7)
    r4 = lax.shift_right_logical(iota, 2)
    c4 = lax.bitwise_and(iota, 3)
    zeros_f = jnp.zeros((_LANES,), jnp.float32)
    zeros_i = jnp.zeros((_LANES,), jnp.int32)

    pltpu.sync_copy(src_hbm.at[pl.ds(sid * E_TILE, E_TILE)], e_src)
    pltpu.sync_copy(dst_hbm.at[pl.ds(sid * E_TILE, E_TILE)], e_dst)
    pltpu.sync_copy(pbuf_hbm, pbuf)
    pltpu.sync_copy(batch_hbm, b_idx)

    def _zero_hist(i, _):
        hist[pl.ds(i * _LANES, _LANES)] = zeros_f
        return 0
    lax.fori_loop(0, NPAD // _LANES, _zero_hist, 0)

    def _hist_step(k, _):
        v = e_dst[pl.ds(k * _LANES, _LANES)]
        cnt, last = plsc.scan_count(v)
        plsc.addupdate_scatter(hist, [v], cnt.astype(jnp.float32), mask=last)
        return 0
    lax.fori_loop(0, E_TILE // _LANES, _hist_step, 0)

    pltpu.sync_copy(hist, hist_slab.at[pl.ds(sid * NPAD, NPAD)])
    plsc.subcore_barrier()

    def _zero640(i, _):
        acc640[pl.ds(i * _LANES, _LANES)] = zeros_f
        return 0
    lax.fori_loop(0, CHUNK // _LANES, _zero640, 0)

    def _red_outer(t, _):
        pltpu.sync_copy(hist_slab.at[pl.ds(t * NPAD + base, CHUNK)], tmp640)

        def _red_inner(i, _):
            s = pl.ds(i * _LANES, _LANES)
            acc640[s] = acc640[s] + tmp640[s]
            return 0
        lax.fori_loop(0, CHUNK // _LANES, _red_inner, 0)
        return 0
    lax.fori_loop(0, NSUB, _red_outer, 0)

    def _dinv_step(i, _):
        s = pl.ds(i * _LANES, _LANES)
        dinvb[s] = _rsqrt16(acc640[s] + jnp.float32(1.0))
        return 0
    lax.fori_loop(0, CHUNK // _LANES, _dinv_step, 0)
    pltpu.sync_copy(dinvb, dinv_s.at[pl.ds(base, CHUNK)])

    pltpu.sync_copy(y1_hbm.at[pl.ds(base, CHUNK)], rowbuf)

    def _scale_y1(k, _):
        rows = r2 + 2 * k
        val = plsc.load_gather(rowbuf, [rows, c8])
        dexp = plsc.load_gather(dinvb, [rows])
        plsc.store_scatter(rowbuf, [rows, c8], val * dexp)
        return 0
    lax.fori_loop(0, CHUNK * F1 // _LANES, _scale_y1, 0)
    pltpu.sync_copy(rowbuf, y1s.at[pl.ds(base, CHUNK)])

    def _zero_r2(k, _):
        rows = r2 + 2 * k
        plsc.store_scatter(rowbuf2, [rows, c8], zeros_f)
        return 0
    lax.fori_loop(0, CHUNK * F1 // _LANES, _zero_r2, 0)

    pltpu.sync_copy(rowbuf2, acc1.at[pl.ds(base, CHUNK)])
    pltpu.sync_copy(rowbuf2, acc2.at[pl.ds(base, CHUNK)])
    pltpu.sync_copy(rowbuf2.at[pl.ds(0, GPAD // NSUB)],
                    gsum.at[pl.ds(sid * (GPAD // NSUB), GPAD // NSUB)])
    plsc.subcore_barrier()

    def _stream_layer(table, accum):
        sgs = (sg0, sg1, sg2, sg3)
        sss = (ss0, ss1, ss2, ss3)

        def _g(j, r):
            pltpu.make_async_copy(
                table.at[e_src.at[pl.ds(j * E_STREAM, E_STREAM)]],
                gbufs.at[r], sgs[r]).start()

        def _s(j, r):
            pltpu.make_async_copy(
                gbufs.at[r], accum.at[e_dst.at[pl.ds(j * E_STREAM, E_STREAM)]],
                sss[r]).start(add=True)

        def _wg(r):
            pltpu.make_async_copy(
                table.at[e_src.at[pl.ds(0, E_STREAM)]],
                gbufs.at[r], sgs[r]).wait()

        def _ws(r):
            pltpu.make_async_copy(
                gbufs.at[r], accum.at[e_dst.at[pl.ds(0, E_STREAM)]],
                sss[r]).wait()

        _g(0, 0)

        def _grp(jj, _):
            for r in range(4):
                j = 4 * jj + r
                if r < 3:
                    @pl.when(jj > 0)
                    def _():
                        _ws(r + 1)
                    _g(j + 1, r + 1)
                else:
                    _ws(0)

                    @pl.when(jj < E_TILE_STREAMS // 4 - 1)
                    def _():
                        _g(j + 1, 0)
                _wg(r)
                _s(j, r)
            return 0
        lax.fori_loop(0, E_TILE_STREAMS // 4, _grp, 0)
        for r in (1, 2, 3):
            _ws(r)

    _stream_layer(y1s, acc1)
    plsc.subcore_barrier()

    pltpu.sync_copy(acc1.at[pl.ds(base, CHUNK)], rowbuf)
    pltpu.sync_copy(y1s.at[pl.ds(base, CHUNK)], rowbuf2)
    b1v = plsc.load_gather(pbuf, [c8])

    def _epi1(k, _):
        rows = r2 + 2 * k
        a = plsc.load_gather(rowbuf, [rows, c8])
        y = plsc.load_gather(rowbuf2, [rows, c8])
        dexp = plsc.load_gather(dinvb, [rows])
        h = jnp.maximum(dexp * (a + y) + b1v, jnp.float32(0.0))
        plsc.store_scatter(rowbuf, [rows, c8], dexp * h)
        return 0
    lax.fori_loop(0, CHUNK * F1 // _LANES, _epi1, 0)

    w2v = [plsc.load_gather(pbuf, [jnp.full((_LANES,), 16 + kk * F2,
                                            jnp.int32) + c4])
           for kk in range(F1)]

    def _zero_rb2(k, _):
        rows = r2 + 2 * k
        plsc.store_scatter(rowbuf2, [rows, c8], zeros_f)
        return 0
    lax.fori_loop(0, CHUNK * F1 // _LANES, _zero_rb2, 0)

    def _mm2(k, _):
        rows = r4 + 4 * k
        acc = zeros_f
        for kk in range(F1):
            hk = plsc.load_gather(rowbuf, [rows,
                                           jnp.full((_LANES,), kk, jnp.int32)])
            acc = acc + hk * w2v[kk]
        plsc.store_scatter(rowbuf2, [rows, c4], acc)
        return 0
    lax.fori_loop(0, CHUNK * F2 // _LANES, _mm2, 0)
    pltpu.sync_copy(rowbuf2, y2s.at[pl.ds(base, CHUNK)])
    plsc.subcore_barrier()

    _stream_layer(y2s, acc2)
    plsc.subcore_barrier()

    pltpu.sync_copy(acc2.at[pl.ds(base, CHUNK)], rowbuf)
    pltpu.sync_copy(y2s.at[pl.ds(base, CHUNK)], rowbuf2)
    b2v = plsc.load_gather(pbuf, [jnp.full((_LANES,), 8, jnp.int32) + c4])

    def _epi2(k, _):
        rows = r4 + 4 * k
        a = plsc.load_gather(rowbuf, [rows, c4])
        y = plsc.load_gather(rowbuf2, [rows, c4])
        dexp = plsc.load_gather(dinvb, [rows])
        o = dexp * (a + y) + b2v
        plsc.store_scatter(rowbuf, [rows, c4], o)
        return 0
    lax.fori_loop(0, CHUNK * F2 // _LANES, _epi2, 0)

    def _ones_col(k, _):
        rows = iota + _LANES * k
        valid = (rows + base) < N_NODES
        val = jnp.where(valid, jnp.float32(1.0), jnp.float32(0.0))
        plsc.store_scatter(rowbuf, [rows, jnp.full((_LANES,), 4, jnp.int32)],
                           val)
        return 0
    lax.fori_loop(0, CHUNK // _LANES, _ones_col, 0)

    def _pool_stream(j, _):
        pltpu.sync_copy(rowbuf.at[pl.ds(j * 128, 128)],
                        gsum.at[b_idx.at[sid * (CHUNK // 128) + j]],
                        add=True)
        return 0
    lax.fori_loop(0, CHUNK // 128, _pool_stream, 0)
    plsc.subcore_barrier()

    gbase = sid * GROWS
    pltpu.sync_copy(gsum.at[pl.ds(gbase, GROWS)], rowbuf.at[pl.ds(0, GROWS)])
    pltpu.sync_copy(zt_hbm.at[pl.ds(gbase, GROWS)], zbuf4.at[pl.ds(0, GROWS)])
    pltpu.sync_copy(tpart_hbm.at[pl.ds(gbase, GROWS)],
                    lbuf.at[pl.ds(0, GROWS)])
    col4 = jnp.full((_LANES,), 4, jnp.int32)

    def _fin(q, _):
        rows = r4 + 4 * q
        s = plsc.load_gather(rowbuf, [rows, c4])
        cnt = plsc.load_gather(rowbuf, [rows, col4])
        zgv = jnp.where(cnt > jnp.float32(0.0),
                        s / jnp.maximum(cnt, jnp.float32(1.0)),
                        jnp.float32(0.0))
        ztv = plsc.load_gather(zbuf4, [rows, c4])
        plsc.store_scatter(rowbuf2, [rows, c4], ztv)
        plsc.store_scatter(rowbuf2, [rows, c4 + 4], zgv)
        return 0
    lax.fori_loop(0, GROWS * F2 // _LANES, _fin, 0)
    pltpu.sync_copy(rowbuf2.at[pl.ds(0, GROWS)], z_hbm.at[pl.ds(gbase, GROWS)])

    def _logit(q, _):
        rows = iota + _LANES * q
        acc = plsc.load_gather(lbuf, [rows, zeros_i])
        for j in range(F2):
            wj = plsc.load_gather(pbuf, [jnp.full((_LANES,), 12 + j,
                                                  jnp.int32)])
            zj = plsc.load_gather(rowbuf2, [rows,
                                            jnp.full((_LANES,), 4 + j,
                                                     jnp.int32)])
            acc = acc + zj * wj
        plsc.store_scatter(lbuf, [rows, zeros_i], acc)
        return 0
    lax.fori_loop(0, GROWS // _LANES, _logit, 0)
    pltpu.sync_copy(lbuf.at[pl.ds(0, GROWS)],
                    logits_hbm.at[pl.ds(gbase, GROWS)])


_sc_call = pl.kernel(
    _sc_body,
    out_type=(jax.ShapeDtypeStruct((N_GRAPHS, 2 * F2), jnp.float32),
              jax.ShapeDtypeStruct((N_GRAPHS, 1), jnp.float32)),
    mesh=plsc.VectorSubcoreMesh(core_axis_name="c", subcore_axis_name="s",
                                num_cores=1),
    compiler_params=pltpu.CompilerParams(needs_layout_passes=False,
                                         use_tc_tiling_on_sc=False),
    scratch_types=[
        pltpu.VMEM((E_TILE,), jnp.int32),
        pltpu.VMEM((E_TILE,), jnp.int32),
        pltpu.VMEM((NPAD // 128, 128), jnp.int32),
        pltpu.VMEM((NPAD,), jnp.float32),
        pltpu.VMEM((CHUNK,), jnp.float32),
        pltpu.VMEM((CHUNK,), jnp.float32),
        pltpu.VMEM((CHUNK,), jnp.float32),
        pltpu.VMEM((CHUNK, F1), jnp.float32),
        pltpu.VMEM((CHUNK, F1), jnp.float32),
        pltpu.VMEM((CHUNK, F2), jnp.float32),
        pltpu.VMEM((4, E_STREAM, F1), jnp.float32),
        pltpu.VMEM((64,), jnp.float32),
        pltpu.VMEM((GROWS, 1), jnp.float32),
        pltpu.SemaphoreType.DMA, pltpu.SemaphoreType.DMA,
        pltpu.SemaphoreType.DMA, pltpu.SemaphoreType.DMA,
        pltpu.SemaphoreType.DMA, pltpu.SemaphoreType.DMA,
        pltpu.SemaphoreType.DMA, pltpu.SemaphoreType.DMA,
        pltpu.VMEM_SHARED((NPAD,), jnp.float32),
        pltpu.VMEM_SHARED((NSUB * NPAD,), jnp.float32),
        pltpu.VMEM_SHARED((NPAD, F1), jnp.float32),
        pltpu.VMEM_SHARED((NPAD, F1), jnp.float32),
        pltpu.VMEM_SHARED((NPAD, F1), jnp.float32),
        pltpu.VMEM_SHARED((NPAD, F1), jnp.float32),
        pltpu.VMEM_SHARED((GPAD, F1), jnp.float32),
    ],
)


def kernel(text_x, node_x, edge_index, batch,
           enc_w1, enc_b1, enc_w2, enc_b2,
           dec_w1, dec_b1, dec_w2, dec_b2,
           gcn1_w, gcn1_b, gcn2_w, gcn2_b,
           cls_w, cls_b):
    f32 = jnp.float32

    grid_a = 8
    blk = N_GRAPHS // grid_a
    full = lambda shape: pl.BlockSpec(shape, lambda i: (0,) * len(shape))
    xhat, z_text, tpart = pl.pallas_call(
        _ae_body,
        grid=(grid_a,),
        in_specs=[
            pl.BlockSpec((blk, TEXT_DIM), lambda i: (i, 0)),
            full((TEXT_DIM, F1)), full((1, F1)),
            full((F1, F2)), full((1, F2)),
            full((F2, F1)), full((1, F1)),
            full((F1, TEXT_DIM)), full((1, TEXT_DIM)),
            full((F2, 1)), full((1, 1)),
        ],
        out_specs=[
            pl.BlockSpec((blk, TEXT_DIM), lambda i: (i, 0)),
            pl.BlockSpec((blk, F2), lambda i: (i, 0)),
            pl.BlockSpec((blk, 1), lambda i: (i, 0)),
        ],
        out_shape=[
            jax.ShapeDtypeStruct((N_GRAPHS, TEXT_DIM), f32),
            jax.ShapeDtypeStruct((N_GRAPHS, F2), f32),
            jax.ShapeDtypeStruct((N_GRAPHS, 1), f32),
        ],
    )(text_x,
      enc_w1, enc_b1.reshape(1, F1), enc_w2, enc_b2.reshape(1, F2),
      dec_w1, dec_b1.reshape(1, F1), dec_w2, dec_b2.reshape(1, TEXT_DIM),
      cls_w[:F2], cls_b.reshape(1, 1))

    node_pad = jnp.pad(node_x, ((0, NPAD - N_NODES), (0, 0)))
    y1 = pl.pallas_call(
        _mm_body,
        grid=(NPAD // 1024,),
        in_specs=[pl.BlockSpec((1024, D_FEAT), lambda i: (i, 0)),
                  pl.BlockSpec((D_FEAT, F1), lambda i: (0, 0))],
        out_specs=pl.BlockSpec((1024, F1), lambda i: (i, 0)),
        out_shape=jax.ShapeDtypeStruct((NPAD, F1), f32),
    )(node_pad, gcn1_w)

    ei = edge_index.astype(jnp.int32)
    src = ei[0]
    dst = ei[1]
    bpad = jnp.concatenate([
        batch.astype(jnp.int32),
        N_GRAPHS + (jnp.arange(NPAD - N_NODES, dtype=jnp.int32) % 128),
    ]).reshape(NPAD // 128, 128)

    psmall = jnp.concatenate([
        gcn1_b, gcn2_b, cls_w[F2:, 0], gcn2_w.reshape(-1),
        jnp.zeros((16,), f32),
    ]).astype(f32)

    z, logits = _sc_call(src, dst, bpad, y1, z_text, tpart, psmall)
    return (xhat, logits, z)

# --- scband reference (transcript-rebuilt; emitter-appended) ---
"""Pipeline reference for scband-combined-model-25598005084994 (READ-ONLY COPY).

The authoritative reference and input builder live on the scoring server;
editing this copy changes nothing except your own understanding.
"""

import jax, jax.numpy as jnp
import numpy as np

N_NODES = 10000
N_EDGES = 320000
D_FEAT = 128
TEXT_DIM = 768
N_GRAPHS = 1024
AE_HID, AE_EMB = 8, 4
GNN_HID, GNN_EMB = 8, 4


def _init_w(key, fan_in, fan_out):
    return jax.random.normal(key, (fan_in, fan_out), dtype=jnp.float32) / jnp.sqrt(float(fan_in))


def setup_inputs(seed: int = 0) -> dict:
    key = jax.random.key(seed)
    ks = jax.random.split(key, 20)
    text_x = jax.random.normal(ks[0], (N_GRAPHS, TEXT_DIM), dtype=jnp.float32)
    node_x = jax.random.normal(ks[1], (N_NODES, D_FEAT), dtype=jnp.float32)
    edge_index = jax.random.randint(ks[2], (2, N_EDGES), 0, N_NODES, dtype=jnp.int64)
    batch = jnp.sort(jax.random.randint(ks[3], (N_NODES,), 0, N_GRAPHS, dtype=jnp.int64))
    params = {
        'enc_w1': _init_w(ks[4], TEXT_DIM, AE_HID), 'enc_b1': jnp.zeros((AE_HID,), jnp.float32),
        'enc_w2': _init_w(ks[5], AE_HID, AE_EMB), 'enc_b2': jnp.zeros((AE_EMB,), jnp.float32),
        'dec_w1': _init_w(ks[6], AE_EMB, AE_HID), 'dec_b1': jnp.zeros((AE_HID,), jnp.float32),
        'dec_w2': _init_w(ks[7], AE_HID, TEXT_DIM), 'dec_b2': jnp.zeros((TEXT_DIM,), jnp.float32),
        'gcn1_w': _init_w(ks[8], D_FEAT, GNN_HID), 'gcn1_b': jnp.zeros((GNN_HID,), jnp.float32),
        'gcn2_w': _init_w(ks[9], GNN_HID, GNN_EMB), 'gcn2_b': jnp.zeros((GNN_EMB,), jnp.float32),
        'cls_w': _init_w(ks[10], AE_EMB + GNN_EMB, 1), 'cls_b': jnp.zeros((1,), jnp.float32),
    }
    return {'text_x': text_x, 'node_x': node_x, 'edge_index': edge_index, 'batch': batch, **params}


def _gcn_conv(x, edge_index, W, b):
    # PyG GCNConv: x @ W, add self-loops, symmetric deg^-1/2 normalization, scatter-add, + bias
    n = x.shape[0]
    x = x @ W
    loop = jnp.arange(n, dtype=edge_index.dtype)
    src = jnp.concatenate([edge_index[0], loop])
    dst = jnp.concatenate([edge_index[1], loop])
    deg = jnp.zeros((n,), x.dtype).at[dst].add(1.0)
    dinv = jnp.where(deg > 0, deg ** -0.5, 0.0)
    norm = dinv[src] * dinv[dst]
    msgs = x[src] * norm[:, None]
    out = jnp.zeros_like(x).at[dst].add(msgs)
    return out + b


def reference(text_x, node_x, edge_index, batch,
              enc_w1, enc_b1, enc_w2, enc_b2,
              dec_w1, dec_b1, dec_w2, dec_b2,
              gcn1_w, gcn1_b, gcn2_w, gcn2_b,
              cls_w, cls_b):
    # Autoencoder (eval mode: dropout = identity)
    h = jax.nn.relu(text_x @ enc_w1 + enc_b1)
    z_text = jax.nn.relu(h @ enc_w2 + enc_b2)
    d = jax.nn.relu(z_text @ dec_w1 + dec_b1)
    x_hat = jax.nn.sigmoid(d @ dec_w2 + dec_b2)
    # GNN encoder
    g = jax.nn.relu(_gcn_conv(node_x, edge_index, gcn1_w, gcn1_b))
    g = _gcn_conv(g, edge_index, gcn2_w, gcn2_b)
    # global_mean_pool
    sums = jax.ops.segment_sum(g, batch, num_segments=N_GRAPHS)
    counts = jax.ops.segment_sum(jnp.ones((g.shape[0],), g.dtype), batch, num_segments=N_GRAPHS)
    z_graph = jnp.where(counts[:, None] > 0, sums / jnp.maximum(counts[:, None], 1.0), 0.0)
    # classifier
    z = jnp.concatenate([z_text, z_graph], axis=1)
    logits = z @ cls_w + cls_b
    return (x_hat, logits, z)

if __name__ == "__main__":
    import jax
    _d = setup_inputs()
    print(jax.jit(kernel)(*tuple(_d.values())))

</pallas_src>

<mosaic_0001>
#map = affine_map<(d0, d1) -> (0)>
#map1 = affine_map<(d0, d1) -> (0, 0)>
module attributes {stable_mosaic.version = 14 : i64} {
  func.func @_sc_body(%arg0: i32, %arg1: i32, %arg2: memref<320000xi32, #tpu.memory_space<hbm>>, %arg3: memref<320000xi32, #tpu.memory_space<hbm>>, %arg4: memref<80x128xi32, #tpu.memory_space<hbm>>, %arg5: memref<10240x8xf32, #tpu.memory_space<hbm>>, %arg6: memref<1024x4xf32, #tpu.memory_space<hbm>>, %arg7: memref<1024x1xf32, #tpu.memory_space<hbm>>, %arg8: memref<64xf32, #tpu.memory_space<hbm>>, %arg9: memref<1024x8xf32, #tpu.memory_space<hbm>>, %arg10: memref<1024x1xf32, #tpu.memory_space<hbm>>, %arg11: memref<20000xi32, #tpu.memory_space<vmem>>, %arg12: memref<20000xi32, #tpu.memory_space<vmem>>, %arg13: memref<80x128xi32, #tpu.memory_space<vmem>>, %arg14: memref<10240xf32, #tpu.memory_space<vmem>>, %arg15: memref<640xf32, #tpu.memory_space<vmem>>, %arg16: memref<640xf32, #tpu.memory_space<vmem>>, %arg17: memref<640xf32, #tpu.memory_space<vmem>>, %arg18: memref<640x8xf32, #tpu.memory_space<vmem>>, %arg19: memref<640x8xf32, #tpu.memory_space<vmem>>, %arg20: memref<640x4xf32, #tpu.memory_space<vmem>>, %arg21: memref<4x200x8xf32, #tpu.memory_space<vmem>>, %arg22: memref<64xf32, #tpu.memory_space<vmem>>, %arg23: memref<64x1xf32, #tpu.memory_space<vmem>>, %arg24: memref<!tpu.dma_semaphore, #tpu.memory_space<semaphore_mem>>, %arg25: memref<!tpu.dma_semaphore, #tpu.memory_space<semaphore_mem>>, %arg26: memref<!tpu.dma_semaphore, #tpu.memory_space<semaphore_mem>>, %arg27: memref<!tpu.dma_semaphore, #tpu.memory_space<semaphore_mem>>, %arg28: memref<!tpu.dma_semaphore, #tpu.memory_space<semaphore_mem>>, %arg29: memref<!tpu.dma_semaphore, #tpu.memory_space<semaphore_mem>>, %arg30: memref<!tpu.dma_semaphore, #tpu.memory_space<semaphore_mem>>, %arg31: memref<!tpu.dma_semaphore, #tpu.memory_space<semaphore_mem>>, %arg32: memref<10240xf32, #tpu.memory_space<vmem_shared>>, %arg33: memref<163840xf32, #tpu.memory_space<vmem_shared>>, %arg34: memref<10240x8xf32, #tpu.memory_space<vmem_shared>>, %arg35: memref<10240x8xf32, #tpu.memory_space<vmem_shared>>, %arg36: memref<10240x8xf32, #tpu.memory_space<vmem_shared>>, %arg37: memref<10240x8xf32, #tpu.memory_space<vmem_shared>>, %arg38: memref<1152x8xf32, #tpu.memory_space<vmem_shared>>) attributes {dimension_semantics = [#tpu.dimension_semantics<core_parallel>, #tpu.dimension_semantics<subcore_parallel>], iteration_bounds = array<i64: 1, 16>, scalar_prefetch = 0 : i64, scratch_operands = 28 : i64, tpu.core_type = #tpu.core_type<sc_vector_subcore>, window_params = [{transform_indices = #map}, {transform_indices = #map}, {transform_indices = #map1}, {transform_indices = #map1}, {transform_indices = #map1}, {transform_indices = #map1}, {transform_indices = #map}, {transform_indices = #map1}, {transform_indices = #map1}]} {
    %mul3A = arith.constant 640 : i32
    %mul3A_0 = arith.muli %arg1, %mul3A : i32
    %iota3A = tpu.iota {dimensions = array<i32: 0>} : vector<16xi32>
    %shift_right_logical3A = arith.constant 3 : i32
    %shift_right_logical3A_1 = vector.broadcast %shift_right_logical3A : i32 to vector<16xi32>
    %shift_right_logical3A_2 = arith.shrui %iota3A, %shift_right_logical3A_1 : vector<16xi32>
    %and3A = arith.constant 7 : i32
    %and3A_3 = vector.broadcast %and3A : i32 to vector<16xi32>
    %and3A_4 = arith.andi %iota3A, %and3A_3 : vector<16xi32>
    %shift_right_logical3A_5 = arith.constant 2 : i32
    %shift_right_logical3A_6 = vector.broadcast %shift_right_logical3A_5 : i32 to vector<16xi32>
    %shift_right_logical3A_7 = arith.shrui %iota3A, %shift_right_logical3A_6 : vector<16xi32>
    %and3A_8 = arith.constant 3 : i32
    %and3A_9 = vector.broadcast %and3A_8 : i32 to vector<16xi32>
    %and3A_10 = arith.andi %iota3A, %and3A_9 : vector<16xi32>
    %broadcast_in_dim3A = arith.constant 0.000000e+00 : f32
    %broadcast_in_dim3A_11 = vector.broadcast %broadcast_in_dim3A : f32 to vector<16xf32>
    %broadcast_in_dim3A_12 = arith.constant 0 : i32
    %broadcast_in_dim3A_13 = vector.broadcast %broadcast_in_dim3A_12 : i32 to vector<16xi32>
    %mul3A_14 = arith.constant 20000 : i32
    %mul3A_15 = arith.muli %arg1, %mul3A_14 : i32
    "tpu.region"() ({
      %run_scoped3A = tpu.sem_alloc : memref<!tpu.dma_semaphore, #tpu.memory_space<semaphore_mem>>
      %dma_start3A_262 = tpu.memref_slice %arg2[%mul3A_15] : memref<320000xi32, #tpu.memory_space<hbm>> -> memref<20000xi32, #tpu.memory_space<hbm>>
      %dma_start3A_263 = tpu.memref_slice %arg2[%mul3A_15] : memref<320000xi32, #tpu.memory_space<hbm>> -> memref<20000xi32, #tpu.memory_space<hbm>>
      tpu.enqueue_dma source(%dma_start3A_263 : memref<20000xi32, #tpu.memory_space<hbm>>) target(%arg11 : memref<20000xi32, #tpu.memory_space<vmem>>) target_semaphore(%run_scoped3A : memref<!tpu.dma_semaphore, #tpu.memory_space<semaphore_mem>>)
      %dma_wait3A_264 = tpu.memref_slice %arg2[%mul3A_15] : memref<320000xi32, #tpu.memory_space<hbm>> -> memref<20000xi32, #tpu.memory_space<hbm>>
      %dma_wait3A_265 = tpu.memref_slice %arg2[%mul3A_15] : memref<320000xi32, #tpu.memory_space<hbm>> -> memref<20000xi32, #tpu.memory_space<hbm>>
      tpu.wait_dma2 semaphore(%run_scoped3A : memref<!tpu.dma_semaphore, #tpu.memory_space<semaphore_mem>>) src(%dma_wait3A_265 : memref<20000xi32, #tpu.memory_space<hbm>>) dst(%arg11 : memref<20000xi32, #tpu.memory_space<vmem>>)
      tpu.yield
    }) : () -> ()
    %mul3A_16 = arith.constant 20000 : i32
    %mul3A_17 = arith.muli %arg1, %mul3A_16 : i32
    "tpu.region"() ({
      %run_scoped3A = tpu.sem_alloc : memref<!tpu.dma_semaphore, #tpu.memory_space<semaphore_mem>>
      %dma_start3A_262 = tpu.memref_slice %arg3[%mul3A_17] : memref<320000xi32, #tpu.memory_space<hbm>> -> memref<20000xi32, #tpu.memory_space<hbm>>
      %dma_start3A_263 = tpu.memref_slice %arg3[%mul3A_17] : memref<320000xi32, #tpu.memory_space<hbm>> -> memref<20000xi32, #tpu.memory_space<hbm>>
      tpu.enqueue_dma source(%dma_start3A_263 : memref<20000xi32, #tpu.memory_space<hbm>>) target(%arg12 : memref<20000xi32, #tpu.memory_space<vmem>>) target_semaphore(%run_scoped3A : memref<!tpu.dma_semaphore, #tpu.memory_space<semaphore_mem>>)
      %dma_wait3A_264 = tpu.memref_slice %arg3[%mul3A_17] : memref<320000xi32, #tpu.memory_space<hbm>> -> memref<20000xi32, #tpu.memory_space<hbm>>
      %dma_wait3A_265 = tpu.memref_slice %arg3[%mul3A_17] : memref<320000xi32, #tpu.memory_space<hbm>> -> memref<20000xi32, #tpu.memory_space<hbm>>
      tpu.wait_dma2 semaphore(%run_scoped3A : memref<!tpu.dma_semaphore, #tpu.memory_space<semaphore_mem>>) src(%dma_wait3A_265 : memref<20000xi32, #tpu.memory_space<hbm>>) dst(%arg12 : memref<20000xi32, #tpu.memory_space<vmem>>)
      tpu.yield
    }) : () -> ()
    "tpu.region"() ({
      %run_scoped3A = tpu.sem_alloc : memref<!tpu.dma_semaphore, #tpu.memory_space<semaphore_mem>>
      tpu.enqueue_dma source(%arg8 : memref<64xf32, #tpu.memory_space<hbm>>) target(%arg22 : memref<64xf32, #tpu.memory_space<vmem>>) target_semaphore(%run_scoped3A : memref<!tpu.dma_semaphore, #tpu.memory_space<semaphore_mem>>)
      tpu.wait_dma2 semaphore(%run_scoped3A : memref<!tpu.dma_semaphore, #tpu.memory_space<semaphore_mem>>) src(%arg8 : memref<64xf32, #tpu.memory_space<hbm>>) dst(%arg22 : memref<64xf32, #tpu.memory_space<vmem>>)
      tpu.yield
    }) : () -> ()
    "tpu.region"() ({
      %run_scoped3A = tpu.sem_alloc : memref<!tpu.dma_semaphore, #tpu.memory_space<semaphore_mem>>
      tpu.enqueue_dma source(%arg4 : memref<80x128xi32, #tpu.memory_space<hbm>>) target(%arg13 : memref<80x128xi32, #tpu.memory_space<vmem>>) target_semaphore(%run_scoped3A : memref<!tpu.dma_semaphore, #tpu.memory_space<semaphore_mem>>)
      tpu.wait_dma2 semaphore(%run_scoped3A : memref<!tpu.dma_semaphore, #tpu.memory_space<semaphore_mem>>) src(%arg4 : memref<80x128xi32, #tpu.memory_space<hbm>>) dst(%arg13 : memref<80x128xi32, #tpu.memory_space<vmem>>)
      tpu.yield
    }) : () -> ()
    %scan3A = arith.constant 0 : i32
    %scan3A_18 = arith.constant 0 : i32
    %scan3A_19 = arith.constant 640 : i32
    %scan3A_20 = arith.addi %scan3A_18, %scan3A_19 : i32
    %scan3A_21 = arith.constant 1 : i32
    %scan3A_22 = scf.for %scan3A_262 = %scan3A_18 to %scan3A_20 step %scan3A_21 iter_args(%scan3A_263 = %scan3A) -> (i32)  : i32 {
      %mul3A_264 = arith.constant 16 : i32
      %mul3A_265 = arith.muli %scan3A_262, %mul3A_264 : i32
      %swap3A = arith.index_cast %mul3A_265 : i32 to index
      %swap3A_266 = tpu.vector_load %arg14[%swap3A] {strides = array<i32>} : memref<10240xf32, #tpu.memory_space<vmem>>, vector<16xf32>,
      tpu.vector_store %arg14[%swap3A], %broadcast_in_dim3A_11 {strides = array<i32>} : memref<10240xf32, #tpu.memory_space<vmem>>, vector<16xf32>,
      %scan3A_267 = arith.constant 0 : i32
      scf.yield %scan3A_267 : i32
    }
    %scan3A_23 = arith.constant 640 : i32
    %scan3A_24 = arith.constant 0 : i32
    %scan3A_25 = arith.constant 0 : i32
    %scan3A_26 = arith.constant 1250 : i32
    %scan3A_27 = arith.addi %scan3A_25, %scan3A_26 : i32
    %scan3A_28 = arith.constant 1 : i32
    %scan3A_29 = scf.for %scan3A_262 = %scan3A_25 to %scan3A_27 step %scan3A_28 iter_args(%scan3A_263 = %scan3A_24) -> (i32)  : i32 {
      %mul3A_264 = arith.constant 16 : i32
      %mul3A_265 = arith.muli %scan3A_262, %mul3A_264 : i32
      %get3A = arith.index_cast %mul3A_265 : i32 to index
      %get3A_266 = tpu.vector_load %arg12[%get3A] {strides = array<i32>} : memref<20000xi32, #tpu.memory_space<vmem>>, vector<16xi32>,
      %broadcast_in_dim3A_267 = arith.constant true
      %broadcast_in_dim3A_268 = vector.broadcast %broadcast_in_dim3A_267 : i1 to vector<16xi1>
      %unique3A, %unique3A_269 = tpu.scan_count mask(%broadcast_in_dim3A_268 : vector<16xi1>) value(%get3A_266 : vector<16xi32>) : vector<16xi1>, vector<16xi32>
      %convert_element_type3A = arith.sitofp %unique3A_269 : vector<16xi32> to vector<16xf32>
      tpu.vector_store_idx %arg14[%get3A_266], %convert_element_type3A masked %unique3A {add = true} : memref<10240xf32, #tpu.memory_space<vmem>>[vector<16xi32>], vector<16xf32>, vector<16xi1>
      %scan3A_270 = arith.constant 0 : i32
      scf.yield %scan3A_270 : i32
    }
    %scan3A_30 = arith.constant 1250 : i32
    %mul3A_31 = arith.constant 10240 : i32
    %mul3A_32 = arith.muli %arg1, %mul3A_31 : i32
    "tpu.region"() ({
      %run_scoped3A = tpu.sem_alloc : memref<!tpu.dma_semaphore, #tpu.memory_space<semaphore_mem>>
      %dma_start3A_262 = tpu.memref_slice %arg33[%mul3A_32] : memref<163840xf32, #tpu.memory_space<vmem_shared>> -> memref<10240xf32, #tpu.memory_space<vmem_shared>>
      %dma_start3A_263 = tpu.memref_slice %arg33[%mul3A_32] : memref<163840xf32, #tpu.memory_space<vmem_shared>> -> memref<10240xf32, #tpu.memory_space<vmem_shared>>
      tpu.enqueue_dma source(%arg14 : memref<10240xf32, #tpu.memory_space<vmem>>) target(%dma_start3A_263 : memref<10240xf32, #tpu.memory_space<vmem_shared>>) target_semaphore(%run_scoped3A : memref<!tpu.dma_semaphore, #tpu.memory_space<semaphore_mem>>)
      %dma_wait3A_264 = tpu.memref_slice %arg33[%mul3A_32] : memref<163840xf32, #tpu.memory_space<vmem_shared>> -> memref<10240xf32, #tpu.memory_space<vmem_shared>>
      %dma_wait3A_265 = tpu.memref_slice %arg33[%mul3A_32] : memref<163840xf32, #tpu.memory_space<vmem_shared>> -> memref<10240xf32, #tpu.memory_space<vmem_shared>>
      tpu.wait_dma2 semaphore(%run_scoped3A : memref<!tpu.dma_semaphore, #tpu.memory_space<semaphore_mem>>) src(%arg14 : memref<10240xf32, #tpu.memory_space<vmem>>) dst(%dma_wait3A_265 : memref<10240xf32, #tpu.memory_space<vmem_shared>>)
      tpu.yield
    }) : () -> ()
    %barrier3A = arith.constant 0 : index
    tpu.barrier barrier_id(%barrier3A)
    %scan3A_33 = arith.constant 0 : i32
    %scan3A_34 = arith.constant 0 : i32
    %scan3A_35 = arith.constant 40 : i32
    %scan3A_36 = arith.addi %scan3A_34, %scan3A_35 : i32
    %scan3A_37 = arith.constant 1 : i32
    %scan3A_38 = scf.for %scan3A_262 = %scan3A_34 to %scan3A_36 step %scan3A_37 iter_args(%scan3A_263 = %scan3A_33) -> (i32)  : i32 {
      %mul3A_264 = arith.constant 16 : i32
      %mul3A_265 = arith.muli %scan3A_262, %mul3A_264 : i32
      %swap3A = arith.index_cast %mul3A_265 : i32 to index
      %swap3A_266 = tpu.vector_load %arg16[%swap3A] {strides = array<i32>} : memref<640xf32, #tpu.memory_space<vmem>>, vector<16xf32>,
      tpu.vector_store %arg16[%swap3A], %broadcast_in_dim3A_11 {strides = array<i32>} : memref<640xf32, #tpu.memory_space<vmem>>, vector<16xf32>,
      %scan3A_267 = arith.constant 0 : i32
      scf.yield %scan3A_267 : i32
    }
    %scan3A_39 = arith.constant 40 : i32
    %scan3A_40 = arith.constant 0 : i32
    %scan3A_41 = arith.constant 0 : i32
    %scan3A_42 = arith.constant 16 : i32
    %scan3A_43 = arith.addi %scan3A_41, %scan3A_42 : i32
    %scan3A_44 = arith.constant 1 : i32
    %scan3A_45 = scf.for %scan3A_262 = %scan3A_41 to %scan3A_43 step %scan3A_44 iter_args(%scan3A_263 = %scan3A_40) -> (i32)  : i32 {
      %mul3A_264 = arith.constant 10240 : i32
      %mul3A_265 = arith.muli %scan3A_262, %mul3A_264 : i32
      %add3A_266 = arith.addi %mul3A_265, %mul3A_0 : i32
      "tpu.region"() ({
        %run_scoped3A = tpu.sem_alloc : memref<!tpu.dma_semaphore, #tpu.memory_space<semaphore_mem>>
        %dma_start3A_275 = tpu.memref_slice %arg33[%add3A_266] : memref<163840xf32, #tpu.memory_space<vmem_shared>> -> memref<640xf32, #tpu.memory_space<vmem_shared>>
        %dma_start3A_276 = tpu.memref_slice %arg33[%add3A_266] : memref<163840xf32, #tpu.memory_space<vmem_shared>> -> memref<640xf32, #tpu.memory_space<vmem_shared>>
        tpu.enqueue_dma source(%dma_start3A_276 : memref<640xf32, #tpu.memory_space<vmem_shared>>) target(%arg15 : memref<640xf32, #tpu.memory_space<vmem>>) target_semaphore(%run_scoped3A : memref<!tpu.dma_semaphore, #tpu.memory_space<semaphore_mem>>)
        %dma_wait3A_277 = tpu.memref_slice %arg33[%add3A_266] : memref<163840xf32, #tpu.memory_space<vmem_shared>> -> memref<640xf32, #tpu.memory_space<vmem_shared>>
        %dma_wait3A_278 = tpu.memref_slice %arg33[%add3A_266] : memref<163840xf32, #tpu.memory_space<vmem_shared>> -> memref<640xf32, #tpu.memory_space<vmem_shared>>
        tpu.wait_dma2 semaphore(%run_scoped3A : memref<!tpu.dma_semaphore, #tpu.memory_space<semaphore_mem>>) src(%dma_wait3A_278 : memref<640xf32, #tpu.memory_space<vmem_shared>>) dst(%arg15 : memref<640xf32, #tpu.memory_space<vmem>>)
        tpu.yield
      }) : () -> ()
      %scan3A_267 = arith.constant 0 : i32
      %scan3A_268 = arith.constant 0 : i32
      %scan3A_269 = arith.constant 40 : i32
      %scan3A_270 = arith.addi %scan3A_268, %scan3A_269 : i32
      %scan3A_271 = arith.constant 1 : i32
      %scan3A_272 = scf.for %scan3A_275 = %scan3A_268 to %scan3A_270 step %scan3A_271 iter_args(%scan3A_276 = %scan3A_267) -> (i32)  : i32 {
        %mul3A_277 = arith.constant 16 : i32
        %mul3A_278 = arith.muli %scan3A_275, %mul3A_277 : i32
        %get3A = arith.index_cast %mul3A_278 : i32 to index
        %get3A_279 = tpu.vector_load %arg16[%get3A] {strides = array<i32>} : memref<640xf32, #tpu.memory_space<vmem>>, vector<16xf32>,
        %get3A_280 = arith.index_cast %mul3A_278 : i32 to index
        %get3A_281 = tpu.vector_load %arg15[%get3A_280] {strides = array<i32>} : memref<640xf32, #tpu.memory_space<vmem>>, vector<16xf32>,
        %add3A_282 = arith.addf %get3A_279, %get3A_281 : vector<16xf32>
        %swap3A = arith.index_cast %mul3A_278 : i32 to index
        %swap3A_283 = tpu.vector_load %arg16[%swap3A] {strides = array<i32>} : memref<640xf32, #tpu.memory_space<vmem>>, vector<16xf32>,
        tpu.vector_store %arg16[%swap3A], %add3A_282 {strides = array<i32>} : memref<640xf32, #tpu.memory_space<vmem>>, vector<16xf32>,
        %scan3A_284 = arith.constant 0 : i32
        scf.yield %scan3A_284 : i32
      }
      %scan3A_273 = arith.constant 40 : i32
      %scan3A_274 = arith.constant 0 : i32
      scf.yield %scan3A_274 : i32
    }
    %scan3A_46 = arith.constant 16 : i32
    %scan3A_47 = arith.constant 0 : i32
    %scan3A_48 = arith.constant 0 : i32
    %scan3A_49 = arith.constant 40 : i32
    %scan3A_50 = arith.addi %scan3A_48, %scan3A_49 : i32
    %scan3A_51 = arith.constant 1 : i32
    %scan3A_52 = scf.for %scan3A_262 = %scan3A_48 to %scan3A_50 step %scan3A_51 iter_args(%scan3A_263 = %scan3A_47) -> (i32)  : i32 {
      %mul3A_264 = arith.constant 16 : i32
      %mul3A_265 = arith.muli %scan3A_262, %mul3A_264 : i32
      %get3A = arith.index_cast %mul3A_265 : i32 to index
      %get3A_266 = tpu.vector_load %arg16[%get3A] {strides = array<i32>} : memref<640xf32, #tpu.memory_space<vmem>>, vector<16xf32>,
      %add3A_267 = arith.constant 1.000000e+00 : f32
      %add3A_268 = vector.broadcast %add3A_267 : f32 to vector<16xf32>
      %add3A_269 = arith.addf %get3A_266, %add3A_268 : vector<16xf32>
      %bitcast3A = vector.bitcast %add3A_269 : vector<16xf32> to vector<16xi32>
      %shift_right_arithmetic3A = arith.constant 1 : i32
      %shift_right_arithmetic3A_270 = vector.broadcast %shift_right_arithmetic3A : i32 to vector<16xi32>
      %shift_right_arithmetic3A_271 = arith.shrsi %bitcast3A, %shift_right_arithmetic3A_270 : vector<16xi32>
      %sub3A = arith.constant 1597463007 : i32
      %sub3A_272 = vector.broadcast %sub3A : i32 to vector<16xi32>
      %sub3A_273 = arith.subi %sub3A_272, %shift_right_arithmetic3A_271 : vector<16xi32>
      %bitcast3A_274 = vector.bitcast %sub3A_273 : vector<16xi32> to vector<16xf32>
      %mul3A_275 = arith.constant 5.000000e-01 : f32
      %mul3A_276 = vector.broadcast %mul3A_275 : f32 to vector<16xf32>
      %mul3A_277 = arith.mulf %mul3A_276, %add3A_269 : vector<16xf32>
      %mul3A_278 = arith.mulf %mul3A_277, %bitcast3A_274 : vector<16xf32>
      %mul3A_279 = arith.mulf %mul3A_278, %bitcast3A_274 : vector<16xf32>
      %sub3A_280 = arith.constant 1.500000e+00 : f32
      %sub3A_281 = vector.broadcast %sub3A_280 : f32 to vector<16xf32>
      %sub3A_282 = arith.subf %sub3A_281, %mul3A_279 : vector<16xf32>
      %mul3A_283 = arith.mulf %bitcast3A_274, %sub3A_282 : vector<16xf32>
      %mul3A_284 = arith.constant 5.000000e-01 : f32
      %mul3A_285 = vector.broadcast %mul3A_284 : f32 to vector<16xf32>
      %mul3A_286 = arith.mulf %mul3A_285, %add3A_269 : vector<16xf32>
      %mul3A_287 = arith.mulf %mul3A_286, %mul3A_283 : vector<16xf32>
      %mul3A_288 = arith.mulf %mul3A_287, %mul3A_283 : vector<16xf32>
      %sub3A_289 = arith.constant 1.500000e+00 : f32
      %sub3A_290 = vector.broadcast %sub3A_289 : f32 to vector<16xf32>
      %sub3A_291 = arith.subf %sub3A_290, %mul3A_288 : vector<16xf32>
      %mul3A_292 = arith.mulf %mul3A_283, %sub3A_291 : vector<16xf32>
      %mul3A_293 = arith.constant 5.000000e-01 : f32
      %mul3A_294 = vector.broadcast %mul3A_293 : f32 to vector<16xf32>
      %mul3A_295 = arith.mulf %mul3A_294, %add3A_269 : vector<16xf32>
      %mul3A_296 = arith.mulf %mul3A_295, %mul3A_292 : vector<16xf32>
      %mul3A_297 = arith.mulf %mul3A_296, %mul3A_292 : vector<16xf32>
      %sub3A_298 = arith.constant 1.500000e+00 : f32
      %sub3A_299 = vector.broadcast %sub3A_298 : f32 to vector<16xf32>
      %sub3A_300 = arith.subf %sub3A_299, %mul3A_297 : vector<16xf32>
      %mul3A_301 = arith.mulf %mul3A_292, %sub3A_300 : vector<16xf32>
      %swap3A = arith.index_cast %mul3A_265 : i32 to index
      %swap3A_302 = tpu.vector_load %arg17[%swap3A] {strides = array<i32>} : memref<640xf32, #tpu.memory_space<vmem>>, vector<16xf32>,
      tpu.vector_store %arg17[%swap3A], %mul3A_301 {strides = array<i32>} : memref<640xf32, #tpu.memory_space<vmem>>, vector<16xf32>,
      %scan3A_303 = arith.constant 0 : i32
      scf.yield %scan3A_303 : i32
    }
    %scan3A_53 = arith.constant 40 : i32
    "tpu.region"() ({
      %run_scoped3A = tpu.sem_alloc : memref<!tpu.dma_semaphore, #tpu.memory_space<semaphore_mem>>
      %dma_start3A_262 = tpu.memref_slice %arg32[%mul3A_0] : memref<10240xf32, #tpu.memory_space<vmem_shared>> -> memref<640xf32, #tpu.memory_space<vmem_shared>>
      %dma_start3A_263 = tpu.memref_slice %arg32[%mul3A_0] : memref<10240xf32, #tpu.memory_space<vmem_shared>> -> memref<640xf32, #tpu.memory_space<vmem_shared>>
      tpu.enqueue_dma source(%arg17 : memref<640xf32, #tpu.memory_space<vmem>>) target(%dma_start3A_263 : memref<640xf32, #tpu.memory_space<vmem_shared>>) target_semaphore(%run_scoped3A : memref<!tpu.dma_semaphore, #tpu.memory_space<semaphore_mem>>)
      %dma_wait3A_264 = tpu.memref_slice %arg32[%mul3A_0] : memref<10240xf32, #tpu.memory_space<vmem_shared>> -> memref<640xf32, #tpu.memory_space<vmem_shared>>
      %dma_wait3A_265 = tpu.memref_slice %arg32[%mul3A_0] : memref<10240xf32, #tpu.memory_space<vmem_shared>> -> memref<640xf32, #tpu.memory_space<vmem_shared>>
      tpu.wait_dma2 semaphore(%run_scoped3A : memref<!tpu.dma_semaphore, #tpu.memory_space<semaphore_mem>>) src(%arg17 : memref<640xf32, #tpu.memory_space<vmem>>) dst(%dma_wait3A_265 : memref<640xf32, #tpu.memory_space<vmem_shared>>)
      tpu.yield
    }) : () -> ()
    "tpu.region"() ({
      %run_scoped3A = tpu.sem_alloc : memref<!tpu.dma_semaphore, #tpu.memory_space<semaphore_mem>>
      %dma_start3A_262 = arith.constant 0 : i32
      %dma_start3A_263 = tpu.memref_slice %arg5[%mul3A_0, %dma_start3A_262] : memref<10240x8xf32, #tpu.memory_space<hbm>> -> memref<640x8xf32, #tpu.memory_space<hbm>>
      %dma_start3A_264 = arith.constant 0 : i32
      %dma_start3A_265 = tpu.memref_slice %arg5[%mul3A_0, %dma_start3A_264] : memref<10240x8xf32, #tpu.memory_space<hbm>> -> memref<640x8xf32, #tpu.memory_space<hbm>>
      tpu.enqueue_dma source(%dma_start3A_265 : memref<640x8xf32, #tpu.memory_space<hbm>>) target(%arg18 : memref<640x8xf32, #tpu.memory_space<vmem>>) target_semaphore(%run_scoped3A : memref<!tpu.dma_semaphore, #tpu.memory_space<semaphore_mem>>)
      %dma_wait3A_266 = arith.constant 0 : i32
      %dma_wait3A_267 = tpu.memref_slice %arg5[%mul3A_0, %dma_wait3A_266] : memref<10240x8xf32, #tpu.memory_space<hbm>> -> memref<640x8xf32, #tpu.memory_space<hbm>>
      %dma_wait3A_268 = arith.constant 0 : i32
      %dma_wait3A_269 = tpu.memref_slice %arg5[%mul3A_0, %dma_wait3A_268] : memref<10240x8xf32, #tpu.memory_space<hbm>> -> memref<640x8xf32, #tpu.memory_space<hbm>>
      tpu.wait_dma2 semaphore(%run_scoped3A : memref<!tpu.dma_semaphore, #tpu.memory_space<semaphore_mem>>) src(%dma_wait3A_269 : memref<640x8xf32, #tpu.memory_space<hbm>>) dst(%arg18 : memref<640x8xf32, #tpu.memory_space<vmem>>)
      tpu.yield
    }) : () -> ()
    %scan3A_54 = arith.constant 0 : i32
    %scan3A_55 = arith.constant 0 : i32
    %scan3A_56 = arith.constant 320 : i32
    %scan3A_57 = arith.addi %scan3A_55, %scan3A_56 : i32
    %scan3A_58 = arith.constant 1 : i32
    %scan3A_59 = scf.for %scan3A_262 = %scan3A_55 to %scan3A_57 step %scan3A_58 iter_args(%scan3A_263 = %scan3A_54) -> (i32)  : i32 {
      %mul3A_264 = arith.constant 2 : i32
      %mul3A_265 = arith.muli %mul3A_264, %scan3A_262 : i32
      %add3A_266 = vector.broadcast %mul3A_265 : i32 to vector<16xi32>
      %add3A_267 = arith.addi %shift_right_logical3A_2, %add3A_266 : vector<16xi32>
      %gather3A_268 = tpu.vector_load_idx %arg18[%add3A_267, %and3A_4] : memref<640x8xf32, #tpu.memory_space<vmem>>[vector<16xi32>, vector<16xi32>], vector<16xf32>,
      %gather3A_269 = tpu.vector_load_idx %arg17[%add3A_267] : memref<640xf32, #tpu.memory_space<vmem>>[vector<16xi32>], vector<16xf32>,
      %mul3A_270 = arith.mulf %gather3A_268, %gather3A_269 : vector<16xf32>
      tpu.vector_store_idx %arg18[%add3A_267, %and3A_4], %mul3A_270 : memref<640x8xf32, #tpu.memory_space<vmem>>[vector<16xi32>, vector<16xi32>], vector<16xf32>,
      %scan3A_271 = arith.constant 0 : i32
      scf.yield %scan3A_271 : i32
    }
    %scan3A_60 = arith.constant 320 : i32
    "tpu.region"() ({
      %run_scoped3A = tpu.sem_alloc : memref<!tpu.dma_semaphore, #tpu.memory_space<semaphore_mem>>
      %dma_start3A_262 = arith.constant 0 : i32
      %dma_start3A_263 = tpu.memref_slice %arg34[%mul3A_0, %dma_start3A_262] : memref<10240x8xf32, #tpu.memory_space<vmem_shared>> -> memref<640x8xf32, #tpu.memory_space<vmem_shared>>
      %dma_start3A_264 = arith.constant 0 : i32
      %dma_start3A_265 = tpu.memref_slice %arg34[%mul3A_0, %dma_start3A_264] : memref<10240x8xf32, #tpu.memory_space<vmem_shared>> -> memref<640x8xf32, #tpu.memory_space<vmem_shared>>
      tpu.enqueue_dma source(%arg18 : memref<640x8xf32, #tpu.memory_space<vmem>>) target(%dma_start3A_265 : memref<640x8xf32, #tpu.memory_space<vmem_shared>>) target_semaphore(%run_scoped3A : memref<!tpu.dma_semaphore, #tpu.memory_space<semaphore_mem>>)
      %dma_wait3A_266 = arith.constant 0 : i32
      %dma_wait3A_267 = tpu.memref_slice %arg34[%mul3A_0, %dma_wait3A_266] : memref<10240x8xf32, #tpu.memory_space<vmem_shared>> -> memref<640x8xf32, #tpu.memory_space<vmem_shared>>
      %dma_wait3A_268 = arith.constant 0 : i32
      %dma_wait3A_269 = tpu.memref_slice %arg34[%mul3A_0, %dma_wait3A_268] : memref<10240x8xf32, #tpu.memory_space<vmem_shared>> -> memref<640x8xf32, #tpu.memory_space<vmem_shared>>
      tpu.wait_dma2 semaphore(%run_scoped3A : memref<!tpu.dma_semaphore, #tpu.memory_space<semaphore_mem>>) src(%arg18 : memref<640x8xf32, #tpu.memory_space<vmem>>) dst(%dma_wait3A_269 : memref<640x8xf32, #tpu.memory_space<vmem_shared>>)
      tpu.yield
    }) : () -> ()
    %scan3A_61 = arith.constant 0 : i32
    %scan3A_62 = arith.constant 0 : i32
    %scan3A_63 = arith.constant 320 : i32
    %scan3A_64 = arith.addi %scan3A_62, %scan3A_63 : i32
    %scan3A_65 = arith.constant 1 : i32
    %scan3A_66 = scf.for %scan3A_262 = %scan3A_62 to %scan3A_64 step %scan3A_65 iter_args(%scan3A_263 = %scan3A_61) -> (i32)  : i32 {
      %mul3A_264 = arith.constant 2 : i32
      %mul3A_265 = arith.muli %mul3A_264, %scan3A_262 : i32
      %add3A_266 = vector.broadcast %mul3A_265 : i32 to vector<16xi32>
      %add3A_267 = arith.addi %shift_right_logical3A_2, %add3A_266 : vector<16xi32>
      tpu.vector_store_idx %arg19[%add3A_267, %and3A_4], %broadcast_in_dim3A_11 : memref<640x8xf32, #tpu.memory_space<vmem>>[vector<16xi32>, vector<16xi32>], vector<16xf32>,
      %scan3A_268 = arith.constant 0 : i32
      scf.yield %scan3A_268 : i32
    }
    %scan3A_67 = arith.constant 320 : i32
    "tpu.region"() ({
      %run_scoped3A = tpu.sem_alloc : memref<!tpu.dma_semaphore, #tpu.memory_space<semaphore_mem>>
      %dma_start3A_262 = arith.constant 0 : i32
      %dma_start3A_263 = tpu.memref_slice %arg35[%mul3A_0, %dma_start3A_262] : memref<10240x8xf32, #tpu.memory_space<vmem_shared>> -> memref<640x8xf32, #tpu.memory_space<vmem_shared>>
      %dma_start3A_264 = arith.constant 0 : i32
      %dma_start3A_265 = tpu.memref_slice %arg35[%mul3A_0, %dma_start3A_264] : memref<10240x8xf32, #tpu.memory_space<vmem_shared>> -> memref<640x8xf32, #tpu.memory_space<vmem_shared>>
      tpu.enqueue_dma source(%arg19 : memref<640x8xf32, #tpu.memory_space<vmem>>) target(%dma_start3A_265 : memref<640x8xf32, #tpu.memory_space<vmem_shared>>) target_semaphore(%run_scoped3A : memref<!tpu.dma_semaphore, #tpu.memory_space<semaphore_mem>>)
      %dma_wait3A_266 = arith.constant 0 : i32
      %dma_wait3A_267 = tpu.memref_slice %arg35[%mul3A_0, %dma_wait3A_266] : memref<10240x8xf32, #tpu.memory_space<vmem_shared>> -> memref<640x8xf32, #tpu.memory_space<vmem_shared>>
      %dma_wait3A_268 = arith.constant 0 : i32
      %dma_wait3A_269 = tpu.memref_slice %arg35[%mul3A_0, %dma_wait3A_268] : memref<10240x8xf32, #tpu.memory_space<vmem_shared>> -> memref<640x8xf32, #tpu.memory_space<vmem_shared>>
      tpu.wait_dma2 semaphore(%run_scoped3A : memref<!tpu.dma_semaphore, #tpu.memory_space<semaphore_mem>>) src(%arg19 : memref<640x8xf32, #tpu.memory_space<vmem>>) dst(%dma_wait3A_269 : memref<640x8xf32, #tpu.memory_space<vmem_shared>>)
      tpu.yield
    }) : () -> ()
    "tpu.region"() ({
      %run_scoped3A = tpu.sem_alloc : memref<!tpu.dma_semaphore, #tpu.memory_space<semaphore_mem>>
      %dma_start3A_262 = arith.constant 0 : i32
      %dma_start3A_263 = tpu.memref_slice %arg37[%mul3A_0, %dma_start3A_262] : memref<10240x8xf32, #tpu.memory_space<vmem_shared>> -> memref<640x8xf32, #tpu.memory_space<vmem_shared>>
      %dma_start3A_264 = arith.constant 0 : i32
      %dma_start3A_265 = tpu.memref_slice %arg37[%mul3A_0, %dma_start3A_264] : memref<10240x8xf32, #tpu.memory_space<vmem_shared>> -> memref<640x8xf32, #tpu.memory_space<vmem_shared>>
      tpu.enqueue_dma source(%arg19 : memref<640x8xf32, #tpu.memory_space<vmem>>) target(%dma_start3A_265 : memref<640x8xf32, #tpu.memory_space<vmem_shared>>) target_semaphore(%run_scoped3A : memref<!tpu.dma_semaphore, #tpu.memory_space<semaphore_mem>>)
      %dma_wait3A_266 = arith.constant 0 : i32
      %dma_wait3A_267 = tpu.memref_slice %arg37[%mul3A_0, %dma_wait3A_266] : memref<10240x8xf32, #tpu.memory_space<vmem_shared>> -> memref<640x8xf32, #tpu.memory_space<vmem_shared>>
      %dma_wait3A_268 = arith.constant 0 : i32
      %dma_wait3A_269 = tpu.memref_slice %arg37[%mul3A_0, %dma_wait3A_268] : memref<10240x8xf32, #tpu.memory_space<vmem_shared>> -> memref<640x8xf32, #tpu.memory_space<vmem_shared>>
      tpu.wait_dma2 semaphore(%run_scoped3A : memref<!tpu.dma_semaphore, #tpu.memory_space<semaphore_mem>>) src(%arg19 : memref<640x8xf32, #tpu.memory_space<vmem>>) dst(%dma_wait3A_269 : memref<640x8xf32, #tpu.memory_space<vmem_shared>>)
      tpu.yield
    }) : () -> ()
    %mul3A_68 = arith.constant 72 : i32
    %mul3A_69 = arith.muli %arg1, %mul3A_68 : i32
    "tpu.region"() ({
      %run_scoped3A = tpu.sem_alloc : memref<!tpu.dma_semaphore, #tpu.memory_space<semaphore_mem>>
      %dma_start3A_262 = arith.constant 0 : i32
      %dma_start3A_263 = arith.constant 0 : i32
      %dma_start3A_264 = tpu.memref_slice %arg19[%dma_start3A_262, %dma_start3A_263] : memref<640x8xf32, #tpu.memory_space<vmem>> -> memref<72x8xf32, #tpu.memory_space<vmem>>
      %dma_start3A_265 = arith.constant 0 : i32
      %dma_start3A_266 = tpu.memref_slice %arg38[%mul3A_69, %dma_start3A_265] : memref<1152x8xf32, #tpu.memory_space<vmem_shared>> -> memref<72x8xf32, #tpu.memory_space<vmem_shared>>
      %dma_start3A_267 = arith.constant 0 : i32
      %dma_start3A_268 = tpu.memref_slice %arg38[%mul3A_69, %dma_start3A_267] : memref<1152x8xf32, #tpu.memory_space<vmem_shared>> -> memref<72x8xf32, #tpu.memory_space<vmem_shared>>
      %dma_start3A_269 = arith.constant 0 : i32
      %dma_start3A_270 = arith.constant 0 : i32
      %dma_start3A_271 = tpu.memref_slice %arg19[%dma_start3A_269, %dma_start3A_270] : memref<640x8xf32, #tpu.memory_space<vmem>> -> memref<72x8xf32, #tpu.memory_space<vmem>>
      tpu.enqueue_dma source(%dma_start3A_271 : memref<72x8xf32, #tpu.memory_space<vmem>>) target(%dma_start3A_268 : memref<72x8xf32, #tpu.memory_space<vmem_shared>>) target_semaphore(%run_scoped3A : memref<!tpu.dma_semaphore, #tpu.memory_space<semaphore_mem>>)
      %dma_wait3A_272 = arith.constant 0 : i32
      %dma_wait3A_273 = arith.constant 0 : i32
      %dma_wait3A_274 = tpu.memref_slice %arg19[%dma_wait3A_272, %dma_wait3A_273] : memref<640x8xf32, #tpu.memory_space<vmem>> -> memref<72x8xf32, #tpu.memory_space<vmem>>
      %dma_wait3A_275 = arith.constant 0 : i32
      %dma_wait3A_276 = tpu.memref_slice %arg38[%mul3A_69, %dma_wait3A_275] : memref<1152x8xf32, #tpu.memory_space<vmem_shared>> -> memref<72x8xf32, #tpu.memory_space<vmem_shared>>
      %dma_wait3A_277 = arith.constant 0 : i32
      %dma_wait3A_278 = tpu.memref_slice %arg38[%mul3A_69, %dma_wait3A_277] : memref<1152x8xf32, #tpu.memory_space<vmem_shared>> -> memref<72x8xf32, #tpu.memory_space<vmem_shared>>
      %dma_wait3A_279 = arith.constant 0 : i32
      %dma_wait3A_280 = arith.constant 0 : i32
      %dma_wait3A_281 = tpu.memref_slice %arg19[%dma_wait3A_279, %dma_wait3A_280] : memref<640x8xf32, #tpu.memory_space<vmem>> -> memref<72x8xf32, #tpu.memory_space<vmem>>
      tpu.wait_dma2 semaphore(%run_scoped3A : memref<!tpu.dma_semaphore, #tpu.memory_space<semaphore_mem>>) src(%dma_wait3A_281 : memref<72x8xf32, #tpu.memory_space<vmem>>) dst(%dma_wait3A_278 : memref<72x8xf32, #tpu.memory_space<vmem_shared>>)
      tpu.yield
    }) : () -> ()
    %barrier3A_70 = arith.constant 0 : index
    tpu.barrier barrier_id(%barrier3A_70)
    %dma_start3A = arith.constant 0 : i32
    %dma_start3A_71 = arith.constant 0 : i32
    %dma_start3A_72 = arith.constant 0 : i32
    %dma_start3A_73 = tpu.memref_slice %arg21[%dma_start3A, %dma_start3A_71, %dma_start3A_72] : memref<4x200x8xf32, #tpu.memory_space<vmem>> -> memref<1x200x8xf32, #tpu.memory_space<vmem>>
    %dma_start3A_74 = tpu.memref_squeeze %dma_start3A_73 : memref<1x200x8xf32, #tpu.memory_space<vmem>> -> memref<200x8xf32, #tpu.memory_space<vmem>>
    %dma_start3A_75 = arith.constant 0 : i32
    %dma_start3A_76 = tpu.memref_slice %arg11[%dma_start3A_75] : memref<20000xi32, #tpu.memory_space<vmem>> -> memref<200xi32, #tpu.memory_space<vmem>>
    %dma_start3A_77 = arith.constant 0 : i32
    %dma_start3A_78 = arith.constant 0 : i32
    %dma_start3A_79 = tpu.memref_slice %arg34[%dma_start3A_77, %dma_start3A_78] : memref<10240x8xf32, #tpu.memory_space<vmem_shared>> -> memref<10240x8xf32, #tpu.memory_space<vmem_shared>>
    tpu.enqueue_indirect_dma source(%dma_start3A_79 : memref<10240x8xf32, #tpu.memory_space<vmem_shared>>) target(%dma_start3A_74 : memref<200x8xf32, #tpu.memory_space<vmem>>) offsets(%dma_start3A_76 : memref<200xi32, #tpu.memory_space<vmem>>) semaphore(%arg24 : memref<!tpu.dma_semaphore, #tpu.memory_space<semaphore_mem>>)
    %scan3A_80 = arith.constant 0 : i32
    %scan3A_81 = arith.constant 0 : i32
    %scan3A_82 = arith.constant 25 : i32
    %scan3A_83 = arith.addi %scan3A_81, %scan3A_82 : i32
    %scan3A_84 = arith.constant 1 : i32
    %scan3A_85 = scf.for %scan3A_262 = %scan3A_81 to %scan3A_83 step %scan3A_84 iter_args(%scan3A_263 = %scan3A_80) -> (i32)  : i32 {
      %mul3A_264 = arith.constant 4 : i32
      %mul3A_265 = arith.muli %mul3A_264, %scan3A_262 : i32
      %add3A_266 = arith.constant 0 : i32
      %add3A_267 = arith.addi %mul3A_265, %add3A_266 : i32
      %gt3A = arith.constant 0 : i32
      %gt3A_268 = arith.cmpi sgt, %scan3A_262, %gt3A : i32
      %convert_element_type3A = arith.extui %gt3A_268 : i1 to i32
      %cond3A = arith.constant 0 : i32
      %cond3A_269 = arith.cmpi ne, %convert_element_type3A, %cond3A : i32
      scf.if %cond3A_269 {
        %dma_wait3A_430 = arith.constant 1 : i32
        %dma_wait3A_431 = arith.constant 0 : i32
        %dma_wait3A_432 = arith.constant 0 : i32
        %dma_wait3A_433 = tpu.memref_slice %arg21[%dma_wait3A_430, %dma_wait3A_431, %dma_wait3A_432] : memref<4x200x8xf32, #tpu.memory_space<vmem>> -> memref<1x200x8xf32, #tpu.memory_space<vmem>>
        %dma_wait3A_434 = tpu.memref_squeeze %dma_wait3A_433 : memref<1x200x8xf32, #tpu.memory_space<vmem>> -> memref<200x8xf32, #tpu.memory_space<vmem>>
        %dma_wait3A_435 = arith.constant 0 : i32
        %dma_wait3A_436 = tpu.memref_slice %arg12[%dma_wait3A_435] : memref<20000xi32, #tpu.memory_space<vmem>> -> memref<200xi32, #tpu.memory_space<vmem>>
        %dma_wait3A_437 = arith.constant 0 : i32
        %dma_wait3A_438 = arith.constant 0 : i32
        %dma_wait3A_439 = tpu.memref_slice %arg35[%dma_wait3A_437, %dma_wait3A_438] : memref<10240x8xf32, #tpu.memory_space<vmem_shared>> -> memref<10240x8xf32, #tpu.memory_space<vmem_shared>>
        tpu.wait_indirect_dma semaphore(%arg29 : memref<!tpu.dma_semaphore, #tpu.memory_space<semaphore_mem>>) src(%dma_wait3A_434 : memref<200x8xf32, #tpu.memory_space<vmem>>) dst(%dma_wait3A_439 : memref<10240x8xf32, #tpu.memory_space<vmem_shared>>)
      } else {
      }
      %add3A_270 = arith.constant 1 : i32
      %add3A_271 = arith.addi %add3A_267, %add3A_270 : i32
      %mul3A_272 = arith.constant 200 : i32
      %mul3A_273 = arith.muli %add3A_271, %mul3A_272 : i32
      %dma_start3A_274 = arith.constant 1 : i32
      %dma_start3A_275 = arith.constant 0 : i32
      %dma_start3A_276 = arith.constant 0 : i32
      %dma_start3A_277 = tpu.memref_slice %arg21[%dma_start3A_274, %dma_start3A_275, %dma_start3A_276] : memref<4x200x8xf32, #tpu.memory_space<vmem>> -> memref<1x200x8xf32, #tpu.memory_space<vmem>>
      %dma_start3A_278 = tpu.memref_squeeze %dma_start3A_277 : memref<1x200x8xf32, #tpu.memory_space<vmem>> -> memref<200x8xf32, #tpu.memory_space<vmem>>
      %dma_start3A_279 = tpu.memref_slice %arg11[%mul3A_273] : memref<20000xi32, #tpu.memory_space<vmem>> -> memref<200xi32, #tpu.memory_space<vmem>>
      %dma_start3A_280 = arith.constant 0 : i32
      %dma_start3A_281 = arith.constant 0 : i32
      %dma_start3A_282 = tpu.memref_slice %arg34[%dma_start3A_280, %dma_start3A_281] : memref<10240x8xf32, #tpu.memory_space<vmem_shared>> -> memref<10240x8xf32, #tpu.memory_space<vmem_shared>>
      tpu.enqueue_indirect_dma source(%dma_start3A_282 : memref<10240x8xf32, #tpu.memory_space<vmem_shared>>) target(%dma_start3A_278 : memref<200x8xf32, #tpu.memory_space<vmem>>) offsets(%dma_start3A_279 : memref<200xi32, #tpu.memory_space<vmem>>) semaphore(%arg25 : memref<!tpu.dma_semaphore, #tpu.memory_space<semaphore_mem>>)
      %dma_wait3A_283 = arith.constant 0 : i32
      %dma_wait3A_284 = arith.constant 0 : i32
      %dma_wait3A_285 = arith.constant 0 : i32
      %dma_wait3A_286 = tpu.memref_slice %arg21[%dma_wait3A_283, %dma_wait3A_284, %dma_wait3A_285] : memref<4x200x8xf32, #tpu.memory_space<vmem>> -> memref<1x200x8xf32, #tpu.memory_space<vmem>>
      %dma_wait3A_287 = tpu.memref_squeeze %dma_wait3A_286 : memref<1x200x8xf32, #tpu.memory_space<vmem>> -> memref<200x8xf32, #tpu.memory_space<vmem>>
      %dma_wait3A_288 = arith.constant 0 : i32
      %dma_wait3A_289 = tpu.memref_slice %arg11[%dma_wait3A_288] : memref<20000xi32, #tpu.memory_space<vmem>> -> memref<200xi32, #tpu.memory_space<vmem>>
      %dma_wait3A_290 = arith.constant 0 : i32
      %dma_wait3A_291 = arith.constant 0 : i32
      %dma_wait3A_292 = tpu.memref_slice %arg34[%dma_wait3A_290, %dma_wait3A_291] : memref<10240x8xf32, #tpu.memory_space<vmem_shared>> -> memref<10240x8xf32, #tpu.memory_space<vmem_shared>>
      tpu.wait_indirect_dma semaphore(%arg24 : memref<!tpu.dma_semaphore, #tpu.memory_space<semaphore_mem>>) src(%dma_wait3A_292 : memref<10240x8xf32, #tpu.memory_space<vmem_shared>>) dst(%dma_wait3A_287 : memref<200x8xf32, #tpu.memory_space<vmem>>)
      %mul3A_293 = arith.constant 200 : i32
      %mul3A_294 = arith.muli %add3A_267, %mul3A_293 : i32
      %dma_start3A_295 = arith.constant 0 : i32
      %dma_start3A_296 = arith.constant 0 : i32
      %dma_start3A_297 = arith.constant 0 : i32
      %dma_start3A_298 = tpu.memref_slice %arg21[%dma_start3A_295, %dma_start3A_296, %dma_start3A_297] : memref<4x200x8xf32, #tpu.memory_space<vmem>> -> memref<1x200x8xf32, #tpu.memory_space<vmem>>
      %dma_start3A_299 = tpu.memref_squeeze %dma_start3A_298 : memref<1x200x8xf32, #tpu.memory_space<vmem>> -> memref<200x8xf32, #tpu.memory_space<vmem>>
      %dma_start3A_300 = tpu.memref_slice %arg12[%mul3A_294] : memref<20000xi32, #tpu.memory_space<vmem>> -> memref<200xi32, #tpu.memory_space<vmem>>
      %dma_start3A_301 = arith.constant 0 : i32
      %dma_start3A_302 = arith.constant 0 : i32
      %dma_start3A_303 = tpu.memref_slice %arg35[%dma_start3A_301, %dma_start3A_302] : memref<10240x8xf32, #tpu.memory_space<vmem_shared>> -> memref<10240x8xf32, #tpu.memory_space<vmem_shared>>
      tpu.enqueue_indirect_dma source(%dma_start3A_299 : memref<200x8xf32, #tpu.memory_space<vmem>>) target(%dma_start3A_303 : memref<10240x8xf32, #tpu.memory_space<vmem_shared>>) offsets(%dma_start3A_300 : memref<200xi32, #tpu.memory_space<vmem>>) semaphore(%arg28 : memref<!tpu.dma_semaphore, #tpu.memory_space<semaphore_mem>>) {add = true}
      %mul3A_304 = arith.constant 4 : i32
      %mul3A_305 = arith.muli %mul3A_304, %scan3A_262 : i32
      %add3A_306 = arith.constant 1 : i32
      %add3A_307 = arith.addi %mul3A_305, %add3A_306 : i32
      %gt3A_308 = arith.constant 0 : i32
      %gt3A_309 = arith.cmpi sgt, %scan3A_262, %gt3A_308 : i32
      %convert_element_type3A_310 = arith.extui %gt3A_309 : i1 to i32
      %cond3A_311 = arith.constant 0 : i32
      %cond3A_312 = arith.cmpi ne, %convert_element_type3A_310, %cond3A_311 : i32
      scf.if %cond3A_312 {
        %dma_wait3A_430 = arith.constant 2 : i32
        %dma_wait3A_431 = arith.constant 0 : i32
        %dma_wait3A_432 = arith.constant 0 : i32
        %dma_wait3A_433 = tpu.memref_slice %arg21[%dma_wait3A_430, %dma_wait3A_431, %dma_wait3A_432] : memref<4x200x8xf32, #tpu.memory_space<vmem>> -> memref<1x200x8xf32, #tpu.memory_space<vmem>>
        %dma_wait3A_434 = tpu.memref_squeeze %dma_wait3A_433 : memref<1x200x8xf32, #tpu.memory_space<vmem>> -> memref<200x8xf32, #tpu.memory_space<vmem>>
        %dma_wait3A_435 = arith.constant 0 : i32
        %dma_wait3A_436 = tpu.memref_slice %arg12[%dma_wait3A_435] : memref<20000xi32, #tpu.memory_space<vmem>> -> memref<200xi32, #tpu.memory_space<vmem>>
        %dma_wait3A_437 = arith.constant 0 : i32
        %dma_wait3A_438 = arith.constant 0 : i32
        %dma_wait3A_439 = tpu.memref_slice %arg35[%dma_wait3A_437, %dma_wait3A_438] : memref<10240x8xf32, #tpu.memory_space<vmem_shared>> -> memref<10240x8xf32, #tpu.memory_space<vmem_shared>>
        tpu.wait_indirect_dma semaphore(%arg30 : memref<!tpu.dma_semaphore, #tpu.memory_space<semaphore_mem>>) src(%dma_wait3A_434 : memref<200x8xf32, #tpu.memory_space<vmem>>) dst(%dma_wait3A_439 : memref<10240x8xf32, #tpu.memory_space<vmem_shared>>)
      } else {
      }
      %add3A_313 = arith.constant 1 : i32
      %add3A_314 = arith.addi %add3A_307, %add3A_313 : i32
      %mul3A_315 = arith.constant 200 : i32
      %mul3A_316 = arith.muli %add3A_314, %mul3A_315 : i32
      %dma_start3A_317 = arith.constant 2 : i32
      %dma_start3A_318 = arith.constant 0 : i32
      %dma_start3A_319 = arith.constant 0 : i32
      %dma_start3A_320 = tpu.memref_slice %arg21[%dma_start3A_317, %dma_start3A_318, %dma_start3A_319] : memref<4x200x8xf32, #tpu.memory_space<vmem>> -> memref<1x200x8xf32, #tpu.memory_space<vmem>>
      %dma_start3A_321 = tpu.memref_squeeze %dma_start3A_320 : memref<1x200x8xf32, #tpu.memory_space<vmem>> -> memref<200x8xf32, #tpu.memory_space<vmem>>
      %dma_start3A_322 = tpu.memref_slice %arg11[%mul3A_316] : memref<20000xi32, #tpu.memory_space<vmem>> -> memref<200xi32, #tpu.memory_space<vmem>>
      %dma_start3A_323 = arith.constant 0 : i32
      %dma_start3A_324 = arith.constant 0 : i32
      %dma_start3A_325 = tpu.memref_slice %arg34[%dma_start3A_323, %dma_start3A_324] : memref<10240x8xf32, #tpu.memory_space<vmem_shared>> -> memref<10240x8xf32, #tpu.memory_space<vmem_shared>>
      tpu.enqueue_indirect_dma source(%dma_start3A_325 : memref<10240x8xf32, #tpu.memory_space<vmem_shared>>) target(%dma_start3A_321 : memref<200x8xf32, #tpu.memory_space<vmem>>) offsets(%dma_start3A_322 : memref<200xi32, #tpu.memory_space<vmem>>) semaphore(%arg26 : memref<!tpu.dma_semaphore, #tpu.memory_space<semaphore_mem>>)
      %dma_wait3A_326 = arith.constant 1 : i32
      %dma_wait3A_327 = arith.constant 0 : i32
      %dma_wait3A_328 = arith.constant 0 : i32
      %dma_wait3A_329 = tpu.memref_slice %arg21[%dma_wait3A_326, %dma_wait3A_327, %dma_wait3A_328] : memref<4x200x8xf32, #tpu.memory_space<vmem>> -> memref<1x200x8xf32, #tpu.memory_space<vmem>>
      %dma_wait3A_330 = tpu.memref_squeeze %dma_wait3A_329 : memref<1x200x8xf32, #tpu.memory_space<vmem>> -> memref<200x8xf32, #tpu.memory_space<vmem>>
      %dma_wait3A_331 = arith.constant 0 : i32
      %dma_wait3A_332 = tpu.memref_slice %arg11[%dma_wait3A_331] : memref<20000xi32, #tpu.memory_space<vmem>> -> memref<200xi32, #tpu.memory_space<vmem>>
      %dma_wait3A_333 = arith.constant 0 : i32
      %dma_wait3A_334 = arith.constant 0 : i32
      %dma_wait3A_335 = tpu.memref_slice %arg34[%dma_wait3A_333, %dma_wait3A_334] : memref<10240x8xf32, #tpu.memory_space<vmem_shared>> -> memref<10240x8xf32, #tpu.memory_space<vmem_shared>>
      tpu.wait_indirect_dma semaphore(%arg25 : memref<!tpu.dma_semaphore, #tpu.memory_space<semaphore_mem>>) src(%dma_wait3A_335 : memref<10240x8xf32, #tpu.memory_space<vmem_shared>>) dst(%dma_wait3A_330 : memref<200x8xf32, #tpu.memory_space<vmem>>)
      %mul3A_336 = arith.constant 200 : i32
      %mul3A_337 = arith.muli %add3A_307, %mul3A_336 : i32
      %dma_start3A_338 = arith.constant 1 : i32
      %dma_start3A_339 = arith.constant 0 : i32
      %dma_start3A_340 = arith.constant 0 : i32
      %dma_start3A_341 = tpu.memref_slice %arg21[%dma_start3A_338, %dma_start3A_339, %dma_start3A_340] : memref<4x200x8xf32, #tpu.memory_space<vmem>> -> memref<1x200x8xf32, #tpu.memory_space<vmem>>
      %dma_start3A_342 = tpu.memref_squeeze %dma_start3A_341 : memref<1x200x8xf32, #tpu.memory_space<vmem>> -> memref<200x8xf32, #tpu.memory_space<vmem>>
      %dma_start3A_343 = tpu.memref_slice %arg12[%mul3A_337] : memref<20000xi32, #tpu.memory_space<vmem>> -> memref<200xi32, #tpu.memory_space<vmem>>
      %dma_start3A_344 = arith.constant 0 : i32
      %dma_start3A_345 = arith.constant 0 : i32
      %dma_start3A_346 = tpu.memref_slice %arg35[%dma_start3A_344, %dma_start3A_345] : memref<10240x8xf32, #tpu.memory_space<vmem_shared>> -> memref<10240x8xf32, #tpu.memory_space<vmem_shared>>
      tpu.enqueue_indirect_dma source(%dma_start3A_342 : memref<200x8xf32, #tpu.memory_space<vmem>>) target(%dma_start3A_346 : memref<10240x8xf32, #tpu.memory_space<vmem_shared>>) offsets(%dma_start3A_343 : memref<200xi32, #tpu.memory_space<vmem>>) semaphore(%arg29 : memref<!tpu.dma_semaphore, #tpu.memory_space<semaphore_mem>>) {add = true}
      %mul3A_347 = arith.constant 4 : i32
      %mul3A_348 = arith.muli %mul3A_347, %scan3A_262 : i32
      %add3A_349 = arith.constant 2 : i32
      %add3A_350 = arith.addi %mul3A_348, %add3A_349 : i32
      %gt3A_351 = arith.constant 0 : i32
      %gt3A_352 = arith.cmpi sgt, %scan3A_262, %gt3A_351 : i32
      %convert_element_type3A_353 = arith.extui %gt3A_352 : i1 to i32
      %cond3A_354 = arith.constant 0 : i32
      %cond3A_355 = arith.cmpi ne, %convert_element_type3A_353, %cond3A_354 : i32
      scf.if %cond3A_355 {
        %dma_wait3A_430 = arith.constant 3 : i32
        %dma_wait3A_431 = arith.constant 0 : i32
        %dma_wait3A_432 = arith.constant 0 : i32
        %dma_wait3A_433 = tpu.memref_slice %arg21[%dma_wait3A_430, %dma_wait3A_431, %dma_wait3A_432] : memref<4x200x8xf32, #tpu.memory_space<vmem>> -> memref<1x200x8xf32, #tpu.memory_space<vmem>>
        %dma_wait3A_434 = tpu.memref_squeeze %dma_wait3A_433 : memref<1x200x8xf32, #tpu.memory_space<vmem>> -> memref<200x8xf32, #tpu.memory_space<vmem>>
        %dma_wait3A_435 = arith.constant 0 : i32
        %dma_wait3A_436 = tpu.memref_slice %arg12[%dma_wait3A_435] : memref<20000xi32, #tpu.memory_space<vmem>> -> memref<200xi32, #tpu.memory_space<vmem>>
        %dma_wait3A_437 = arith.constant 0 : i32
        %dma_wait3A_438 = arith.constant 0 : i32
        %dma_wait3A_439 = tpu.memref_slice %arg35[%dma_wait3A_437, %dma_wait3A_438] : memref<10240x8xf32, #tpu.memory_space<vmem_shared>> -> memref<10240x8xf32, #tpu.memory_space<vmem_shared>>
        tpu.wait_indirect_dma semaphore(%arg31 : memref<!tpu.dma_semaphore, #tpu.memory_space<semaphore_mem>>) src(%dma_wait3A_434 : memref<200x8xf32, #tpu.memory_space<vmem>>) dst(%dma_wait3A_439 : memref<10240x8xf32, #tpu.memory_space<vmem_shared>>)
      } else {
      }
      %add3A_356 = arith.constant 1 : i32
      %add3A_357 = arith.addi %add3A_350, %add3A_356 : i32
      %mul3A_358 = arith.constant 200 : i32
      %mul3A_359 = arith.muli %add3A_357, %mul3A_358 : i32
      %dma_start3A_360 = arith.constant 3 : i32
      %dma_start3A_361 = arith.constant 0 : i32
      %dma_start3A_362 = arith.constant 0 : i32
      %dma_start3A_363 = tpu.memref_slice %arg21[%dma_start3A_360, %dma_start3A_361, %dma_start3A_362] : memref<4x200x8xf32, #tpu.memory_space<vmem>> -> memref<1x200x8xf32, #tpu.memory_space<vmem>>
      %dma_start3A_364 = tpu.memref_squeeze %dma_start3A_363 : memref<1x200x8xf32, #tpu.memory_space<vmem>> -> memref<200x8xf32, #tpu.memory_space<vmem>>
      %dma_start3A_365 = tpu.memref_slice %arg11[%mul3A_359] : memref<20000xi32, #tpu.memory_space<vmem>> -> memref<200xi32, #tpu.memory_space<vmem>>
      %dma_start3A_366 = arith.constant 0 : i32
      %dma_start3A_367 = arith.constant 0 : i32
      %dma_start3A_368 = tpu.memref_slice %arg34[%dma_start3A_366, %dma_start3A_367] : memref<10240x8xf32, #tpu.memory_space<vmem_shared>> -> memref<10240x8xf32, #tpu.memory_space<vmem_shared>>
      tpu.enqueue_indirect_dma source(%dma_start3A_368 : memref<10240x8xf32, #tpu.memory_space<vmem_shared>>) target(%dma_start3A_364 : memref<200x8xf32, #tpu.memory_space<vmem>>) offsets(%dma_start3A_365 : memref<200xi32, #tpu.memory_space<vmem>>) semaphore(%arg27 : memref<!tpu.dma_semaphore, #tpu.memory_space<semaphore_mem>>)
      %dma_wait3A_369 = arith.constant 2 : i32
      %dma_wait3A_370 = arith.constant 0 : i32
      %dma_wait3A_371 = arith.constant 0 : i32
      %dma_wait3A_372 = tpu.memref_slice %arg21[%dma_wait3A_369, %dma_wait3A_370, %dma_wait3A_371] : memref<4x200x8xf32, #tpu.memory_space<vmem>> -> memref<1x200x8xf32, #tpu.memory_space<vmem>>
      %dma_wait3A_373 = tpu.memref_squeeze %dma_wait3A_372 : memref<1x200x8xf32, #tpu.memory_space<vmem>> -> memref<200x8xf32, #tpu.memory_space<vmem>>
      %dma_wait3A_374 = arith.constant 0 : i32
      %dma_wait3A_375 = tpu.memref_slice %arg11[%dma_wait3A_374] : memref<20000xi32, #tpu.memory_space<vmem>> -> memref<200xi32, #tpu.memory_space<vmem>>
      %dma_wait3A_376 = arith.constant 0 : i32
      %dma_wait3A_377 = arith.constant 0 : i32
      %dma_wait3A_378 = tpu.memref_slice %arg34[%dma_wait3A_376, %dma_wait3A_377] : memref<10240x8xf32, #tpu.memory_space<vmem_shared>> -> memref<10240x8xf32, #tpu.memory_space<vmem_shared>>
      tpu.wait_indirect_dma semaphore(%arg26 : memref<!tpu.dma_semaphore, #tpu.memory_space<semaphore_mem>>) src(%dma_wait3A_378 : memref<10240x8xf32, #tpu.memory_space<vmem_shared>>) dst(%dma_wait3A_373 : memref<200x8xf32, #tpu.memory_space<vmem>>)
      %mul3A_379 = arith.constant 200 : i32
      %mul3A_380 = arith.muli %add3A_350, %mul3A_379 : i32
      %dma_start3A_381 = arith.constant 2 : i32
      %dma_start3A_382 = arith.constant 0 : i32
      %dma_start3A_383 = arith.constant 0 : i32
      %dma_start3A_384 = tpu.memref_slice %arg21[%dma_start3A_381, %dma_start3A_382, %dma_start3A_383] : memref<4x200x8xf32, #tpu.memory_space<vmem>> -> memref<1x200x8xf32, #tpu.memory_space<vmem>>
      %dma_start3A_385 = tpu.memref_squeeze %dma_start3A_384 : memref<1x200x8xf32, #tpu.memory_space<vmem>> -> memref<200x8xf32, #tpu.memory_space<vmem>>
      %dma_start3A_386 = tpu.memref_slice %arg12[%mul3A_380] : memref<20000xi32, #tpu.memory_space<vmem>> -> memref<200xi32, #tpu.memory_space<vmem>>
      %dma_start3A_387 = arith.constant 0 : i32
      %dma_start3A_388 = arith.constant 0 : i32
      %dma_start3A_389 = tpu.memref_slice %arg35[%dma_start3A_387, %dma_start3A_388] : memref<10240x8xf32, #tpu.memory_space<vmem_shared>> -> memref<10240x8xf32, #tpu.memory_space<vmem_shared>>
      tpu.enqueue_indirect_dma source(%dma_start3A_385 : memref<200x8xf32, #tpu.memory_space<vmem>>) target(%dma_start3A_389 : memref<10240x8xf32, #tpu.memory_space<vmem_shared>>) offsets(%dma_start3A_386 : memref<200xi32, #tpu.memory_space<vmem>>) semaphore(%arg30 : memref<!tpu.dma_semaphore, #tpu.memory_space<semaphore_mem>>) {add = true}
      %mul3A_390 = arith.constant 4 : i32
      %mul3A_391 = arith.muli %mul3A_390, %scan3A_262 : i32
      %add3A_392 = arith.constant 3 : i32
      %add3A_393 = arith.addi %mul3A_391, %add3A_392 : i32
      %dma_wait3A_394 = arith.constant 0 : i32
      %dma_wait3A_395 = arith.constant 0 : i32
      %dma_wait3A_396 = arith.constant 0 : i32
      %dma_wait3A_397 = tpu.memref_slice %arg21[%dma_wait3A_394, %dma_wait3A_395, %dma_wait3A_396] : memref<4x200x8xf32, #tpu.memory_space<vmem>> -> memref<1x200x8xf32, #tpu.memory_space<vmem>>
      %dma_wait3A_398 = tpu.memref_squeeze %dma_wait3A_397 : memref<1x200x8xf32, #tpu.memory_space<vmem>> -> memref<200x8xf32, #tpu.memory_space<vmem>>
      %dma_wait3A_399 = arith.constant 0 : i32
      %dma_wait3A_400 = tpu.memref_slice %arg12[%dma_wait3A_399] : memref<20000xi32, #tpu.memory_space<vmem>> -> memref<200xi32, #tpu.memory_space<vmem>>
      %dma_wait3A_401 = arith.constant 0 : i32
      %dma_wait3A_402 = arith.constant 0 : i32
      %dma_wait3A_403 = tpu.memref_slice %arg35[%dma_wait3A_401, %dma_wait3A_402] : memref<10240x8xf32, #tpu.memory_space<vmem_shared>> -> memref<10240x8xf32, #tpu.memory_space<vmem_shared>>
      tpu.wait_indirect_dma semaphore(%arg28 : memref<!tpu.dma_semaphore, #tpu.memory_space<semaphore_mem>>) src(%dma_wait3A_398 : memref<200x8xf32, #tpu.memory_space<vmem>>) dst(%dma_wait3A_403 : memref<10240x8xf32, #tpu.memory_space<vmem_shared>>)
      %lt3A = arith.constant 24 : i32
      %lt3A_404 = arith.cmpi slt, %scan3A_262, %lt3A : i32
      %convert_element_type3A_405 = arith.extui %lt3A_404 : i1 to i32
      %cond3A_406 = arith.constant 0 : i32
      %cond3A_407 = arith.cmpi ne, %convert_element_type3A_405, %cond3A_406 : i32
      scf.if %cond3A_407 {
        %add3A_430 = arith.constant 1 : i32
        %add3A_431 = arith.addi %add3A_393, %add3A_430 : i32
        %mul3A_432 = arith.constant 200 : i32
        %mul3A_433 = arith.muli %add3A_431, %mul3A_432 : i32
        %dma_start3A_434 = arith.constant 0 : i32
        %dma_start3A_435 = arith.constant 0 : i32
        %dma_start3A_436 = arith.constant 0 : i32
        %dma_start3A_437 = tpu.memref_slice %arg21[%dma_start3A_434, %dma_start3A_435, %dma_start3A_436] : memref<4x200x8xf32, #tpu.memory_space<vmem>> -> memref<1x200x8xf32, #tpu.memory_space<vmem>>
        %dma_start3A_438 = tpu.memref_squeeze %dma_start3A_437 : memref<1x200x8xf32, #tpu.memory_space<vmem>> -> memref<200x8xf32, #tpu.memory_space<vmem>>
        %dma_start3A_439 = tpu.memref_slice %arg11[%mul3A_433] : memref<20000xi32, #tpu.memory_space<vmem>> -> memref<200xi32, #tpu.memory_space<vmem>>
        %dma_start3A_440 = arith.constant 0 : i32
        %dma_start3A_441 = arith.constant 0 : i32
        %dma_start3A_442 = tpu.memref_slice %arg34[%dma_start3A_440, %dma_start3A_441] : memref<10240x8xf32, #tpu.memory_space<vmem_shared>> -> memref<10240x8xf32, #tpu.memory_space<vmem_shared>>
        tpu.enqueue_indirect_dma source(%dma_start3A_442 : memref<10240x8xf32, #tpu.memory_space<vmem_shared>>) target(%dma_start3A_438 : memref<200x8xf32, #tpu.memory_space<vmem>>) offsets(%dma_start3A_439 : memref<200xi32, #tpu.memory_space<vmem>>) semaphore(%arg24 : memref<!tpu.dma_semaphore, #tpu.memory_space<semaphore_mem>>)
      } else {
      }
      %dma_wait3A_408 = arith.constant 3 : i32
      %dma_wait3A_409 = arith.constant 0 : i32
      %dma_wait3A_410 = arith.constant 0 : i32
      %dma_wait3A_411 = tpu.memref_slice %arg21[%dma_wait3A_408, %dma_wait3A_409, %dma_wait3A_410] : memref<4x200x8xf32, #tpu.memory_space<vmem>> -> memref<1x200x8xf32, #tpu.memory_space<vmem>>
      %dma_wait3A_412 = tpu.memref_squeeze %dma_wait3A_411 : memref<1x200x8xf32, #tpu.memory_space<vmem>> -> memref<200x8xf32, #tpu.memory_space<vmem>>
      %dma_wait3A_413 = arith.constant 0 : i32
      %dma_wait3A_414 = tpu.memref_slice %arg11[%dma_wait3A_413] : memref<20000xi32, #tpu.memory_space<vmem>> -> memref<200xi32, #tpu.memory_space<vmem>>
      %dma_wait3A_415 = arith.constant 0 : i32
      %dma_wait3A_416 = arith.constant 0 : i32
      %dma_wait3A_417 = tpu.memref_slice %arg34[%dma_wait3A_415, %dma_wait3A_416] : memref<10240x8xf32, #tpu.memory_space<vmem_shared>> -> memref<10240x8xf32, #tpu.memory_space<vmem_shared>>
      tpu.wait_indirect_dma semaphore(%arg27 : memref<!tpu.dma_semaphore, #tpu.memory_space<semaphore_mem>>) src(%dma_wait3A_417 : memref<10240x8xf32, #tpu.memory_space<vmem_shared>>) dst(%dma_wait3A_412 : memref<200x8xf32, #tpu.memory_space<vmem>>)
      %mul3A_418 = arith.constant 200 : i32
      %mul3A_419 = arith.muli %add3A_393, %mul3A_418 : i32
      %dma_start3A_420 = arith.constant 3 : i32
      %dma_start3A_421 = arith.constant 0 : i32
      %dma_start3A_422 = arith.constant 0 : i32
      %dma_start3A_423 = tpu.memref_slice %arg21[%dma_start3A_420, %dma_start3A_421, %dma_start3A_422] : memref<4x200x8xf32, #tpu.memory_space<vmem>> -> memref<1x200x8xf32, #tpu.memory_space<vmem>>
      %dma_start3A_424 = tpu.memref_squeeze %dma_start3A_423 : memref<1x200x8xf32, #tpu.memory_space<vmem>> -> memref<200x8xf32, #tpu.memory_space<vmem>>
      %dma_start3A_425 = tpu.memref_slice %arg12[%mul3A_419] : memref<20000xi32, #tpu.memory_space<vmem>> -> memref<200xi32, #tpu.memory_space<vmem>>
      %dma_start3A_426 = arith.constant 0 : i32
      %dma_start3A_427 = arith.constant 0 : i32
      %dma_start3A_428 = tpu.memref_slice %arg35[%dma_start3A_426, %dma_start3A_427] : memref<10240x8xf32, #tpu.memory_space<vmem_shared>> -> memref<10240x8xf32, #tpu.memory_space<vmem_shared>>
      tpu.enqueue_indirect_dma source(%dma_start3A_424 : memref<200x8xf32, #tpu.memory_space<vmem>>) target(%dma_start3A_428 : memref<10240x8xf32, #tpu.memory_space<vmem_shared>>) offsets(%dma_start3A_425 : memref<200xi32, #tpu.memory_space<vmem>>) semaphore(%arg31 : memref<!tpu.dma_semaphore, #tpu.memory_space<semaphore_mem>>) {add = true}
      %scan3A_429 = arith.constant 0 : i32
      scf.yield %scan3A_429 : i32
    }
    %scan3A_86 = arith.constant 25 : i32
    %dma_wait3A = arith.constant 1 : i32
    %dma_wait3A_87 = arith.constant 0 : i32
    %dma_wait3A_88 = arith.constant 0 : i32
    %dma_wait3A_89 = tpu.memref_slice %arg21[%dma_wait3A, %dma_wait3A_87, %dma_wait3A_88] : memref<4x200x8xf32, #tpu.memory_space<vmem>> -> memref<1x200x8xf32, #tpu.memory_space<vmem>>
    %dma_wait3A_90 = tpu.memref_squeeze %dma_wait3A_89 : memref<1x200x8xf32, #tpu.memory_space<vmem>> -> memref<200x8xf32, #tpu.memory_space<vmem>>
    %dma_wait3A_91 = arith.constant 0 : i32
    %dma_wait3A_92 = tpu.memref_slice %arg12[%dma_wait3A_91] : memref<20000xi32, #tpu.memory_space<vmem>> -> memref<200xi32, #tpu.memory_space<vmem>>
    %dma_wait3A_93 = arith.constant 0 : i32
    %dma_wait3A_94 = arith.constant 0 : i32
    %dma_wait3A_95 = tpu.memref_slice %arg35[%dma_wait3A_93, %dma_wait3A_94] : memref<10240x8xf32, #tpu.memory_space<vmem_shared>> -> memref<10240x8xf32, #tpu.memory_space<vmem_shared>>
    tpu.wait_indirect_dma semaphore(%arg29 : memref<!tpu.dma_semaphore, #tpu.memory_space<semaphore_mem>>) src(%dma_wait3A_90 : memref<200x8xf32, #tpu.memory_space<vmem>>) dst(%dma_wait3A_95 : memref<10240x8xf32, #tpu.memory_space<vmem_shared>>)
    %dma_wait3A_96 = arith.constant 2 : i32
    %dma_wait3A_97 = arith.constant 0 : i32
    %dma_wait3A_98 = arith.constant 0 : i32
    %dma_wait3A_99 = tpu.memref_slice %arg21[%dma_wait3A_96, %dma_wait3A_97, %dma_wait3A_98] : memref<4x200x8xf32, #tpu.memory_space<vmem>> -> memref<1x200x8xf32, #tpu.memory_space<vmem>>
    %dma_wait3A_100 = tpu.memref_squeeze %dma_wait3A_99 : memref<1x200x8xf32, #tpu.memory_space<vmem>> -> memref<200x8xf32, #tpu.memory_space<vmem>>
    %dma_wait3A_101 = arith.constant 0 : i32
    %dma_wait3A_102 = tpu.memref_slice %arg12[%dma_wait3A_101] : memref<20000xi32, #tpu.memory_space<vmem>> -> memref<200xi32, #tpu.memory_space<vmem>>
    %dma_wait3A_103 = arith.constant 0 : i32
    %dma_wait3A_104 = arith.constant 0 : i32
    %dma_wait3A_105 = tpu.memref_slice %arg35[%dma_wait3A_103, %dma_wait3A_104] : memref<10240x8xf32, #tpu.memory_space<vmem_shared>> -> memref<10240x8xf32, #tpu.memory_space<vmem_shared>>
    tpu.wait_indirect_dma semaphore(%arg30 : memref<!tpu.dma_semaphore, #tpu.memory_space<semaphore_mem>>) src(%dma_wait3A_100 : memref<200x8xf32, #tpu.memory_space<vmem>>) dst(%dma_wait3A_105 : memref<10240x8xf32, #tpu.memory_space<vmem_shared>>)
    %dma_wait3A_106 = arith.constant 3 : i32
    %dma_wait3A_107 = arith.constant 0 : i32
    %dma_wait3A_108 = arith.constant 0 : i32
    %dma_wait3A_109 = tpu.memref_slice %arg21[%dma_wait3A_106, %dma_wait3A_107, %dma_wait3A_108] : memref<4x200x8xf32, #tpu.memory_space<vmem>> -> memref<1x200x8xf32, #tpu.memory_space<vmem>>
    %dma_wait3A_110 = tpu.memref_squeeze %dma_wait3A_109 : memref<1x200x8xf32, #tpu.memory_space<vmem>> -> memref<200x8xf32, #tpu.memory_space<vmem>>
    %dma_wait3A_111 = arith.constant 0 : i32
    %dma_wait3A_112 = tpu.memref_slice %arg12[%dma_wait3A_111] : memref<20000xi32, #tpu.memory_space<vmem>> -> memref<200xi32, #tpu.memory_space<vmem>>
    %dma_wait3A_113 = arith.constant 0 : i32
    %dma_wait3A_114 = arith.constant 0 : i32
    %dma_wait3A_115 = tpu.memref_slice %arg35[%dma_wait3A_113, %dma_wait3A_114] : memref<10240x8xf32, #tpu.memory_space<vmem_shared>> -> memref<10240x8xf32, #tpu.memory_space<vmem_shared>>
    tpu.wait_indirect_dma semaphore(%arg31 : memref<!tpu.dma_semaphore, #tpu.memory_space<semaphore_mem>>) src(%dma_wait3A_110 : memref<200x8xf32, #tpu.memory_space<vmem>>) dst(%dma_wait3A_115 : memref<10240x8xf32, #tpu.memory_space<vmem_shared>>)
    %barrier3A_116 = arith.constant 0 : index
    tpu.barrier barrier_id(%barrier3A_116)
    "tpu.region"() ({
      %run_scoped3A = tpu.sem_alloc : memref<!tpu.dma_semaphore, #tpu.memory_space<semaphore_mem>>
      %dma_start3A_262 = arith.constant 0 : i32
      %dma_start3A_263 = tpu.memref_slice %arg35[%mul3A_0, %dma_start3A_262] : memref<10240x8xf32, #tpu.memory_space<vmem_shared>> -> memref<640x8xf32, #tpu.memory_space<vmem_shared>>
      %dma_start3A_264 = arith.constant 0 : i32
      %dma_start3A_265 = tpu.memref_slice %arg35[%mul3A_0, %dma_start3A_264] : memref<10240x8xf32, #tpu.memory_space<vmem_shared>> -> memref<640x8xf32, #tpu.memory_space<vmem_shared>>
      tpu.enqueue_dma source(%dma_start3A_265 : memref<640x8xf32, #tpu.memory_space<vmem_shared>>) target(%arg18 : memref<640x8xf32, #tpu.memory_space<vmem>>) target_semaphore(%run_scoped3A : memref<!tpu.dma_semaphore, #tpu.memory_space<semaphore_mem>>)
      %dma_wait3A_266 = arith.constant 0 : i32
      %dma_wait3A_267 = tpu.memref_slice %arg35[%mul3A_0, %dma_wait3A_266] : memref<10240x8xf32, #tpu.memory_space<vmem_shared>> -> memref<640x8xf32, #tpu.memory_space<vmem_shared>>
      %dma_wait3A_268 = arith.constant 0 : i32
      %dma_wait3A_269 = tpu.memref_slice %arg35[%mul3A_0, %dma_wait3A_268] : memref<10240x8xf32, #tpu.memory_space<vmem_shared>> -> memref<640x8xf32, #tpu.memory_space<vmem_shared>>
      tpu.wait_dma2 semaphore(%run_scoped3A : memref<!tpu.dma_semaphore, #tpu.memory_space<semaphore_mem>>) src(%dma_wait3A_269 : memref<640x8xf32, #tpu.memory_space<vmem_shared>>) dst(%arg18 : memref<640x8xf32, #tpu.memory_space<vmem>>)
      tpu.yield
    }) : () -> ()
    "tpu.region"() ({
      %run_scoped3A = tpu.sem_alloc : memref<!tpu.dma_semaphore, #tpu.memory_space<semaphore_mem>>
      %dma_start3A_262 = arith.constant 0 : i32
      %dma_start3A_263 = tpu.memref_slice %arg34[%mul3A_0, %dma_start3A_262] : memref<10240x8xf32, #tpu.memory_space<vmem_shared>> -> memref<640x8xf32, #tpu.memory_space<vmem_shared>>
      %dma_start3A_264 = arith.constant 0 : i32
      %dma_start3A_265 = tpu.memref_slice %arg34[%mul3A_0, %dma_start3A_264] : memref<10240x8xf32, #tpu.memory_space<vmem_shared>> -> memref<640x8xf32, #tpu.memory_space<vmem_shared>>
      tpu.enqueue_dma source(%dma_start3A_265 : memref<640x8xf32, #tpu.memory_space<vmem_shared>>) target(%arg19 : memref<640x8xf32, #tpu.memory_space<vmem>>) target_semaphore(%run_scoped3A : memref<!tpu.dma_semaphore, #tpu.memory_space<semaphore_mem>>)
      %dma_wait3A_266 = arith.constant 0 : i32
      %dma_wait3A_267 = tpu.memref_slice %arg34[%mul3A_0, %dma_wait3A_266] : memref<10240x8xf32, #tpu.memory_space<vmem_shared>> -> memref<640x8xf32, #tpu.memory_space<vmem_shared>>
      %dma_wait3A_268 = arith.constant 0 : i32
      %dma_wait3A_269 = tpu.memref_slice %arg34[%mul3A_0, %dma_wait3A_268] : memref<10240x8xf32, #tpu.memory_space<vmem_shared>> -> memref<640x8xf32, #tpu.memory_space<vmem_shared>>
      tpu.wait_dma2 semaphore(%run_scoped3A : memref<!tpu.dma_semaphore, #tpu.memory_space<semaphore_mem>>) src(%dma_wait3A_269 : memref<640x8xf32, #tpu.memory_space<vmem_shared>>) dst(%arg19 : memref<640x8xf32, #tpu.memory_space<vmem>>)
      tpu.yield
    }) : () -> ()
    %gather3A = tpu.vector_load_idx %arg22[%and3A_4] : memref<64xf32, #tpu.memory_space<vmem>>[vector<16xi32>], vector<16xf32>,
    %scan3A_117 = arith.constant 0 : i32
    %scan3A_118 = arith.constant 0 : i32
    %scan3A_119 = arith.constant 320 : i32
    %scan3A_120 = arith.addi %scan3A_118, %scan3A_119 : i32
    %scan3A_121 = arith.constant 1 : i32
    %scan3A_122 = scf.for %scan3A_262 = %scan3A_118 to %scan3A_120 step %scan3A_121 iter_args(%scan3A_263 = %scan3A_117) -> (i32)  : i32 {
      %mul3A_264 = arith.constant 2 : i32
      %mul3A_265 = arith.muli %mul3A_264, %scan3A_262 : i32
      %add3A_266 = vector.broadcast %mul3A_265 : i32 to vector<16xi32>
      %add3A_267 = arith.addi %shift_right_logical3A_2, %add3A_266 : vector<16xi32>
      %gather3A_268 = tpu.vector_load_idx %arg18[%add3A_267, %and3A_4] : memref<640x8xf32, #tpu.memory_space<vmem>>[vector<16xi32>, vector<16xi32>], vector<16xf32>,
      %gather3A_269 = tpu.vector_load_idx %arg19[%add3A_267, %and3A_4] : memref<640x8xf32, #tpu.memory_space<vmem>>[vector<16xi32>, vector<16xi32>], vector<16xf32>,
      %gather3A_270 = tpu.vector_load_idx %arg17[%add3A_267] : memref<640xf32, #tpu.memory_space<vmem>>[vector<16xi32>], vector<16xf32>,
      %add3A_271 = arith.addf %gather3A_268, %gather3A_269 : vector<16xf32>
      %mul3A_272 = arith.mulf %gather3A_270, %add3A_271 : vector<16xf32>
      %add3A_273 = arith.addf %mul3A_272, %gather3A : vector<16xf32>
      %max3A = arith.constant 0.000000e+00 : f32
      %max3A_274 = vector.broadcast %max3A : f32 to vector<16xf32>
      %max3A_275 = arith.maximumf %add3A_273, %max3A_274 : vector<16xf32>
      %mul3A_276 = arith.mulf %gather3A_270, %max3A_275 : vector<16xf32>
      tpu.vector_store_idx %arg18[%add3A_267, %and3A_4], %mul3A_276 : memref<640x8xf32, #tpu.memory_space<vmem>>[vector<16xi32>, vector<16xi32>], vector<16xf32>,
      %scan3A_277 = arith.constant 0 : i32
      scf.yield %scan3A_277 : i32
    }
    %scan3A_123 = arith.constant 320 : i32
    %broadcast_in_dim3A_124 = arith.constant 16 : i32
    %broadcast_in_dim3A_125 = vector.broadcast %broadcast_in_dim3A_124 : i32 to vector<16xi32>
    %add3A = arith.addi %broadcast_in_dim3A_125, %and3A_10 : vector<16xi32>
    %gather3A_126 = tpu.vector_load_idx %arg22[%add3A] : memref<64xf32, #tpu.memory_space<vmem>>[vector<16xi32>], vector<16xf32>,
    %broadcast_in_dim3A_127 = arith.constant 20 : i32
    %broadcast_in_dim3A_128 = vector.broadcast %broadcast_in_dim3A_127 : i32 to vector<16xi32>
    %add3A_129 = arith.addi %broadcast_in_dim3A_128, %and3A_10 : vector<16xi32>
    %gather3A_130 = tpu.vector_load_idx %arg22[%add3A_129] : memref<64xf32, #tpu.memory_space<vmem>>[vector<16xi32>], vector<16xf32>,
    %broadcast_in_dim3A_131 = arith.constant 24 : i32
    %broadcast_in_dim3A_132 = vector.broadcast %broadcast_in_dim3A_131 : i32 to vector<16xi32>
    %add3A_133 = arith.addi %broadcast_in_dim3A_132, %and3A_10 : vector<16xi32>
    %gather3A_134 = tpu.vector_load_idx %arg22[%add3A_133] : memref<64xf32, #tpu.memory_space<vmem>>[vector<16xi32>], vector<16xf32>,
    %broadcast_in_dim3A_135 = arith.constant 28 : i32
    %broadcast_in_dim3A_136 = vector.broadcast %broadcast_in_dim3A_135 : i32 to vector<16xi32>
    %add3A_137 = arith.addi %broadcast_in_dim3A_136, %and3A_10 : vector<16xi32>
    %gather3A_138 = tpu.vector_load_idx %arg22[%add3A_137] : memref<64xf32, #tpu.memory_space<vmem>>[vector<16xi32>], vector<16xf32>,
    %broadcast_in_dim3A_139 = arith.constant 32 : i32
    %broadcast_in_dim3A_140 = vector.broadcast %broadcast_in_dim3A_139 : i32 to vector<16xi32>
    %add3A_141 = arith.addi %broadcast_in_dim3A_140, %and3A_10 : vector<16xi32>
    %gather3A_142 = tpu.vector_load_idx %arg22[%add3A_141] : memref<64xf32, #tpu.memory_space<vmem>>[vector<16xi32>], vector<16xf32>,
    %broadcast_in_dim3A_143 = arith.constant 36 : i32
    %broadcast_in_dim3A_144 = vector.broadcast %broadcast_in_dim3A_143 : i32 to vector<16xi32>
    %add3A_145 = arith.addi %broadcast_in_dim3A_144, %and3A_10 : vector<16xi32>
    %gather3A_146 = tpu.vector_load_idx %arg22[%add3A_145] : memref<64xf32, #tpu.memory_space<vmem>>[vector<16xi32>], vector<16xf32>,
    %broadcast_in_dim3A_147 = arith.constant 40 : i32
    %broadcast_in_dim3A_148 = vector.broadcast %broadcast_in_dim3A_147 : i32 to vector<16xi32>
    %add3A_149 = arith.addi %broadcast_in_dim3A_148, %and3A_10 : vector<16xi32>
    %gather3A_150 = tpu.vector_load_idx %arg22[%add3A_149] : memref<64xf32, #tpu.memory_space<vmem>>[vector<16xi32>], vector<16xf32>,
    %broadcast_in_dim3A_151 = arith.constant 44 : i32
    %broadcast_in_dim3A_152 = vector.broadcast %broadcast_in_dim3A_151 : i32 to vector<16xi32>
    %add3A_153 = arith.addi %broadcast_in_dim3A_152, %and3A_10 : vector<16xi32>
    %gather3A_154 = tpu.vector_load_idx %arg22[%add3A_153] : memref<64xf32, #tpu.memory_space<vmem>>[vector<16xi32>], vector<16xf32>,
    %scan3A_155 = arith.constant 0 : i32
    %scan3A_156 = arith.constant 0 : i32
    %scan3A_157 = arith.constant 320 : i32
    %scan3A_158 = arith.addi %scan3A_156, %scan3A_157 : i32
    %scan3A_159 = arith.constant 1 : i32
    %scan3A_160 = scf.for %scan3A_262 = %scan3A_156 to %scan3A_158 step %scan3A_159 iter_args(%scan3A_263 = %scan3A_155) -> (i32)  : i32 {
      %mul3A_264 = arith.constant 2 : i32
      %mul3A_265 = arith.muli %mul3A_264, %scan3A_262 : i32
      %add3A_266 = vector.broadcast %mul3A_265 : i32 to vector<16xi32>
      %add3A_267 = arith.addi %shift_right_logical3A_2, %add3A_266 : vector<16xi32>
      tpu.vector_store_idx %arg19[%add3A_267, %and3A_4], %broadcast_in_dim3A_11 : memref<640x8xf32, #tpu.memory_space<vmem>>[vector<16xi32>, vector<16xi32>], vector<16xf32>,
      %scan3A_268 = arith.constant 0 : i32
      scf.yield %scan3A_268 : i32
    }
    %scan3A_161 = arith.constant 320 : i32
    %scan3A_162 = arith.constant 0 : i32
    %scan3A_163 = arith.constant 0 : i32
    %scan3A_164 = arith.constant 160 : i32
    %scan3A_165 = arith.addi %scan3A_163, %scan3A_164 : i32
    %scan3A_166 = arith.constant 1 : i32
    %scan3A_167 = scf.for %scan3A_262 = %scan3A_163 to %scan3A_165 step %scan3A_166 iter_args(%scan3A_263 = %scan3A_162) -> (i32)  : i32 {
      %mul3A_264 = arith.constant 4 : i32
      %mul3A_265 = arith.muli %mul3A_264, %scan3A_262 : i32
      %add3A_266 = vector.broadcast %mul3A_265 : i32 to vector<16xi32>
      %add3A_267 = arith.addi %shift_right_logical3A_7, %add3A_266 : vector<16xi32>
      %broadcast_in_dim3A_268 = arith.constant 0 : i32
      %broadcast_in_dim3A_269 = vector.broadcast %broadcast_in_dim3A_268 : i32 to vector<16xi32>
      %gather3A_270 = tpu.vector_load_idx %arg18[%add3A_267, %broadcast_in_dim3A_269] : memref<640x8xf32, #tpu.memory_space<vmem>>[vector<16xi32>, vector<16xi32>], vector<16xf32>,
      %mul3A_271 = arith.mulf %gather3A_270, %gather3A_126 : vector<16xf32>
      %add3A_272 = arith.addf %broadcast_in_dim3A_11, %mul3A_271 : vector<16xf32>
      %broadcast_in_dim3A_273 = arith.constant 1 : i32
      %broadcast_in_dim3A_274 = vector.broadcast %broadcast_in_dim3A_273 : i32 to vector<16xi32>
      %gather3A_275 = tpu.vector_load_idx %arg18[%add3A_267, %broadcast_in_dim3A_274] : memref<640x8xf32, #tpu.memory_space<vmem>>[vector<16xi32>, vector<16xi32>], vector<16xf32>,
      %mul3A_276 = arith.mulf %gather3A_275, %gather3A_130 : vector<16xf32>
      %add3A_277 = arith.addf %add3A_272, %mul3A_276 : vector<16xf32>
      %broadcast_in_dim3A_278 = arith.constant 2 : i32
      %broadcast_in_dim3A_279 = vector.broadcast %broadcast_in_dim3A_278 : i32 to vector<16xi32>
      %gather3A_280 = tpu.vector_load_idx %arg18[%add3A_267, %broadcast_in_dim3A_279] : memref<640x8xf32, #tpu.memory_space<vmem>>[vector<16xi32>, vector<16xi32>], vector<16xf32>,
      %mul3A_281 = arith.mulf %gather3A_280, %gather3A_134 : vector<16xf32>
      %add3A_282 = arith.addf %add3A_277, %mul3A_281 : vector<16xf32>
      %broadcast_in_dim3A_283 = arith.constant 3 : i32
      %broadcast_in_dim3A_284 = vector.broadcast %broadcast_in_dim3A_283 : i32 to vector<16xi32>
      %gather3A_285 = tpu.vector_load_idx %arg18[%add3A_267, %broadcast_in_dim3A_284] : memref<640x8xf32, #tpu.memory_space<vmem>>[vector<16xi32>, vector<16xi32>], vector<16xf32>,
      %mul3A_286 = arith.mulf %gather3A_285, %gather3A_138 : vector<16xf32>
      %add3A_287 = arith.addf %add3A_282, %mul3A_286 : vector<16xf32>
      %broadcast_in_dim3A_288 = arith.constant 4 : i32
      %broadcast_in_dim3A_289 = vector.broadcast %broadcast_in_dim3A_288 : i32 to vector<16xi32>
      %gather3A_290 = tpu.vector_load_idx %arg18[%add3A_267, %broadcast_in_dim3A_289] : memref<640x8xf32, #tpu.memory_space<vmem>>[vector<16xi32>, vector<16xi32>], vector<16xf32>,
      %mul3A_291 = arith.mulf %gather3A_290, %gather3A_142 : vector<16xf32>
      %add3A_292 = arith.addf %add3A_287, %mul3A_291 : vector<16xf32>
      %broadcast_in_dim3A_293 = arith.constant 5 : i32
      %broadcast_in_dim3A_294 = vector.broadcast %broadcast_in_dim3A_293 : i32 to vector<16xi32>
      %gather3A_295 = tpu.vector_load_idx %arg18[%add3A_267, %broadcast_in_dim3A_294] : memref<640x8xf32, #tpu.memory_space<vmem>>[vector<16xi32>, vector<16xi32>], vector<16xf32>,
      %mul3A_296 = arith.mulf %gather3A_295, %gather3A_146 : vector<16xf32>
      %add3A_297 = arith.addf %add3A_292, %mul3A_296 : vector<16xf32>
      %broadcast_in_dim3A_298 = arith.constant 6 : i32
      %broadcast_in_dim3A_299 = vector.broadcast %broadcast_in_dim3A_298 : i32 to vector<16xi32>
      %gather3A_300 = tpu.vector_load_idx %arg18[%add3A_267, %broadcast_in_dim3A_299] : memref<640x8xf32, #tpu.memory_space<vmem>>[vector<16xi32>, vector<16xi32>], vector<16xf32>,
      %mul3A_301 = arith.mulf %gather3A_300, %gather3A_150 : vector<16xf32>
      %add3A_302 = arith.addf %add3A_297, %mul3A_301 : vector<16xf32>
      %broadcast_in_dim3A_303 = arith.constant 7 : i32
      %broadcast_in_dim3A_304 = vector.broadcast %broadcast_in_dim3A_303 : i32 to vector<16xi32>
      %gather3A_305 = tpu.vector_load_idx %arg18[%add3A_267, %broadcast_in_dim3A_304] : memref<640x8xf32, #tpu.memory_space<vmem>>[vector<16xi32>, vector<16xi32>], vector<16xf32>,
      %mul3A_306 = arith.mulf %gather3A_305, %gather3A_154 : vector<16xf32>
      %add3A_307 = arith.addf %add3A_302, %mul3A_306 : vector<16xf32>
      tpu.vector_store_idx %arg19[%add3A_267, %and3A_10], %add3A_307 : memref<640x8xf32, #tpu.memory_space<vmem>>[vector<16xi32>, vector<16xi32>], vector<16xf32>,
      %scan3A_308 = arith.constant 0 : i32
      scf.yield %scan3A_308 : i32
    }
    %scan3A_168 = arith.constant 160 : i32
    "tpu.region"() ({
      %run_scoped3A = tpu.sem_alloc : memref<!tpu.dma_semaphore, #tpu.memory_space<semaphore_mem>>
      %dma_start3A_262 = arith.constant 0 : i32
      %dma_start3A_263 = tpu.memref_slice %arg36[%mul3A_0, %dma_start3A_262] : memref<10240x8xf32, #tpu.memory_space<vmem_shared>> -> memref<640x8xf32, #tpu.memory_space<vmem_shared>>
      %dma_start3A_264 = arith.constant 0 : i32
      %dma_start3A_265 = tpu.memref_slice %arg36[%mul3A_0, %dma_start3A_264] : memref<10240x8xf32, #tpu.memory_space<vmem_shared>> -> memref<640x8xf32, #tpu.memory_space<vmem_shared>>
      tpu.enqueue_dma source(%arg19 : memref<640x8xf32, #tpu.memory_space<vmem>>) target(%dma_start3A_265 : memref<640x8xf32, #tpu.memory_space<vmem_shared>>) target_semaphore(%run_scoped3A : memref<!tpu.dma_semaphore, #tpu.memory_space<semaphore_mem>>)
      %dma_wait3A_266 = arith.constant 0 : i32
      %dma_wait3A_267 = tpu.memref_slice %arg36[%mul3A_0, %dma_wait3A_266] : memref<10240x8xf32, #tpu.memory_space<vmem_shared>> -> memref<640x8xf32, #tpu.memory_space<vmem_shared>>
      %dma_wait3A_268 = arith.constant 0 : i32
      %dma_wait3A_269 = tpu.memref_slice %arg36[%mul3A_0, %dma_wait3A_268] : memref<10240x8xf32, #tpu.memory_space<vmem_shared>> -> memref<640x8xf32, #tpu.memory_space<vmem_shared>>
      tpu.wait_dma2 semaphore(%run_scoped3A : memref<!tpu.dma_semaphore, #tpu.memory_space<semaphore_mem>>) src(%arg19 : memref<640x8xf32, #tpu.memory_space<vmem>>) dst(%dma_wait3A_269 : memref<640x8xf32, #tpu.memory_space<vmem_shared>>)
      tpu.yield
    }) : () -> ()
    %barrier3A_169 = arith.constant 0 : index
    tpu.barrier barrier_id(%barrier3A_169)
    %dma_start3A_170 = arith.constant 0 : i32
    %dma_start3A_171 = arith.constant 0 : i32
    %dma_start3A_172 = arith.constant 0 : i32
    %dma_start3A_173 = tpu.memref_slice %arg21[%dma_start3A_170, %dma_start3A_171, %dma_start3A_172] : memref<4x200x8xf32, #tpu.memory_space<vmem>> -> memref<1x200x8xf32, #tpu.memory_space<vmem>>
    %dma_start3A_174 = tpu.memref_squeeze %dma_start3A_173 : memref<1x200x8xf32, #tpu.memory_space<vmem>> -> memref<200x8xf32, #tpu.memory_space<vmem>>
    %dma_start3A_175 = arith.constant 0 : i32
    %dma_start3A_176 = tpu.memref_slice %arg11[%dma_start3A_175] : memref<20000xi32, #tpu.memory_space<vmem>> -> memref<200xi32, #tpu.memory_space<vmem>>
    %dma_start3A_177 = arith.constant 0 : i32
    %dma_start3A_178 = arith.constant 0 : i32
    %dma_start3A_179 = tpu.memref_slice %arg36[%dma_start3A_177, %dma_start3A_178] : memref<10240x8xf32, #tpu.memory_space<vmem_shared>> -> memref<10240x8xf32, #tpu.memory_space<vmem_shared>>
    tpu.enqueue_indirect_dma source(%dma_start3A_179 : memref<10240x8xf32, #tpu.memory_space<vmem_shared>>) target(%dma_start3A_174 : memref<200x8xf32, #tpu.memory_space<vmem>>) offsets(%dma_start3A_176 : memref<200xi32, #tpu.memory_space<vmem>>) semaphore(%arg24 : memref<!tpu.dma_semaphore, #tpu.memory_space<semaphore_mem>>)
    %scan3A_180 = arith.constant 0 : i32
    %scan3A_181 = arith.constant 0 : i32
    %scan3A_182 = arith.constant 25 : i32
    %scan3A_183 = arith.addi %scan3A_181, %scan3A_182 : i32
    %scan3A_184 = arith.constant 1 : i32
    %scan3A_185 = scf.for %scan3A_262 = %scan3A_181 to %scan3A_183 step %scan3A_184 iter_args(%scan3A_263 = %scan3A_180) -> (i32)  : i32 {
      %mul3A_264 = arith.constant 4 : i32
      %mul3A_265 = arith.muli %mul3A_264, %scan3A_262 : i32
      %add3A_266 = arith.constant 0 : i32
      %add3A_267 = arith.addi %mul3A_265, %add3A_266 : i32
      %gt3A = arith.constant 0 : i32
      %gt3A_268 = arith.cmpi sgt, %scan3A_262, %gt3A : i32
      %convert_element_type3A = arith.extui %gt3A_268 : i1 to i32
      %cond3A = arith.constant 0 : i32
      %cond3A_269 = arith.cmpi ne, %convert_element_type3A, %cond3A : i32
      scf.if %cond3A_269 {
        %dma_wait3A_430 = arith.constant 1 : i32
        %dma_wait3A_431 = arith.constant 0 : i32
        %dma_wait3A_432 = arith.constant 0 : i32
        %dma_wait3A_433 = tpu.memref_slice %arg21[%dma_wait3A_430, %dma_wait3A_431, %dma_wait3A_432] : memref<4x200x8xf32, #tpu.memory_space<vmem>> -> memref<1x200x8xf32, #tpu.memory_space<vmem>>
        %dma_wait3A_434 = tpu.memref_squeeze %dma_wait3A_433 : memref<1x200x8xf32, #tpu.memory_space<vmem>> -> memref<200x8xf32, #tpu.memory_space<vmem>>
        %dma_wait3A_435 = arith.constant 0 : i32
        %dma_wait3A_436 = tpu.memref_slice %arg12[%dma_wait3A_435] : memref<20000xi32, #tpu.memory_space<vmem>> -> memref<200xi32, #tpu.memory_space<vmem>>
        %dma_wait3A_437 = arith.constant 0 : i32
        %dma_wait3A_438 = arith.constant 0 : i32
        %dma_wait3A_439 = tpu.memref_slice %arg37[%dma_wait3A_437, %dma_wait3A_438] : memref<10240x8xf32, #tpu.memory_space<vmem_shared>> -> memref<10240x8xf32, #tpu.memory_space<vmem_shared>>
        tpu.wait_indirect_dma semaphore(%arg29 : memref<!tpu.dma_semaphore, #tpu.memory_space<semaphore_mem>>) src(%dma_wait3A_434 : memref<200x8xf32, #tpu.memory_space<vmem>>) dst(%dma_wait3A_439 : memref<10240x8xf32, #tpu.memory_space<vmem_shared>>)
      } else {
      }
      %add3A_270 = arith.constant 1 : i32
      %add3A_271 = arith.addi %add3A_267, %add3A_270 : i32
      %mul3A_272 = arith.constant 200 : i32
      %mul3A_273 = arith.muli %add3A_271, %mul3A_272 : i32
      %dma_start3A_274 = arith.constant 1 : i32
      %dma_start3A_275 = arith.constant 0 : i32
      %dma_start3A_276 = arith.constant 0 : i32
      %dma_start3A_277 = tpu.memref_slice %arg21[%dma_start3A_274, %dma_start3A_275, %dma_start3A_276] : memref<4x200x8xf32, #tpu.memory_space<vmem>> -> memref<1x200x8xf32, #tpu.memory_space<vmem>>
      %dma_start3A_278 = tpu.memref_squeeze %dma_start3A_277 : memref<1x200x8xf32, #tpu.memory_space<vmem>> -> memref<200x8xf32, #tpu.memory_space<vmem>>
      %dma_start3A_279 = tpu.memref_slice %arg11[%mul3A_273] : memref<20000xi32, #tpu.memory_space<vmem>> -> memref<200xi32, #tpu.memory_space<vmem>>
      %dma_start3A_280 = arith.constant 0 : i32
      %dma_start3A_281 = arith.constant 0 : i32
      %dma_start3A_282 = tpu.memref_slice %arg36[%dma_start3A_280, %dma_start3A_281] : memref<10240x8xf32, #tpu.memory_space<vmem_shared>> -> memref<10240x8xf32, #tpu.memory_space<vmem_shared>>
      tpu.enqueue_indirect_dma source(%dma_start3A_282 : memref<10240x8xf32, #tpu.memory_space<vmem_shared>>) target(%dma_start3A_278 : memref<200x8xf32, #tpu.memory_space<vmem>>) offsets(%dma_start3A_279 : memref<200xi32, #tpu.memory_space<vmem>>) semaphore(%arg25 : memref<!tpu.dma_semaphore, #tpu.memory_space<semaphore_mem>>)
      %dma_wait3A_283 = arith.constant 0 : i32
      %dma_wait3A_284 = arith.constant 0 : i32
      %dma_wait3A_285 = arith.constant 0 : i32
      %dma_wait3A_286 = tpu.memref_slice %arg21[%dma_wait3A_283, %dma_wait3A_284, %dma_wait3A_285] : memref<4x200x8xf32, #tpu.memory_space<vmem>> -> memref<1x200x8xf32, #tpu.memory_space<vmem>>
      %dma_wait3A_287 = tpu.memref_squeeze %dma_wait3A_286 : memref<1x200x8xf32, #tpu.memory_space<vmem>> -> memref<200x8xf32, #tpu.memory_space<vmem>>
      %dma_wait3A_288 = arith.constant 0 : i32
      %dma_wait3A_289 = tpu.memref_slice %arg11[%dma_wait3A_288] : memref<20000xi32, #tpu.memory_space<vmem>> -> memref<200xi32, #tpu.memory_space<vmem>>
      %dma_wait3A_290 = arith.constant 0 : i32
      %dma_wait3A_291 = arith.constant 0 : i32
      %dma_wait3A_292 = tpu.memref_slice %arg36[%dma_wait3A_290, %dma_wait3A_291] : memref<10240x8xf32, #tpu.memory_space<vmem_shared>> -> memref<10240x8xf32, #tpu.memory_space<vmem_shared>>
      tpu.wait_indirect_dma semaphore(%arg24 : memref<!tpu.dma_semaphore, #tpu.memory_space<semaphore_mem>>) src(%dma_wait3A_292 : memref<10240x8xf32, #tpu.memory_space<vmem_shared>>) dst(%dma_wait3A_287 : memref<200x8xf32, #tpu.memory_space<vmem>>)
      %mul3A_293 = arith.constant 200 : i32
      %mul3A_294 = arith.muli %add3A_267, %mul3A_293 : i32
      %dma_start3A_295 = arith.constant 0 : i32
      %dma_start3A_296 = arith.constant 0 : i32
      %dma_start3A_297 = arith.constant 0 : i32
      %dma_start3A_298 = tpu.memref_slice %arg21[%dma_start3A_295, %dma_start3A_296, %dma_start3A_297] : memref<4x200x8xf32, #tpu.memory_space<vmem>> -> memref<1x200x8xf32, #tpu.memory_space<vmem>>
      %dma_start3A_299 = tpu.memref_squeeze %dma_start3A_298 : memref<1x200x8xf32, #tpu.memory_space<vmem>> -> memref<200x8xf32, #tpu.memory_space<vmem>>
      %dma_start3A_300 = tpu.memref_slice %arg12[%mul3A_294] : memref<20000xi32, #tpu.memory_space<vmem>> -> memref<200xi32, #tpu.memory_space<vmem>>
      %dma_start3A_301 = arith.constant 0 : i32
      %dma_start3A_302 = arith.constant 0 : i32
      %dma_start3A_303 = tpu.memref_slice %arg37[%dma_start3A_301, %dma_start3A_302] : memref<10240x8xf32, #tpu.memory_space<vmem_shared>> -> memref<10240x8xf32, #tpu.memory_space<vmem_shared>>
      tpu.enqueue_indirect_dma source(%dma_start3A_299 : memref<200x8xf32, #tpu.memory_space<vmem>>) target(%dma_start3A_303 : memref<10240x8xf32, #tpu.memory_space<vmem_shared>>) offsets(%dma_start3A_300 : memref<200xi32, #tpu.memory_space<vmem>>) semaphore(%arg28 : memref<!tpu.dma_semaphore, #tpu.memory_space<semaphore_mem>>) {add = true}
      %mul3A_304 = arith.constant 4 : i32
      %mul3A_305 = arith.muli %mul3A_304, %scan3A_262 : i32
      %add3A_306 = arith.constant 1 : i32
      %add3A_307 = arith.addi %mul3A_305, %add3A_306 : i32
      %gt3A_308 = arith.constant 0 : i32
      %gt3A_309 = arith.cmpi sgt, %scan3A_262, %gt3A_308 : i32
      %convert_element_type3A_310 = arith.extui %gt3A_309 : i1 to i32
      %cond3A_311 = arith.constant 0 : i32
      %cond3A_312 = arith.cmpi ne, %convert_element_type3A_310, %cond3A_311 : i32
      scf.if %cond3A_312 {
        %dma_wait3A_430 = arith.constant 2 : i32
        %dma_wait3A_431 = arith.constant 0 : i32
        %dma_wait3A_432 = arith.constant 0 : i32
        %dma_wait3A_433 = tpu.memref_slice %arg21[%dma_wait3A_430, %dma_wait3A_431, %dma_wait3A_432] : memref<4x200x8xf32, #tpu.memory_space<vmem>> -> memref<1x200x8xf32, #tpu.memory_space<vmem>>
        %dma_wait3A_434 = tpu.memref_squeeze %dma_wait3A_433 : memref<1x200x8xf32, #tpu.memory_space<vmem>> -> memref<200x8xf32, #tpu.memory_space<vmem>>
        %dma_wait3A_435 = arith.constant 0 : i32
        %dma_wait3A_436 = tpu.memref_slice %arg12[%dma_wait3A_435] : memref<20000xi32, #tpu.memory_space<vmem>> -> memref<200xi32, #tpu.memory_space<vmem>>
        %dma_wait3A_437 = arith.constant 0 : i32
        %dma_wait3A_438 = arith.constant 0 : i32
        %dma_wait3A_439 = tpu.memref_slice %arg37[%dma_wait3A_437, %dma_wait3A_438] : memref<10240x8xf32, #tpu.memory_space<vmem_shared>> -> memref<10240x8xf32, #tpu.memory_space<vmem_shared>>
        tpu.wait_indirect_dma semaphore(%arg30 : memref<!tpu.dma_semaphore, #tpu.memory_space<semaphore_mem>>) src(%dma_wait3A_434 : memref<200x8xf32, #tpu.memory_space<vmem>>) dst(%dma_wait3A_439 : memref<10240x8xf32, #tpu.memory_space<vmem_shared>>)
      } else {
      }
      %add3A_313 = arith.constant 1 : i32
      %add3A_314 = arith.addi %add3A_307, %add3A_313 : i32
      %mul3A_315 = arith.constant 200 : i32
      %mul3A_316 = arith.muli %add3A_314, %mul3A_315 : i32
      %dma_start3A_317 = arith.constant 2 : i32
      %dma_start3A_318 = arith.constant 0 : i32
      %dma_start3A_319 = arith.constant 0 : i32
      %dma_start3A_320 = tpu.memref_slice %arg21[%dma_start3A_317, %dma_start3A_318, %dma_start3A_319] : memref<4x200x8xf32, #tpu.memory_space<vmem>> -> memref<1x200x8xf32, #tpu.memory_space<vmem>>
      %dma_start3A_321 = tpu.memref_squeeze %dma_start3A_320 : memref<1x200x8xf32, #tpu.memory_space<vmem>> -> memref<200x8xf32, #tpu.memory_space<vmem>>
      %dma_start3A_322 = tpu.memref_slice %arg11[%mul3A_316] : memref<20000xi32, #tpu.memory_space<vmem>> -> memref<200xi32, #tpu.memory_space<vmem>>
      %dma_start3A_323 = arith.constant 0 : i32
      %dma_start3A_324 = arith.constant 0 : i32
      %dma_start3A_325 = tpu.memref_slice %arg36[%dma_start3A_323, %dma_start3A_324] : memref<10240x8xf32, #tpu.memory_space<vmem_shared>> -> memref<10240x8xf32, #tpu.memory_space<vmem_shared>>
      tpu.enqueue_indirect_dma source(%dma_start3A_325 : memref<10240x8xf32, #tpu.memory_space<vmem_shared>>) target(%dma_start3A_321 : memref<200x8xf32, #tpu.memory_space<vmem>>) offsets(%dma_start3A_322 : memref<200xi32, #tpu.memory_space<vmem>>) semaphore(%arg26 : memref<!tpu.dma_semaphore, #tpu.memory_space<semaphore_mem>>)
      %dma_wait3A_326 = arith.constant 1 : i32
      %dma_wait3A_327 = arith.constant 0 : i32
      %dma_wait3A_328 = arith.constant 0 : i32
      %dma_wait3A_329 = tpu.memref_slice %arg21[%dma_wait3A_326, %dma_wait3A_327, %dma_wait3A_328] : memref<4x200x8xf32, #tpu.memory_space<vmem>> -> memref<1x200x8xf32, #tpu.memory_space<vmem>>
      %dma_wait3A_330 = tpu.memref_squeeze %dma_wait3A_329 : memref<1x200x8xf32, #tpu.memory_space<vmem>> -> memref<200x8xf32, #tpu.memory_space<vmem>>
      %dma_wait3A_331 = arith.constant 0 : i32
      %dma_wait3A_332 = tpu.memref_slice %arg11[%dma_wait3A_331] : memref<20000xi32, #tpu.memory_space<vmem>> -> memref<200xi32, #tpu.memory_space<vmem>>
      %dma_wait3A_333 = arith.constant 0 : i32
      %dma_wait3A_334 = arith.constant 0 : i32
      %dma_wait3A_335 = tpu.memref_slice %arg36[%dma_wait3A_333, %dma_wait3A_334] : memref<10240x8xf32, #tpu.memory_space<vmem_shared>> -> memref<10240x8xf32, #tpu.memory_space<vmem_shared>>
      tpu.wait_indirect_dma semaphore(%arg25 : memref<!tpu.dma_semaphore, #tpu.memory_space<semaphore_mem>>) src(%dma_wait3A_335 : memref<10240x8xf32, #tpu.memory_space<vmem_shared>>) dst(%dma_wait3A_330 : memref<200x8xf32, #tpu.memory_space<vmem>>)
      %mul3A_336 = arith.constant 200 : i32
      %mul3A_337 = arith.muli %add3A_307, %mul3A_336 : i32
      %dma_start3A_338 = arith.constant 1 : i32
      %dma_start3A_339 = arith.constant 0 : i32
      %dma_start3A_340 = arith.constant 0 : i32
      %dma_start3A_341 = tpu.memref_slice %arg21[%dma_start3A_338, %dma_start3A_339, %dma_start3A_340] : memref<4x200x8xf32, #tpu.memory_space<vmem>> -> memref<1x200x8xf32, #tpu.memory_space<vmem>>
      %dma_start3A_342 = tpu.memref_squeeze %dma_start3A_341 : memref<1x200x8xf32, #tpu.memory_space<vmem>> -> memref<200x8xf32, #tpu.memory_space<vmem>>
      %dma_start3A_343 = tpu.memref_slice %arg12[%mul3A_337] : memref<20000xi32, #tpu.memory_space<vmem>> -> memref<200xi32, #tpu.memory_space<vmem>>
      %dma_start3A_344 = arith.constant 0 : i32
      %dma_start3A_345 = arith.constant 0 : i32
      %dma_start3A_346 = tpu.memref_slice %arg37[%dma_start3A_344, %dma_start3A_345] : memref<10240x8xf32, #tpu.memory_space<vmem_shared>> -> memref<10240x8xf32, #tpu.memory_space<vmem_shared>>
      tpu.enqueue_indirect_dma source(%dma_start3A_342 : memref<200x8xf32, #tpu.memory_space<vmem>>) target(%dma_start3A_346 : memref<10240x8xf32, #tpu.memory_space<vmem_shared>>) offsets(%dma_start3A_343 : memref<200xi32, #tpu.memory_space<vmem>>) semaphore(%arg29 : memref<!tpu.dma_semaphore, #tpu.memory_space<semaphore_mem>>) {add = true}
      %mul3A_347 = arith.constant 4 : i32
      %mul3A_348 = arith.muli %mul3A_347, %scan3A_262 : i32
      %add3A_349 = arith.constant 2 : i32
      %add3A_350 = arith.addi %mul3A_348, %add3A_349 : i32
      %gt3A_351 = arith.constant 0 : i32
      %gt3A_352 = arith.cmpi sgt, %scan3A_262, %gt3A_351 : i32
      %convert_element_type3A_353 = arith.extui %gt3A_352 : i1 to i32
      %cond3A_354 = arith.constant 0 : i32
      %cond3A_355 = arith.cmpi ne, %convert_element_type3A_353, %cond3A_354 : i32
      scf.if %cond3A_355 {
        %dma_wait3A_430 = arith.constant 3 : i32
        %dma_wait3A_431 = arith.constant 0 : i32
        %dma_wait3A_432 = arith.constant 0 : i32
        %dma_wait3A_433 = tpu.memref_slice %arg21[%dma_wait3A_430, %dma_wait3A_431, %dma_wait3A_432] : memref<4x200x8xf32, #tpu.memory_space<vmem>> -> memref<1x200x8xf32, #tpu.memory_space<vmem>>
        %dma_wait3A_434 = tpu.memref_squeeze %dma_wait3A_433 : memref<1x200x8xf32, #tpu.memory_space<vmem>> -> memref<200x8xf32, #tpu.memory_space<vmem>>
        %dma_wait3A_435 = arith.constant 0 : i32
        %dma_wait3A_436 = tpu.memref_slice %arg12[%dma_wait3A_435] : memref<20000xi32, #tpu.memory_space<vmem>> -> memref<200xi32, #tpu.memory_space<vmem>>
        %dma_wait3A_437 = arith.constant 0 : i32
        %dma_wait3A_438 = arith.constant 0 : i32
        %dma_wait3A_439 = tpu.memref_slice %arg37[%dma_wait3A_437, %dma_wait3A_438] : memref<10240x8xf32, #tpu.memory_space<vmem_shared>> -> memref<10240x8xf32, #tpu.memory_space<vmem_shared>>
        tpu.wait_indirect_dma semaphore(%arg31 : memref<!tpu.dma_semaphore, #tpu.memory_space<semaphore_mem>>) src(%dma_wait3A_434 : memref<200x8xf32, #tpu.memory_space<vmem>>) dst(%dma_wait3A_439 : memref<10240x8xf32, #tpu.memory_space<vmem_shared>>)
      } else {
      }
      %add3A_356 = arith.constant 1 : i32
      %add3A_357 = arith.addi %add3A_350, %add3A_356 : i32
      %mul3A_358 = arith.constant 200 : i32
      %mul3A_359 = arith.muli %add3A_357, %mul3A_358 : i32
      %dma_start3A_360 = arith.constant 3 : i32
      %dma_start3A_361 = arith.constant 0 : i32
      %dma_start3A_362 = arith.constant 0 : i32
      %dma_start3A_363 = tpu.memref_slice %arg21[%dma_start3A_360, %dma_start3A_361, %dma_start3A_362] : memref<4x200x8xf32, #tpu.memory_space<vmem>> -> memref<1x200x8xf32, #tpu.memory_space<vmem>>
      %dma_start3A_364 = tpu.memref_squeeze %dma_start3A_363 : memref<1x200x8xf32, #tpu.memory_space<vmem>> -> memref<200x8xf32, #tpu.memory_space<vmem>>
      %dma_start3A_365 = tpu.memref_slice %arg11[%mul3A_359] : memref<20000xi32, #tpu.memory_space<vmem>> -> memref<200xi32, #tpu.memory_space<vmem>>
      %dma_start3A_366 = arith.constant 0 : i32
      %dma_start3A_367 = arith.constant 0 : i32
      %dma_start3A_368 = tpu.memref_slice %arg36[%dma_start3A_366, %dma_start3A_367] : memref<10240x8xf32, #tpu.memory_space<vmem_shared>> -> memref<10240x8xf32, #tpu.memory_space<vmem_shared>>
      tpu.enqueue_indirect_dma source(%dma_start3A_368 : memref<10240x8xf32, #tpu.memory_space<vmem_shared>>) target(%dma_start3A_364 : memref<200x8xf32, #tpu.memory_space<vmem>>) offsets(%dma_start3A_365 : memref<200xi32, #tpu.memory_space<vmem>>) semaphore(%arg27 : memref<!tpu.dma_semaphore, #tpu.memory_space<semaphore_mem>>)
      %dma_wait3A_369 = arith.constant 2 : i32
      %dma_wait3A_370 = arith.constant 0 : i32
      %dma_wait3A_371 = arith.constant 0 : i32
      %dma_wait3A_372 = tpu.memref_slice %arg21[%dma_wait3A_369, %dma_wait3A_370, %dma_wait3A_371] : memref<4x200x8xf32, #tpu.memory_space<vmem>> -> memref<1x200x8xf32, #tpu.memory_space<vmem>>
      %dma_wait3A_373 = tpu.memref_squeeze %dma_wait3A_372 : memref<1x200x8xf32, #tpu.memory_space<vmem>> -> memref<200x8xf32, #tpu.memory_space<vmem>>
      %dma_wait3A_374 = arith.constant 0 : i32
      %dma_wait3A_375 = tpu.memref_slice %arg11[%dma_wait3A_374] : memref<20000xi32, #tpu.memory_space<vmem>> -> memref<200xi32, #tpu.memory_space<vmem>>
      %dma_wait3A_376 = arith.constant 0 : i32
      %dma_wait3A_377 = arith.constant 0 : i32
      %dma_wait3A_378 = tpu.memref_slice %arg36[%dma_wait3A_376, %dma_wait3A_377] : memref<10240x8xf32, #tpu.memory_space<vmem_shared>> -> memref<10240x8xf32, #tpu.memory_space<vmem_shared>>
      tpu.wait_indirect_dma semaphore(%arg26 : memref<!tpu.dma_semaphore, #tpu.memory_space<semaphore_mem>>) src(%dma_wait3A_378 : memref<10240x8xf32, #tpu.memory_space<vmem_shared>>) dst(%dma_wait3A_373 : memref<200x8xf32, #tpu.memory_space<vmem>>)
      %mul3A_379 = arith.constant 200 : i32
      %mul3A_380 = arith.muli %add3A_350, %mul3A_379 : i32
      %dma_start3A_381 = arith.constant 2 : i32
      %dma_start3A_382 = arith.constant 0 : i32
      %dma_start3A_383 = arith.constant 0 : i32
      %dma_start3A_384 = tpu.memref_slice %arg21[%dma_start3A_381, %dma_start3A_382, %dma_start3A_383] : memref<4x200x8xf32, #tpu.memory_space<vmem>> -> memref<1x200x8xf32, #tpu.memory_space<vmem>>
      %dma_start3A_385 = tpu.memref_squeeze %dma_start3A_384 : memref<1x200x8xf32, #tpu.memory_space<vmem>> -> memref<200x8xf32, #tpu.memory_space<vmem>>
      %dma_start3A_386 = tpu.memref_slice %arg12[%mul3A_380] : memref<20000xi32, #tpu.memory_space<vmem>> -> memref<200xi32, #tpu.memory_space<vmem>>
      %dma_start3A_387 = arith.constant 0 : i32
      %dma_start3A_388 = arith.constant 0 : i32
      %dma_start3A_389 = tpu.memref_slice %arg37[%dma_start3A_387, %dma_start3A_388] : memref<10240x8xf32, #tpu.memory_space<vmem_shared>> -> memref<10240x8xf32, #tpu.memory_space<vmem_shared>>
      tpu.enqueue_indirect_dma source(%dma_start3A_385 : memref<200x8xf32, #tpu.memory_space<vmem>>) target(%dma_start3A_389 : memref<10240x8xf32, #tpu.memory_space<vmem_shared>>) offsets(%dma_start3A_386 : memref<200xi32, #tpu.memory_space<vmem>>) semaphore(%arg30 : memref<!tpu.dma_semaphore, #tpu.memory_space<semaphore_mem>>) {add = true}
      %mul3A_390 = arith.constant 4 : i32
      %mul3A_391 = arith.muli %mul3A_390, %scan3A_262 : i32
      %add3A_392 = arith.constant 3 : i32
      %add3A_393 = arith.addi %mul3A_391, %add3A_392 : i32
      %dma_wait3A_394 = arith.constant 0 : i32
      %dma_wait3A_395 = arith.constant 0 : i32
      %dma_wait3A_396 = arith.constant 0 : i32
      %dma_wait3A_397 = tpu.memref_slice %arg21[%dma_wait3A_394, %dma_wait3A_395, %dma_wait3A_396] : memref<4x200x8xf32, #tpu.memory_space<vmem>> -> memref<1x200x8xf32, #tpu.memory_space<vmem>>
      %dma_wait3A_398 = tpu.memref_squeeze %dma_wait3A_397 : memref<1x200x8xf32, #tpu.memory_space<vmem>> -> memref<200x8xf32, #tpu.memory_space<vmem>>
      %dma_wait3A_399 = arith.constant 0 : i32
      %dma_wait3A_400 = tpu.memref_slice %arg12[%dma_wait3A_399] : memref<20000xi32, #tpu.memory_space<vmem>> -> memref<200xi32, #tpu.memory_space<vmem>>
      %dma_wait3A_401 = arith.constant 0 : i32
      %dma_wait3A_402 = arith.constant 0 : i32
      %dma_wait3A_403 = tpu.memref_slice %arg37[%dma_wait3A_401, %dma_wait3A_402] : memref<10240x8xf32, #tpu.memory_space<vmem_shared>> -> memref<10240x8xf32, #tpu.memory_space<vmem_shared>>
      tpu.wait_indirect_dma semaphore(%arg28 : memref<!tpu.dma_semaphore, #tpu.memory_space<semaphore_mem>>) src(%dma_wait3A_398 : memref<200x8xf32, #tpu.memory_space<vmem>>) dst(%dma_wait3A_403 : memref<10240x8xf32, #tpu.memory_space<vmem_shared>>)
      %lt3A = arith.constant 24 : i32
      %lt3A_404 = arith.cmpi slt, %scan3A_262, %lt3A : i32
      %convert_element_type3A_405 = arith.extui %lt3A_404 : i1 to i32
      %cond3A_406 = arith.constant 0 : i32
      %cond3A_407 = arith.cmpi ne, %convert_element_type3A_405, %cond3A_406 : i32
      scf.if %cond3A_407 {
        %add3A_430 = arith.constant 1 : i32
        %add3A_431 = arith.addi %add3A_393, %add3A_430 : i32
        %mul3A_432 = arith.constant 200 : i32
        %mul3A_433 = arith.muli %add3A_431, %mul3A_432 : i32
        %dma_start3A_434 = arith.constant 0 : i32
        %dma_start3A_435 = arith.constant 0 : i32
        %dma_start3A_436 = arith.constant 0 : i32
        %dma_start3A_437 = tpu.memref_slice %arg21[%dma_start3A_434, %dma_start3A_435, %dma_start3A_436] : memref<4x200x8xf32, #tpu.memory_space<vmem>> -> memref<1x200x8xf32, #tpu.memory_space<vmem>>
        %dma_start3A_438 = tpu.memref_squeeze %dma_start3A_437 : memref<1x200x8xf32, #tpu.memory_space<vmem>> -> memref<200x8xf32, #tpu.memory_space<vmem>>
        %dma_start3A_439 = tpu.memref_slice %arg11[%mul3A_433] : memref<20000xi32, #tpu.memory_space<vmem>> -> memref<200xi32, #tpu.memory_space<vmem>>
        %dma_start3A_440 = arith.constant 0 : i32
        %dma_start3A_441 = arith.constant 0 : i32
        %dma_start3A_442 = tpu.memref_slice %arg36[%dma_start3A_440, %dma_start3A_441] : memref<10240x8xf32, #tpu.memory_space<vmem_shared>> -> memref<10240x8xf32, #tpu.memory_space<vmem_shared>>
        tpu.enqueue_indirect_dma source(%dma_start3A_442 : memref<10240x8xf32, #tpu.memory_space<vmem_shared>>) target(%dma_start3A_438 : memref<200x8xf32, #tpu.memory_space<vmem>>) offsets(%dma_start3A_439 : memref<200xi32, #tpu.memory_space<vmem>>) semaphore(%arg24 : memref<!tpu.dma_semaphore, #tpu.memory_space<semaphore_mem>>)
      } else {
      }
      %dma_wait3A_408 = arith.constant 3 : i32
      %dma_wait3A_409 = arith.constant 0 : i32
      %dma_wait3A_410 = arith.constant 0 : i32
      %dma_wait3A_411 = tpu.memref_slice %arg21[%dma_wait3A_408, %dma_wait3A_409, %dma_wait3A_410] : memref<4x200x8xf32, #tpu.memory_space<vmem>> -> memref<1x200x8xf32, #tpu.memory_space<vmem>>
      %dma_wait3A_412 = tpu.memref_squeeze %dma_wait3A_411 : memref<1x200x8xf32, #tpu.memory_space<vmem>> -> memref<200x8xf32, #tpu.memory_space<vmem>>
      %dma_wait3A_413 = arith.constant 0 : i32
      %dma_wait3A_414 = tpu.memref_slice %arg11[%dma_wait3A_413] : memref<20000xi32, #tpu.memory_space<vmem>> -> memref<200xi32, #tpu.memory_space<vmem>>
      %dma_wait3A_415 = arith.constant 0 : i32
      %dma_wait3A_416 = arith.constant 0 : i32
      %dma_wait3A_417 = tpu.memref_slice %arg36[%dma_wait3A_415, %dma_wait3A_416] : memref<10240x8xf32, #tpu.memory_space<vmem_shared>> -> memref<10240x8xf32, #tpu.memory_space<vmem_shared>>
      tpu.wait_indirect_dma semaphore(%arg27 : memref<!tpu.dma_semaphore, #tpu.memory_space<semaphore_mem>>) src(%dma_wait3A_417 : memref<10240x8xf32, #tpu.memory_space<vmem_shared>>) dst(%dma_wait3A_412 : memref<200x8xf32, #tpu.memory_space<vmem>>)
      %mul3A_418 = arith.constant 200 : i32
      %mul3A_419 = arith.muli %add3A_393, %mul3A_418 : i32
      %dma_start3A_420 = arith.constant 3 : i32
      %dma_start3A_421 = arith.constant 0 : i32
      %dma_start3A_422 = arith.constant 0 : i32
      %dma_start3A_423 = tpu.memref_slice %arg21[%dma_start3A_420, %dma_start3A_421, %dma_start3A_422] : memref<4x200x8xf32, #tpu.memory_space<vmem>> -> memref<1x200x8xf32, #tpu.memory_space<vmem>>
      %dma_start3A_424 = tpu.memref_squeeze %dma_start3A_423 : memref<1x200x8xf32, #tpu.memory_space<vmem>> -> memref<200x8xf32, #tpu.memory_space<vmem>>
      %dma_start3A_425 = tpu.memref_slice %arg12[%mul3A_419] : memref<20000xi32, #tpu.memory_space<vmem>> -> memref<200xi32, #tpu.memory_space<vmem>>
      %dma_start3A_426 = arith.constant 0 : i32
      %dma_start3A_427 = arith.constant 0 : i32
      %dma_start3A_428 = tpu.memref_slice %arg37[%dma_start3A_426, %dma_start3A_427] : memref<10240x8xf32, #tpu.memory_space<vmem_shared>> -> memref<10240x8xf32, #tpu.memory_space<vmem_shared>>
      tpu.enqueue_indirect_dma source(%dma_start3A_424 : memref<200x8xf32, #tpu.memory_space<vmem>>) target(%dma_start3A_428 : memref<10240x8xf32, #tpu.memory_space<vmem_shared>>) offsets(%dma_start3A_425 : memref<200xi32, #tpu.memory_space<vmem>>) semaphore(%arg31 : memref<!tpu.dma_semaphore, #tpu.memory_space<semaphore_mem>>) {add = true}
      %scan3A_429 = arith.constant 0 : i32
      scf.yield %scan3A_429 : i32
    }
    %scan3A_186 = arith.constant 25 : i32
    %dma_wait3A_187 = arith.constant 1 : i32
    %dma_wait3A_188 = arith.constant 0 : i32
    %dma_wait3A_189 = arith.constant 0 : i32
    %dma_wait3A_190 = tpu.memref_slice %arg21[%dma_wait3A_187, %dma_wait3A_188, %dma_wait3A_189] : memref<4x200x8xf32, #tpu.memory_space<vmem>> -> memref<1x200x8xf32, #tpu.memory_space<vmem>>
    %dma_wait3A_191 = tpu.memref_squeeze %dma_wait3A_190 : memref<1x200x8xf32, #tpu.memory_space<vmem>> -> memref<200x8xf32, #tpu.memory_space<vmem>>
    %dma_wait3A_192 = arith.constant 0 : i32
    %dma_wait3A_193 = tpu.memref_slice %arg12[%dma_wait3A_192] : memref<20000xi32, #tpu.memory_space<vmem>> -> memref<200xi32, #tpu.memory_space<vmem>>
    %dma_wait3A_194 = arith.constant 0 : i32
    %dma_wait3A_195 = arith.constant 0 : i32
    %dma_wait3A_196 = tpu.memref_slice %arg37[%dma_wait3A_194, %dma_wait3A_195] : memref<10240x8xf32, #tpu.memory_space<vmem_shared>> -> memref<10240x8xf32, #tpu.memory_space<vmem_shared>>
    tpu.wait_indirect_dma semaphore(%arg29 : memref<!tpu.dma_semaphore, #tpu.memory_space<semaphore_mem>>) src(%dma_wait3A_191 : memref<200x8xf32, #tpu.memory_space<vmem>>) dst(%dma_wait3A_196 : memref<10240x8xf32, #tpu.memory_space<vmem_shared>>)
    %dma_wait3A_197 = arith.constant 2 : i32
    %dma_wait3A_198 = arith.constant 0 : i32
    %dma_wait3A_199 = arith.constant 0 : i32
    %dma_wait3A_200 = tpu.memref_slice %arg21[%dma_wait3A_197, %dma_wait3A_198, %dma_wait3A_199] : memref<4x200x8xf32, #tpu.memory_space<vmem>> -> memref<1x200x8xf32, #tpu.memory_space<vmem>>
    %dma_wait3A_201 = tpu.memref_squeeze %dma_wait3A_200 : memref<1x200x8xf32, #tpu.memory_space<vmem>> -> memref<200x8xf32, #tpu.memory_space<vmem>>
    %dma_wait3A_202 = arith.constant 0 : i32
    %dma_wait3A_203 = tpu.memref_slice %arg12[%dma_wait3A_202] : memref<20000xi32, #tpu.memory_space<vmem>> -> memref<200xi32, #tpu.memory_space<vmem>>
    %dma_wait3A_204 = arith.constant 0 : i32
    %dma_wait3A_205 = arith.constant 0 : i32
    %dma_wait3A_206 = tpu.memref_slice %arg37[%dma_wait3A_204, %dma_wait3A_205] : memref<10240x8xf32, #tpu.memory_space<vmem_shared>> -> memref<10240x8xf32, #tpu.memory_space<vmem_shared>>
    tpu.wait_indirect_dma semaphore(%arg30 : memref<!tpu.dma_semaphore, #tpu.memory_space<semaphore_mem>>) src(%dma_wait3A_201 : memref<200x8xf32, #tpu.memory_space<vmem>>) dst(%dma_wait3A_206 : memref<10240x8xf32, #tpu.memory_space<vmem_shared>>)
    %dma_wait3A_207 = arith.constant 3 : i32
    %dma_wait3A_208 = arith.constant 0 : i32
    %dma_wait3A_209 = arith.constant 0 : i32
    %dma_wait3A_210 = tpu.memref_slice %arg21[%dma_wait3A_207, %dma_wait3A_208, %dma_wait3A_209] : memref<4x200x8xf32, #tpu.memory_space<vmem>> -> memref<1x200x8xf32, #tpu.memory_space<vmem>>
    %dma_wait3A_211 = tpu.memref_squeeze %dma_wait3A_210 : memref<1x200x8xf32, #tpu.memory_space<vmem>> -> memref<200x8xf32, #tpu.memory_space<vmem>>
    %dma_wait3A_212 = arith.constant 0 : i32
    %dma_wait3A_213 = tpu.memref_slice %arg12[%dma_wait3A_212] : memref<20000xi32, #tpu.memory_space<vmem>> -> memref<200xi32, #tpu.memory_space<vmem>>
    %dma_wait3A_214 = arith.constant 0 : i32
    %dma_wait3A_215 = arith.constant 0 : i32
    %dma_wait3A_216 = tpu.memref_slice %arg37[%dma_wait3A_214, %dma_wait3A_215] : memref<10240x8xf32, #tpu.memory_space<vmem_shared>> -> memref<10240x8xf32, #tpu.memory_space<vmem_shared>>
    tpu.wait_indirect_dma semaphore(%arg31 : memref<!tpu.dma_semaphore, #tpu.memory_space<semaphore_mem>>) src(%dma_wait3A_211 : memref<200x8xf32, #tpu.memory_space<vmem>>) dst(%dma_wait3A_216 : memref<10240x8xf32, #tpu.memory_space<vmem_shared>>)
    %barrier3A_217 = arith.constant 0 : index
    tpu.barrier barrier_id(%barrier3A_217)
    "tpu.region"() ({
      %run_scoped3A = tpu.sem_alloc : memref<!tpu.dma_semaphore, #tpu.memory_space<semaphore_mem>>
      %dma_start3A_262 = arith.constant 0 : i32
      %dma_start3A_263 = tpu.memref_slice %arg37[%mul3A_0, %dma_start3A_262] : memref<10240x8xf32, #tpu.memory_space<vmem_shared>> -> memref<640x8xf32, #tpu.memory_space<vmem_shared>>
      %dma_start3A_264 = arith.constant 0 : i32
      %dma_start3A_265 = tpu.memref_slice %arg37[%mul3A_0, %dma_start3A_264] : memref<10240x8xf32, #tpu.memory_space<vmem_shared>> -> memref<640x8xf32, #tpu.memory_space<vmem_shared>>
      tpu.enqueue_dma source(%dma_start3A_265 : memref<640x8xf32, #tpu.memory_space<vmem_shared>>) target(%arg18 : memref<640x8xf32, #tpu.memory_space<vmem>>) target_semaphore(%run_scoped3A : memref<!tpu.dma_semaphore, #tpu.memory_space<semaphore_mem>>)
      %dma_wait3A_266 = arith.constant 0 : i32
      %dma_wait3A_267 = tpu.memref_slice %arg37[%mul3A_0, %dma_wait3A_266] : memref<10240x8xf32, #tpu.memory_space<vmem_shared>> -> memref<640x8xf32, #tpu.memory_space<vmem_shared>>
      %dma_wait3A_268 = arith.constant 0 : i32
      %dma_wait3A_269 = tpu.memref_slice %arg37[%mul3A_0, %dma_wait3A_268] : memref<10240x8xf32, #tpu.memory_space<vmem_shared>> -> memref<640x8xf32, #tpu.memory_space<vmem_shared>>
      tpu.wait_dma2 semaphore(%run_scoped3A : memref<!tpu.dma_semaphore, #tpu.memory_space<semaphore_mem>>) src(%dma_wait3A_269 : memref<640x8xf32, #tpu.memory_space<vmem_shared>>) dst(%arg18 : memref<640x8xf32, #tpu.memory_space<vmem>>)
      tpu.yield
    }) : () -> ()
    "tpu.region"() ({
      %run_scoped3A = tpu.sem_alloc : memref<!tpu.dma_semaphore, #tpu.memory_space<semaphore_mem>>
      %dma_start3A_262 = arith.constant 0 : i32
      %dma_start3A_263 = tpu.memref_slice %arg36[%mul3A_0, %dma_start3A_262] : memref<10240x8xf32, #tpu.memory_space<vmem_shared>> -> memref<640x8xf32, #tpu.memory_space<vmem_shared>>
      %dma_start3A_264 = arith.constant 0 : i32
      %dma_start3A_265 = tpu.memref_slice %arg36[%mul3A_0, %dma_start3A_264] : memref<10240x8xf32, #tpu.memory_space<vmem_shared>> -> memref<640x8xf32, #tpu.memory_space<vmem_shared>>
      tpu.enqueue_dma source(%dma_start3A_265 : memref<640x8xf32, #tpu.memory_space<vmem_shared>>) target(%arg19 : memref<640x8xf32, #tpu.memory_space<vmem>>) target_semaphore(%run_scoped3A : memref<!tpu.dma_semaphore, #tpu.memory_space<semaphore_mem>>)
      %dma_wait3A_266 = arith.constant 0 : i32
      %dma_wait3A_267 = tpu.memref_slice %arg36[%mul3A_0, %dma_wait3A_266] : memref<10240x8xf32, #tpu.memory_space<vmem_shared>> -> memref<640x8xf32, #tpu.memory_space<vmem_shared>>
      %dma_wait3A_268 = arith.constant 0 : i32
      %dma_wait3A_269 = tpu.memref_slice %arg36[%mul3A_0, %dma_wait3A_268] : memref<10240x8xf32, #tpu.memory_space<vmem_shared>> -> memref<640x8xf32, #tpu.memory_space<vmem_shared>>
      tpu.wait_dma2 semaphore(%run_scoped3A : memref<!tpu.dma_semaphore, #tpu.memory_space<semaphore_mem>>) src(%dma_wait3A_269 : memref<640x8xf32, #tpu.memory_space<vmem_shared>>) dst(%arg19 : memref<640x8xf32, #tpu.memory_space<vmem>>)
      tpu.yield
    }) : () -> ()
    %broadcast_in_dim3A_218 = arith.constant 8 : i32
    %broadcast_in_dim3A_219 = vector.broadcast %broadcast_in_dim3A_218 : i32 to vector<16xi32>
    %add3A_220 = arith.addi %broadcast_in_dim3A_219, %and3A_10 : vector<16xi32>
    %gather3A_221 = tpu.vector_load_idx %arg22[%add3A_220] : memref<64xf32, #tpu.memory_space<vmem>>[vector<16xi32>], vector<16xf32>,
    %scan3A_222 = arith.constant 0 : i32
    %scan3A_223 = arith.constant 0 : i32
    %scan3A_224 = arith.constant 160 : i32
    %scan3A_225 = arith.addi %scan3A_223, %scan3A_224 : i32
    %scan3A_226 = arith.constant 1 : i32
    %scan3A_227 = scf.for %scan3A_262 = %scan3A_223 to %scan3A_225 step %scan3A_226 iter_args(%scan3A_263 = %scan3A_222) -> (i32)  : i32 {
      %mul3A_264 = arith.constant 4 : i32
      %mul3A_265 = arith.muli %mul3A_264, %scan3A_262 : i32
      %add3A_266 = vector.broadcast %mul3A_265 : i32 to vector<16xi32>
      %add3A_267 = arith.addi %shift_right_logical3A_7, %add3A_266 : vector<16xi32>
      %gather3A_268 = tpu.vector_load_idx %arg18[%add3A_267, %and3A_10] : memref<640x8xf32, #tpu.memory_space<vmem>>[vector<16xi32>, vector<16xi32>], vector<16xf32>,
      %gather3A_269 = tpu.vector_load_idx %arg19[%add3A_267, %and3A_10] : memref<640x8xf32, #tpu.memory_space<vmem>>[vector<16xi32>, vector<16xi32>], vector<16xf32>,
      %gather3A_270 = tpu.vector_load_idx %arg17[%add3A_267] : memref<640xf32, #tpu.memory_space<vmem>>[vector<16xi32>], vector<16xf32>,
      %add3A_271 = arith.addf %gather3A_268, %gather3A_269 : vector<16xf32>
      %mul3A_272 = arith.mulf %gather3A_270, %add3A_271 : vector<16xf32>
      %add3A_273 = arith.addf %mul3A_272, %gather3A_221 : vector<16xf32>
      tpu.vector_store_idx %arg18[%add3A_267, %and3A_10], %add3A_273 : memref<640x8xf32, #tpu.memory_space<vmem>>[vector<16xi32>, vector<16xi32>], vector<16xf32>,
      %scan3A_274 = arith.constant 0 : i32
      scf.yield %scan3A_274 : i32
    }
    %scan3A_228 = arith.constant 160 : i32
    %scan3A_229 = arith.constant 0 : i32
    %scan3A_230 = arith.constant 0 : i32
    %scan3A_231 = arith.constant 40 : i32
    %scan3A_232 = arith.addi %scan3A_230, %scan3A_231 : i32
    %scan3A_233 = arith.constant 1 : i32
    %scan3A_234 = scf.for %scan3A_262 = %scan3A_230 to %scan3A_232 step %scan3A_233 iter_args(%scan3A_263 = %scan3A_229) -> (i32)  : i32 {
      %mul3A_264 = arith.constant 16 : i32
      %mul3A_265 = arith.muli %mul3A_264, %scan3A_262 : i32
      %add3A_266 = vector.broadcast %mul3A_265 : i32 to vector<16xi32>
      %add3A_267 = arith.addi %iota3A, %add3A_266 : vector<16xi32>
      %add3A_268 = vector.broadcast %mul3A_0 : i32 to vector<16xi32>
      %add3A_269 = arith.addi %add3A_267, %add3A_268 : vector<16xi32>
      %lt3A = arith.constant 10000 : i32
      %lt3A_270 = vector.broadcast %lt3A : i32 to vector<16xi32>
      %lt3A_271 = arith.cmpi slt, %add3A_269, %lt3A_270 : vector<16xi32>
      %jit3A = arith.constant 1.000000e+00 : f32
      %jit3A_272 = arith.constant 0.000000e+00 : f32
      %broadcast_in_dim3A_273 = vector.broadcast %jit3A : f32 to vector<16xf32>
      %broadcast_in_dim3A_274 = vector.broadcast %jit3A_272 : f32 to vector<16xf32>
      %select_n3A = arith.select %lt3A_271, %broadcast_in_dim3A_273, %broadcast_in_dim3A_274 : vector<16xi1>, vector<16xf32>
      %broadcast_in_dim3A_275 = arith.constant 4 : i32
      %broadcast_in_dim3A_276 = vector.broadcast %broadcast_in_dim3A_275 : i32 to vector<16xi32>
      tpu.vector_store_idx %arg18[%add3A_267, %broadcast_in_dim3A_276], %select_n3A : memref<640x8xf32, #tpu.memory_space<vmem>>[vector<16xi32>, vector<16xi32>], vector<16xf32>,
      %scan3A_277 = arith.constant 0 : i32
      scf.yield %scan3A_277 : i32
    }
    %scan3A_235 = arith.constant 40 : i32
    %scan3A_236 = arith.constant 0 : i32
    %scan3A_237 = arith.constant 0 : i32
    %scan3A_238 = arith.constant 5 : i32
    %scan3A_239 = arith.addi %scan3A_237, %scan3A_238 : i32
    %scan3A_240 = arith.constant 1 : i32
    %scan3A_241 = scf.for %scan3A_262 = %scan3A_237 to %scan3A_239 step %scan3A_240 iter_args(%scan3A_263 = %scan3A_236) -> (i32)  : i32 {
      %mul3A_264 = arith.constant 128 : i32
      %mul3A_265 = arith.muli %scan3A_262, %mul3A_264 : i32
      %mul3A_266 = arith.constant 5 : i32
      %mul3A_267 = arith.muli %arg1, %mul3A_266 : i32
      %add3A_268 = arith.addi %mul3A_267, %scan3A_262 : i32
      "tpu.region"() ({
        %run_scoped3A = tpu.sem_alloc : memref<!tpu.dma_semaphore, #tpu.memory_space<semaphore_mem>>
        %dma_start3A_270 = arith.constant 0 : i32
        %dma_start3A_271 = tpu.memref_slice %arg18[%mul3A_265, %dma_start3A_270] : memref<640x8xf32, #tpu.memory_space<vmem>> -> memref<128x8xf32, #tpu.memory_space<vmem>>
        %dma_start3A_272 = arith.constant 0 : i32
        %dma_start3A_273 = tpu.memref_slice %arg13[%add3A_268, %dma_start3A_272] : memref<80x128xi32, #tpu.memory_space<vmem>> -> memref<1x128xi32, #tpu.memory_space<vmem>>
        %dma_start3A_274 = tpu.memref_squeeze %dma_start3A_273 : memref<1x128xi32, #tpu.memory_space<vmem>> -> memref<128xi32, #tpu.memory_space<vmem>>
        %dma_start3A_275 = arith.constant 0 : i32
        %dma_start3A_276 = arith.constant 0 : i32
        %dma_start3A_277 = tpu.memref_slice %arg38[%dma_start3A_275, %dma_start3A_276] : memref<1152x8xf32, #tpu.memory_space<vmem_shared>> -> memref<1152x8xf32, #tpu.memory_space<vmem_shared>>
        tpu.enqueue_indirect_dma source(%dma_start3A_271 : memref<128x8xf32, #tpu.memory_space<vmem>>) target(%dma_start3A_277 : memref<1152x8xf32, #tpu.memory_space<vmem_shared>>) offsets(%dma_start3A_274 : memref<128xi32, #tpu.memory_space<vmem>>) semaphore(%run_scoped3A : memref<!tpu.dma_semaphore, #tpu.memory_space<semaphore_mem>>) {add = true}
        %dma_wait3A_278 = arith.constant 0 : i32
        %dma_wait3A_279 = tpu.memref_slice %arg18[%mul3A_265, %dma_wait3A_278] : memref<640x8xf32, #tpu.memory_space<vmem>> -> memref<128x8xf32, #tpu.memory_space<vmem>>
        %dma_wait3A_280 = arith.constant 0 : i32
        %dma_wait3A_281 = tpu.memref_slice %arg13[%add3A_268, %dma_wait3A_280] : memref<80x128xi32, #tpu.memory_space<vmem>> -> memref<1x128xi32, #tpu.memory_space<vmem>>
        %dma_wait3A_282 = tpu.memref_squeeze %dma_wait3A_281 : memref<1x128xi32, #tpu.memory_space<vmem>> -> memref<128xi32, #tpu.memory_space<vmem>>
        %dma_wait3A_283 = arith.constant 0 : i32
        %dma_wait3A_284 = arith.constant 0 : i32
        %dma_wait3A_285 = tpu.memref_slice %arg38[%dma_wait3A_283, %dma_wait3A_284] : memref<1152x8xf32, #tpu.memory_space<vmem_shared>> -> memref<1152x8xf32, #tpu.memory_space<vmem_shared>>
        tpu.wait_indirect_dma semaphore(%run_scoped3A : memref<!tpu.dma_semaphore, #tpu.memory_space<semaphore_mem>>) src(%dma_wait3A_279 : memref<128x8xf32, #tpu.memory_space<vmem>>) dst(%dma_wait3A_285 : memref<1152x8xf32, #tpu.memory_space<vmem_shared>>)
        tpu.yield
      }) : () -> ()
      %scan3A_269 = arith.constant 0 : i32
      scf.yield %scan3A_269 : i32
    }
    %scan3A_242 = arith.constant 5 : i32
    %barrier3A_243 = arith.constant 0 : index
    tpu.barrier barrier_id(%barrier3A_243)
    %mul3A_244 = arith.constant 64 : i32
    %mul3A_245 = arith.muli %arg1, %mul3A_244 : i32
    "tpu.region"() ({
      %run_scoped3A = tpu.sem_alloc : memref<!tpu.dma_semaphore, #tpu.memory_space<semaphore_mem>>
      %dma_start3A_262 = arith.constant 0 : i32
      %dma_start3A_263 = arith.constant 0 : i32
      %dma_start3A_264 = tpu.memref_slice %arg18[%dma_start3A_262, %dma_start3A_263] : memref<640x8xf32, #tpu.memory_space<vmem>> -> memref<64x8xf32, #tpu.memory_space<vmem>>
      %dma_start3A_265 = arith.constant 0 : i32
      %dma_start3A_266 = tpu.memref_slice %arg38[%mul3A_245, %dma_start3A_265] : memref<1152x8xf32, #tpu.memory_space<vmem_shared>> -> memref<64x8xf32, #tpu.memory_space<vmem_shared>>
      %dma_start3A_267 = arith.constant 0 : i32
      %dma_start3A_268 = arith.constant 0 : i32
      %dma_start3A_269 = tpu.memref_slice %arg18[%dma_start3A_267, %dma_start3A_268] : memref<640x8xf32, #tpu.memory_space<vmem>> -> memref<64x8xf32, #tpu.memory_space<vmem>>
      %dma_start3A_270 = arith.constant 0 : i32
      %dma_start3A_271 = tpu.memref_slice %arg38[%mul3A_245, %dma_start3A_270] : memref<1152x8xf32, #tpu.memory_space<vmem_shared>> -> memref<64x8xf32, #tpu.memory_space<vmem_shared>>
      tpu.enqueue_dma source(%dma_start3A_271 : memref<64x8xf32, #tpu.memory_space<vmem_shared>>) target(%dma_start3A_269 : memref<64x8xf32, #tpu.memory_space<vmem>>) target_semaphore(%run_scoped3A : memref<!tpu.dma_semaphore, #tpu.memory_space<semaphore_mem>>)
      %dma_wait3A_272 = arith.constant 0 : i32
      %dma_wait3A_273 = arith.constant 0 : i32
      %dma_wait3A_274 = tpu.memref_slice %arg18[%dma_wait3A_272, %dma_wait3A_273] : memref<640x8xf32, #tpu.memory_space<vmem>> -> memref<64x8xf32, #tpu.memory_space<vmem>>
      %dma_wait3A_275 = arith.constant 0 : i32
      %dma_wait3A_276 = tpu.memref_slice %arg38[%mul3A_245, %dma_wait3A_275] : memref<1152x8xf32, #tpu.memory_space<vmem_shared>> -> memref<64x8xf32, #tpu.memory_space<vmem_shared>>
      %dma_wait3A_277 = arith.constant 0 : i32
      %dma_wait3A_278 = arith.constant 0 : i32
      %dma_wait3A_279 = tpu.memref_slice %arg18[%dma_wait3A_277, %dma_wait3A_278] : memref<640x8xf32, #tpu.memory_space<vmem>> -> memref<64x8xf32, #tpu.memory_space<vmem>>
      %dma_wait3A_280 = arith.constant 0 : i32
      %dma_wait3A_281 = tpu.memref_slice %arg38[%mul3A_245, %dma_wait3A_280] : memref<1152x8xf32, #tpu.memory_space<vmem_shared>> -> memref<64x8xf32, #tpu.memory_space<vmem_shared>>
      tpu.wait_dma2 semaphore(%run_scoped3A : memref<!tpu.dma_semaphore, #tpu.memory_space<semaphore_mem>>) src(%dma_wait3A_281 : memref<64x8xf32, #tpu.memory_space<vmem_shared>>) dst(%dma_wait3A_279 : memref<64x8xf32, #tpu.memory_space<vmem>>)
      tpu.yield
    }) : () -> ()
    "tpu.region"() ({
      %run_scoped3A = tpu.sem_alloc : memref<!tpu.dma_semaphore, #tpu.memory_space<semaphore_mem>>
      %dma_start3A_262 = arith.constant 0 : i32
      %dma_start3A_263 = arith.constant 0 : i32
      %dma_start3A_264 = tpu.memref_slice %arg20[%dma_start3A_262, %dma_start3A_263] : memref<640x4xf32, #tpu.memory_space<vmem>> -> memref<64x4xf32, #tpu.memory_space<vmem>>
      %dma_start3A_265 = arith.constant 0 : i32
      %dma_start3A_266 = tpu.memref_slice %arg6[%mul3A_245, %dma_start3A_265] : memref<1024x4xf32, #tpu.memory_space<hbm>> -> memref<64x4xf32, #tpu.memory_space<hbm>>
      %dma_start3A_267 = arith.constant 0 : i32
      %dma_start3A_268 = arith.constant 0 : i32
      %dma_start3A_269 = tpu.memref_slice %arg20[%dma_start3A_267, %dma_start3A_268] : memref<640x4xf32, #tpu.memory_space<vmem>> -> memref<64x4xf32, #tpu.memory_space<vmem>>
      %dma_start3A_270 = arith.constant 0 : i32
      %dma_start3A_271 = tpu.memref_slice %arg6[%mul3A_245, %dma_start3A_270] : memref<1024x4xf32, #tpu.memory_space<hbm>> -> memref<64x4xf32, #tpu.memory_space<hbm>>
      tpu.enqueue_dma source(%dma_start3A_271 : memref<64x4xf32, #tpu.memory_space<hbm>>) target(%dma_start3A_269 : memref<64x4xf32, #tpu.memory_space<vmem>>) target_semaphore(%run_scoped3A : memref<!tpu.dma_semaphore, #tpu.memory_space<semaphore_mem>>)
      %dma_wait3A_272 = arith.constant 0 : i32
      %dma_wait3A_273 = arith.constant 0 : i32
      %dma_wait3A_274 = tpu.memref_slice %arg20[%dma_wait3A_272, %dma_wait3A_273] : memref<640x4xf32, #tpu.memory_space<vmem>> -> memref<64x4xf32, #tpu.memory_space<vmem>>
      %dma_wait3A_275 = arith.constant 0 : i32
      %dma_wait3A_276 = tpu.memref_slice %arg6[%mul3A_245, %dma_wait3A_275] : memref<1024x4xf32, #tpu.memory_space<hbm>> -> memref<64x4xf32, #tpu.memory_space<hbm>>
      %dma_wait3A_277 = arith.constant 0 : i32
      %dma_wait3A_278 = arith.constant 0 : i32
      %dma_wait3A_279 = tpu.memref_slice %arg20[%dma_wait3A_277, %dma_wait3A_278] : memref<640x4xf32, #tpu.memory_space<vmem>> -> memref<64x4xf32, #tpu.memory_space<vmem>>
      %dma_wait3A_280 = arith.constant 0 : i32
      %dma_wait3A_281 = tpu.memref_slice %arg6[%mul3A_245, %dma_wait3A_280] : memref<1024x4xf32, #tpu.memory_space<hbm>> -> memref<64x4xf32, #tpu.memory_space<hbm>>
      tpu.wait_dma2 semaphore(%run_scoped3A : memref<!tpu.dma_semaphore, #tpu.memory_space<semaphore_mem>>) src(%dma_wait3A_281 : memref<64x4xf32, #tpu.memory_space<hbm>>) dst(%dma_wait3A_279 : memref<64x4xf32, #tpu.memory_space<vmem>>)
      tpu.yield
    }) : () -> ()
    "tpu.region"() ({
      %run_scoped3A = tpu.sem_alloc : memref<!tpu.dma_semaphore, #tpu.memory_space<semaphore_mem>>
      %dma_start3A_262 = arith.constant 0 : i32
      %dma_start3A_263 = arith.constant 0 : i32
      %dma_start3A_264 = tpu.memref_slice %arg23[%dma_start3A_262, %dma_start3A_263] : memref<64x1xf32, #tpu.memory_space<vmem>> -> memref<64x1xf32, #tpu.memory_space<vmem>>
      %dma_start3A_265 = arith.constant 0 : i32
      %dma_start3A_266 = tpu.memref_slice %arg7[%mul3A_245, %dma_start3A_265] : memref<1024x1xf32, #tpu.memory_space<hbm>> -> memref<64x1xf32, #tpu.memory_space<hbm>>
      %dma_start3A_267 = arith.constant 0 : i32
      %dma_start3A_268 = arith.constant 0 : i32
      %dma_start3A_269 = tpu.memref_slice %arg23[%dma_start3A_267, %dma_start3A_268] : memref<64x1xf32, #tpu.memory_space<vmem>> -> memref<64x1xf32, #tpu.memory_space<vmem>>
      %dma_start3A_270 = arith.constant 0 : i32
      %dma_start3A_271 = tpu.memref_slice %arg7[%mul3A_245, %dma_start3A_270] : memref<1024x1xf32, #tpu.memory_space<hbm>> -> memref<64x1xf32, #tpu.memory_space<hbm>>
      tpu.enqueue_dma source(%dma_start3A_271 : memref<64x1xf32, #tpu.memory_space<hbm>>) target(%dma_start3A_269 : memref<64x1xf32, #tpu.memory_space<vmem>>) target_semaphore(%run_scoped3A : memref<!tpu.dma_semaphore, #tpu.memory_space<semaphore_mem>>)
      %dma_wait3A_272 = arith.constant 0 : i32
      %dma_wait3A_273 = arith.constant 0 : i32
      %dma_wait3A_274 = tpu.memref_slice %arg23[%dma_wait3A_272, %dma_wait3A_273] : memref<64x1xf32, #tpu.memory_space<vmem>> -> memref<64x1xf32, #tpu.memory_space<vmem>>
      %dma_wait3A_275 = arith.constant 0 : i32
      %dma_wait3A_276 = tpu.memref_slice %arg7[%mul3A_245, %dma_wait3A_275] : memref<1024x1xf32, #tpu.memory_space<hbm>> -> memref<64x1xf32, #tpu.memory_space<hbm>>
      %dma_wait3A_277 = arith.constant 0 : i32
      %dma_wait3A_278 = arith.constant 0 : i32
      %dma_wait3A_279 = tpu.memref_slice %arg23[%dma_wait3A_277, %dma_wait3A_278] : memref<64x1xf32, #tpu.memory_space<vmem>> -> memref<64x1xf32, #tpu.memory_space<vmem>>
      %dma_wait3A_280 = arith.constant 0 : i32
      %dma_wait3A_281 = tpu.memref_slice %arg7[%mul3A_245, %dma_wait3A_280] : memref<1024x1xf32, #tpu.memory_space<hbm>> -> memref<64x1xf32, #tpu.memory_space<hbm>>
      tpu.wait_dma2 semaphore(%run_scoped3A : memref<!tpu.dma_semaphore, #tpu.memory_space<semaphore_mem>>) src(%dma_wait3A_281 : memref<64x1xf32, #tpu.memory_space<hbm>>) dst(%dma_wait3A_279 : memref<64x1xf32, #tpu.memory_space<vmem>>)
      tpu.yield
    }) : () -> ()
    %broadcast_in_dim3A_246 = arith.constant 4 : i32
    %broadcast_in_dim3A_247 = vector.broadcast %broadcast_in_dim3A_246 : i32 to vector<16xi32>
    %scan3A_248 = arith.constant 0 : i32
    %scan3A_249 = arith.constant 0 : i32
    %scan3A_250 = arith.constant 16 : i32
    %scan3A_251 = arith.addi %scan3A_249, %scan3A_250 : i32
    %scan3A_252 = arith.constant 1 : i32
    %scan3A_253 = scf.for %scan3A_262 = %scan3A_249 to %scan3A_251 step %scan3A_252 iter_args(%scan3A_263 = %scan3A_248) -> (i32)  : i32 {
      %mul3A_264 = arith.constant 4 : i32
      %mul3A_265 = arith.muli %mul3A_264, %scan3A_262 : i32
      %add3A_266 = vector.broadcast %mul3A_265 : i32 to vector<16xi32>
      %add3A_267 = arith.addi %shift_right_logical3A_7, %add3A_266 : vector<16xi32>
      %gather3A_268 = tpu.vector_load_idx %arg18[%add3A_267, %and3A_10] : memref<640x8xf32, #tpu.memory_space<vmem>>[vector<16xi32>, vector<16xi32>], vector<16xf32>,
      %gather3A_269 = tpu.vector_load_idx %arg18[%add3A_267, %broadcast_in_dim3A_247] : memref<640x8xf32, #tpu.memory_space<vmem>>[vector<16xi32>, vector<16xi32>], vector<16xf32>,
      %gt3A = arith.constant 0.000000e+00 : f32
      %gt3A_270 = vector.broadcast %gt3A : f32 to vector<16xf32>
      %gt3A_271 = arith.cmpf ogt, %gather3A_269, %gt3A_270 : vector<16xf32>
      %max3A = arith.constant 1.000000e+00 : f32
      %max3A_272 = vector.broadcast %max3A : f32 to vector<16xf32>
      %max3A_273 = arith.maximumf %gather3A_269, %max3A_272 : vector<16xf32>
      %div3A = arith.divf %gather3A_268, %max3A_273 : vector<16xf32>
      %jit3A = arith.constant 0.000000e+00 : f32
      %broadcast_in_dim3A_274 = vector.broadcast %jit3A : f32 to vector<16xf32>
      %select_n3A = arith.select %gt3A_271, %div3A, %broadcast_in_dim3A_274 : vector<16xi1>, vector<16xf32>
      %gather3A_275 = tpu.vector_load_idx %arg20[%add3A_267, %and3A_10] : memref<640x4xf32, #tpu.memory_space<vmem>>[vector<16xi32>, vector<16xi32>], vector<16xf32>,
      tpu.vector_store_idx %arg19[%add3A_267, %and3A_10], %gather3A_275 : memref<640x8xf32, #tpu.memory_space<vmem>>[vector<16xi32>, vector<16xi32>], vector<16xf32>,
      %add3A_276 = arith.constant 4 : i32
      %add3A_277 = vector.broadcast %add3A_276 : i32 to vector<16xi32>
      %add3A_278 = arith.addi %and3A_10, %add3A_277 : vector<16xi32>
      tpu.vector_store_idx %arg19[%add3A_267, %add3A_278], %select_n3A : memref<640x8xf32, #tpu.memory_space<vmem>>[vector<16xi32>, vector<16xi32>], vector<16xf32>,
      %scan3A_279 = arith.constant 0 : i32
      scf.yield %scan3A_279 : i32
    }
    %scan3A_254 = arith.constant 16 : i32
    "tpu.region"() ({
      %run_scoped3A = tpu.sem_alloc : memref<!tpu.dma_semaphore, #tpu.memory_space<semaphore_mem>>
      %dma_start3A_262 = arith.constant 0 : i32
      %dma_start3A_263 = arith.constant 0 : i32
      %dma_start3A_264 = tpu.memref_slice %arg19[%dma_start3A_262, %dma_start3A_263] : memref<640x8xf32, #tpu.memory_space<vmem>> -> memref<64x8xf32, #tpu.memory_space<vmem>>
      %dma_start3A_265 = arith.constant 0 : i32
      %dma_start3A_266 = tpu.memref_slice %arg9[%mul3A_245, %dma_start3A_265] : memref<1024x8xf32, #tpu.memory_space<hbm>> -> memref<64x8xf32, #tpu.memory_space<hbm>>
      %dma_start3A_267 = arith.constant 0 : i32
      %dma_start3A_268 = tpu.memref_slice %arg9[%mul3A_245, %dma_start3A_267] : memref<1024x8xf32, #tpu.memory_space<hbm>> -> memref<64x8xf32, #tpu.memory_space<hbm>>
      %dma_start3A_269 = arith.constant 0 : i32
      %dma_start3A_270 = arith.constant 0 : i32
      %dma_start3A_271 = tpu.memref_slice %arg19[%dma_start3A_269, %dma_start3A_270] : memref<640x8xf32, #tpu.memory_space<vmem>> -> memref<64x8xf32, #tpu.memory_space<vmem>>
      tpu.enqueue_dma source(%dma_start3A_271 : memref<64x8xf32, #tpu.memory_space<vmem>>) target(%dma_start3A_268 : memref<64x8xf32, #tpu.memory_space<hbm>>) target_semaphore(%run_scoped3A : memref<!tpu.dma_semaphore, #tpu.memory_space<semaphore_mem>>)
      %dma_wait3A_272 = arith.constant 0 : i32
      %dma_wait3A_273 = arith.constant 0 : i32
      %dma_wait3A_274 = tpu.memref_slice %arg19[%dma_wait3A_272, %dma_wait3A_273] : memref<640x8xf32, #tpu.memory_space<vmem>> -> memref<64x8xf32, #tpu.memory_space<vmem>>
      %dma_wait3A_275 = arith.constant 0 : i32
      %dma_wait3A_276 = tpu.memref_slice %arg9[%mul3A_245, %dma_wait3A_275] : memref<1024x8xf32, #tpu.memory_space<hbm>> -> memref<64x8xf32, #tpu.memory_space<hbm>>
      %dma_wait3A_277 = arith.constant 0 : i32
      %dma_wait3A_278 = tpu.memref_slice %arg9[%mul3A_245, %dma_wait3A_277] : memref<1024x8xf32, #tpu.memory_space<hbm>> -> memref<64x8xf32, #tpu.memory_space<hbm>>
      %dma_wait3A_279 = arith.constant 0 : i32
      %dma_wait3A_280 = arith.constant 0 : i32
      %dma_wait3A_281 = tpu.memref_slice %arg19[%dma_wait3A_279, %dma_wait3A_280] : memref<640x8xf32, #tpu.memory_space<vmem>> -> memref<64x8xf32, #tpu.memory_space<vmem>>
      tpu.wait_dma2 semaphore(%run_scoped3A : memref<!tpu.dma_semaphore, #tpu.memory_space<semaphore_mem>>) src(%dma_wait3A_281 : memref<64x8xf32, #tpu.memory_space<vmem>>) dst(%dma_wait3A_278 : memref<64x8xf32, #tpu.memory_space<hbm>>)
      tpu.yield
    }) : () -> ()
    %scan3A_255 = arith.constant 0 : i32
    %scan3A_256 = arith.constant 0 : i32
    %scan3A_257 = arith.constant 4 : i32
    %scan3A_258 = arith.addi %scan3A_256, %scan3A_257 : i32
    %scan3A_259 = arith.constant 1 : i32
    %scan3A_260 = scf.for %scan3A_262 = %scan3A_256 to %scan3A_258 step %scan3A_259 iter_args(%scan3A_263 = %scan3A_255) -> (i32)  : i32 {
      %mul3A_264 = arith.constant 16 : i32
      %mul3A_265 = arith.muli %mul3A_264, %scan3A_262 : i32
      %add3A_266 = vector.broadcast %mul3A_265 : i32 to vector<16xi32>
      %add3A_267 = arith.addi %iota3A, %add3A_266 : vector<16xi32>
      %gather3A_268 = tpu.vector_load_idx %arg23[%add3A_267, %broadcast_in_dim3A_13] : memref<64x1xf32, #tpu.memory_space<vmem>>[vector<16xi32>, vector<16xi32>], vector<16xf32>,
      %broadcast_in_dim3A_269 = arith.constant 12 : i32
      %broadcast_in_dim3A_270 = vector.broadcast %broadcast_in_dim3A_269 : i32 to vector<16xi32>
      %gather3A_271 = tpu.vector_load_idx %arg22[%broadcast_in_dim3A_270] : memref<64xf32, #tpu.memory_space<vmem>>[vector<16xi32>], vector<16xf32>,
      %broadcast_in_dim3A_272 = arith.constant 4 : i32
      %broadcast_in_dim3A_273 = vector.broadcast %broadcast_in_dim3A_272 : i32 to vector<16xi32>
      %gather3A_274 = tpu.vector_load_idx %arg19[%add3A_267, %broadcast_in_dim3A_273] : memref<640x8xf32, #tpu.memory_space<vmem>>[vector<16xi32>, vector<16xi32>], vector<16xf32>,
      %mul3A_275 = arith.mulf %gather3A_274, %gather3A_271 : vector<16xf32>
      %add3A_276 = arith.addf %gather3A_268, %mul3A_275 : vector<16xf32>
      %broadcast_in_dim3A_277 = arith.constant 13 : i32
      %broadcast_in_dim3A_278 = vector.broadcast %broadcast_in_dim3A_277 : i32 to vector<16xi32>
      %gather3A_279 = tpu.vector_load_idx %arg22[%broadcast_in_dim3A_278] : memref<64xf32, #tpu.memory_space<vmem>>[vector<16xi32>], vector<16xf32>,
      %broadcast_in_dim3A_280 = arith.constant 5 : i32
      %broadcast_in_dim3A_281 = vector.broadcast %broadcast_in_dim3A_280 : i32 to vector<16xi32>
      %gather3A_282 = tpu.vector_load_idx %arg19[%add3A_267, %broadcast_in_dim3A_281] : memref<640x8xf32, #tpu.memory_space<vmem>>[vector<16xi32>, vector<16xi32>], vector<16xf32>,
      %mul3A_283 = arith.mulf %gather3A_282, %gather3A_279 : vector<16xf32>
      %add3A_284 = arith.addf %add3A_276, %mul3A_283 : vector<16xf32>
      %broadcast_in_dim3A_285 = arith.constant 14 : i32
      %broadcast_in_dim3A_286 = vector.broadcast %broadcast_in_dim3A_285 : i32 to vector<16xi32>
      %gather3A_287 = tpu.vector_load_idx %arg22[%broadcast_in_dim3A_286] : memref<64xf32, #tpu.memory_space<vmem>>[vector<16xi32>], vector<16xf32>,
      %broadcast_in_dim3A_288 = arith.constant 6 : i32
      %broadcast_in_dim3A_289 = vector.broadcast %broadcast_in_dim3A_288 : i32 to vector<16xi32>
      %gather3A_290 = tpu.vector_load_idx %arg19[%add3A_267, %broadcast_in_dim3A_289] : memref<640x8xf32, #tpu.memory_space<vmem>>[vector<16xi32>, vector<16xi32>], vector<16xf32>,
      %mul3A_291 = arith.mulf %gather3A_290, %gather3A_287 : vector<16xf32>
      %add3A_292 = arith.addf %add3A_284, %mul3A_291 : vector<16xf32>
      %broadcast_in_dim3A_293 = arith.constant 15 : i32
      %broadcast_in_dim3A_294 = vector.broadcast %broadcast_in_dim3A_293 : i32 to vector<16xi32>
      %gather3A_295 = tpu.vector_load_idx %arg22[%broadcast_in_dim3A_294] : memref<64xf32, #tpu.memory_space<vmem>>[vector<16xi32>], vector<16xf32>,
      %broadcast_in_dim3A_296 = arith.constant 7 : i32
      %broadcast_in_dim3A_297 = vector.broadcast %broadcast_in_dim3A_296 : i32 to vector<16xi32>
      %gather3A_298 = tpu.vector_load_idx %arg19[%add3A_267, %broadcast_in_dim3A_297] : memref<640x8xf32, #tpu.memory_space<vmem>>[vector<16xi32>, vector<16xi32>], vector<16xf32>,
      %mul3A_299 = arith.mulf %gather3A_298, %gather3A_295 : vector<16xf32>
      %add3A_300 = arith.addf %add3A_292, %mul3A_299 : vector<16xf32>
      tpu.vector_store_idx %arg23[%add3A_267, %broadcast_in_dim3A_13], %add3A_300 : memref<64x1xf32, #tpu.memory_space<vmem>>[vector<16xi32>, vector<16xi32>], vector<16xf32>,
      %scan3A_301 = arith.constant 0 : i32
      scf.yield %scan3A_301 : i32
    }
    %scan3A_261 = arith.constant 4 : i32
    "tpu.region"() ({
      %run_scoped3A = tpu.sem_alloc : memref<!tpu.dma_semaphore, #tpu.memory_space<semaphore_mem>>
      %dma_start3A_262 = arith.constant 0 : i32
      %dma_start3A_263 = arith.constant 0 : i32
      %dma_start3A_264 = tpu.memref_slice %arg23[%dma_start3A_262, %dma_start3A_263] : memref<64x1xf32, #tpu.memory_space<vmem>> -> memref<64x1xf32, #tpu.memory_space<vmem>>
      %dma_start3A_265 = arith.constant 0 : i32
      %dma_start3A_266 = tpu.memref_slice %arg10[%mul3A_245, %dma_start3A_265] : memref<1024x1xf32, #tpu.memory_space<hbm>> -> memref<64x1xf32, #tpu.memory_space<hbm>>
      %dma_start3A_267 = arith.constant 0 : i32
      %dma_start3A_268 = tpu.memref_slice %arg10[%mul3A_245, %dma_start3A_267] : memref<1024x1xf32, #tpu.memory_space<hbm>> -> memref<64x1xf32, #tpu.memory_space<hbm>>
      %dma_start3A_269 = arith.constant 0 : i32
      %dma_start3A_270 = arith.constant 0 : i32
      %dma_start3A_271 = tpu.memref_slice %arg23[%dma_start3A_269, %dma_start3A_270] : memref<64x1xf32, #tpu.memory_space<vmem>> -> memref<64x1xf32, #tpu.memory_space<vmem>>
      tpu.enqueue_dma source(%dma_start3A_271 : memref<64x1xf32, #tpu.memory_space<vmem>>) target(%dma_start3A_268 : memref<64x1xf32, #tpu.memory_space<hbm>>) target_semaphore(%run_scoped3A : memref<!tpu.dma_semaphore, #tpu.memory_space<semaphore_mem>>)
      %dma_wait3A_272 = arith.constant 0 : i32
      %dma_wait3A_273 = arith.constant 0 : i32
      %dma_wait3A_274 = tpu.memref_slice %arg23[%dma_wait3A_272, %dma_wait3A_273] : memref<64x1xf32, #tpu.memory_space<vmem>> -> memref<64x1xf32, #tpu.memory_space<vmem>>
      %dma_wait3A_275 = arith.constant 0 : i32
      %dma_wait3A_276 = tpu.memref_slice %arg10[%mul3A_245, %dma_wait3A_275] : memref<1024x1xf32, #tpu.memory_space<hbm>> -> memref<64x1xf32, #tpu.memory_space<hbm>>
      %dma_wait3A_277 = arith.constant 0 : i32
      %dma_wait3A_278 = tpu.memref_slice %arg10[%mul3A_245, %dma_wait3A_277] : memref<1024x1xf32, #tpu.memory_space<hbm>> -> memref<64x1xf32, #tpu.memory_space<hbm>>
      %dma_wait3A_279 = arith.constant 0 : i32
      %dma_wait3A_280 = arith.constant 0 : i32
      %dma_wait3A_281 = tpu.memref_slice %arg23[%dma_wait3A_279, %dma_wait3A_280] : memref<64x1xf32, #tpu.memory_space<vmem>> -> memref<64x1xf32, #tpu.memory_space<vmem>>
      tpu.wait_dma2 semaphore(%run_scoped3A : memref<!tpu.dma_semaphore, #tpu.memory_space<semaphore_mem>>) src(%dma_wait3A_281 : memref<64x1xf32, #tpu.memory_space<vmem>>) dst(%dma_wait3A_278 : memref<64x1xf32, #tpu.memory_space<hbm>>)
      tpu.yield
    }) : () -> ()
    return
  }
}

module attributes {stable_mosaic.version = 14 : i64} {
  func.func @_ae_body(%arg0: i32, %arg1: memref<128x768xf32, #tpu.memory_space<vmem>>, %arg2: memref<768x8xf32, #tpu.memory_space<vmem>>, %arg3: memref<1x8xf32, #tpu.memory_space<vmem>>, %arg4: memref<8x4xf32, #tpu.memory_space<vmem>>, %arg5: memref<1x4xf32, #tpu.memory_space<vmem>>, %arg6: memref<4x8xf32, #tpu.memory_space<vmem>>, %arg7: memref<1x8xf32, #tpu.memory_space<vmem>>, %arg8: memref<8x768xf32, #tpu.memory_space<vmem>>, %arg9: memref<1x768xf32, #tpu.memory_space<vmem>>, %arg10: memref<4x1xf32, #tpu.memory_space<vmem>>, %arg11: memref<1x1xf32, #tpu.memory_space<vmem>>, %arg12: memref<128x768xf32, #tpu.memory_space<vmem>>, %arg13: memref<128x4xf32, #tpu.memory_space<vmem>>, %arg14: memref<128x1xf32, #tpu.memory_space<vmem>>) attributes {dimension_semantics = [#tpu.dimension_semantics<arbitrary>], iteration_bounds = array<i64: 8>, scalar_prefetch = 0 : i64, scratch_operands = 0 : i64, tpu.core_type = #tpu.core_type<tc>, window_params = [{transform_indices = @transform_0, window_bounds = array<i64: 128, 768>}, {pipeline_mode = #tpu.pipeline_mode<synchronous>, transform_indices = @transform_1, window_bounds = array<i64: 768, 8>}, {pipeline_mode = #tpu.pipeline_mode<synchronous>, transform_indices = @transform_2, window_bounds = array<i64: 1, 8>}, {pipeline_mode = #tpu.pipeline_mode<synchronous>, transform_indices = @transform_3, window_bounds = array<i64: 8, 4>}, {pipeline_mode = #tpu.pipeline_mode<synchronous>, transform_indices = @transform_4, window_bounds = array<i64: 1, 4>}, {pipeline_mode = #tpu.pipeline_mode<synchronous>, transform_indices = @transform_5, window_bounds = array<i64: 4, 8>}, {pipeline_mode = #tpu.pipeline_mode<synchronous>, transform_indices = @transform_6, window_bounds = array<i64: 1, 8>}, {pipeline_mode = #tpu.pipeline_mode<synchronous>, transform_indices = @transform_7, window_bounds = array<i64: 8, 768>}, {pipeline_mode = #tpu.pipeline_mode<synchronous>, transform_indices = @transform_8, window_bounds = array<i64: 1, 768>}, {pipeline_mode = #tpu.pipeline_mode<synchronous>, transform_indices = @transform_9, window_bounds = array<i64: 4, 1>}, {pipeline_mode = #tpu.pipeline_mode<synchronous>, transform_indices = @transform_10, window_bounds = array<i64: 1, 1>}, {transform_indices = @transform_11, window_bounds = array<i64: 128, 768>}, {transform_indices = @transform_12, window_bounds = array<i64: 128, 4>}, {transform_indices = @transform_13, window_bounds = array<i64: 128, 1>}]} {
    %get3A = arith.constant 0 : index
    %get3A_0 = arith.constant 0 : index
    %get3A_1 = vector.load %arg1[%get3A, %get3A_0] : memref<128x768xf32, #tpu.memory_space<vmem>>, vector<128x768xf32>
    %get3A_2 = arith.constant 0 : index
    %get3A_3 = arith.constant 0 : index
    %get3A_4 = vector.load %arg2[%get3A_2, %get3A_3] : memref<768x8xf32, #tpu.memory_space<vmem>>, vector<768x8xf32>
    %dot_general3A = arith.constant dense<0.000000e+00> : vector<128x8xf32>
    %dot_general3A_5 = tpu.matmul %get3A_1, %get3A_4, %dot_general3A {dimension_numbers = #tpu.dot_dimension_numbers<[1], [0], [0], [1], [0, 0, 1, 1], [], []>, transpose_lhs_hint = false} : vector<128x768xf32>, vector<768x8xf32>, vector<128x8xf32> -> vector<128x8xf32>
    %get3A_6 = arith.constant 0 : index
    %get3A_7 = arith.constant 0 : index
    %get3A_8 = vector.load %arg3[%get3A_6, %get3A_7] : memref<1x8xf32, #tpu.memory_space<vmem>>, vector<1x8xf32>
    %add3A = vector.broadcast %get3A_8 : vector<1x8xf32> to vector<128x8xf32>
    %add3A_9 = arith.addf %dot_general3A_5, %add3A : vector<128x8xf32>
    %max3A = arith.constant 0.000000e+00 : f32
    %max3A_10 = vector.broadcast %max3A : f32 to vector<128x8xf32>
    %max3A_11 = arith.maximumf %add3A_9, %max3A_10 : vector<128x8xf32>
    %get3A_12 = arith.constant 0 : index
    %get3A_13 = arith.constant 0 : index
    %get3A_14 = vector.load %arg4[%get3A_12, %get3A_13] : memref<8x4xf32, #tpu.memory_space<vmem>>, vector<8x4xf32>
    %dot_general3A_15 = arith.constant dense<0.000000e+00> : vector<128x4xf32>
    %dot_general3A_16 = tpu.matmul %max3A_11, %get3A_14, %dot_general3A_15 {dimension_numbers = #tpu.dot_dimension_numbers<[1], [0], [0], [1], [0, 0, 1, 1], [], []>, transpose_lhs_hint = false} : vector<128x8xf32>, vector<8x4xf32>, vector<128x4xf32> -> vector<128x4xf32>
    %get3A_17 = arith.constant 0 : index
    %get3A_18 = arith.constant 0 : index
    %get3A_19 = vector.load %arg5[%get3A_17, %get3A_18] : memref<1x4xf32, #tpu.memory_space<vmem>>, vector<1x4xf32>
    %add3A_20 = vector.broadcast %get3A_19 : vector<1x4xf32> to vector<128x4xf32>
    %add3A_21 = arith.addf %dot_general3A_16, %add3A_20 : vector<128x4xf32>
    %max3A_22 = arith.constant 0.000000e+00 : f32
    %max3A_23 = vector.broadcast %max3A_22 : f32 to vector<128x4xf32>
    %max3A_24 = arith.maximumf %add3A_21, %max3A_23 : vector<128x4xf32>
    %get3A_25 = arith.constant 0 : index
    %get3A_26 = arith.constant 0 : index
    %get3A_27 = vector.load %arg6[%get3A_25, %get3A_26] : memref<4x8xf32, #tpu.memory_space<vmem>>, vector<4x8xf32>
    %dot_general3A_28 = arith.constant dense<0.000000e+00> : vector<128x8xf32>
    %dot_general3A_29 = tpu.matmul %max3A_24, %get3A_27, %dot_general3A_28 {dimension_numbers = #tpu.dot_dimension_numbers<[1], [0], [0], [1], [0, 0, 1, 1], [], []>, transpose_lhs_hint = false} : vector<128x4xf32>, vector<4x8xf32>, vector<128x8xf32> -> vector<128x8xf32>
    %get3A_30 = arith.constant 0 : index
    %get3A_31 = arith.constant 0 : index
    %get3A_32 = vector.load %arg7[%get3A_30, %get3A_31] : memref<1x8xf32, #tpu.memory_space<vmem>>, vector<1x8xf32>
    %add3A_33 = vector.broadcast %get3A_32 : vector<1x8xf32> to vector<128x8xf32>
    %add3A_34 = arith.addf %dot_general3A_29, %add3A_33 : vector<128x8xf32>
    %max3A_35 = arith.constant 0.000000e+00 : f32
    %max3A_36 = vector.broadcast %max3A_35 : f32 to vector<128x8xf32>
    %max3A_37 = arith.maximumf %add3A_34, %max3A_36 : vector<128x8xf32>
    %get3A_38 = arith.constant 0 : index
    %get3A_39 = arith.constant 0 : index
    %get3A_40 = vector.load %arg8[%get3A_38, %get3A_39] : memref<8x768xf32, #tpu.memory_space<vmem>>, vector<8x768xf32>
    %dot_general3A_41 = arith.constant dense<0.000000e+00> : vector<128x768xf32>
    %dot_general3A_42 = tpu.matmul %max3A_37, %get3A_40, %dot_general3A_41 {dimension_numbers = #tpu.dot_dimension_numbers<[1], [0], [0], [1], [0, 0, 1, 1], [], []>, transpose_lhs_hint = false} : vector<128x8xf32>, vector<8x768xf32>, vector<128x768xf32> -> vector<128x768xf32>
    %get3A_43 = arith.constant 0 : index
    %get3A_44 = arith.constant 0 : index
    %get3A_45 = vector.load %arg9[%get3A_43, %get3A_44] : memref<1x768xf32, #tpu.memory_space<vmem>>, vector<1x768xf32>
    %add3A_46 = vector.broadcast %get3A_45 : vector<1x768xf32> to vector<128x768xf32>
    %add3A_47 = arith.addf %dot_general3A_42, %add3A_46 : vector<128x768xf32>
    %logistic3A = arith.negf %add3A_47 : vector<128x768xf32>
    %logistic3A_48 = math.exp %logistic3A : vector<128x768xf32>
    %logistic3A_49 = arith.constant 1.000000e+00 : f32
    %logistic3A_50 = vector.broadcast %logistic3A_49 : f32 to vector<128x768xf32>
    %logistic3A_51 = arith.addf %logistic3A_50, %logistic3A_48 : vector<128x768xf32>
    %logistic3A_52 = arith.divf %logistic3A_50, %logistic3A_51 : vector<128x768xf32>
    %swap3A = arith.constant 0 : index
    %swap3A_53 = arith.constant 0 : index
    %swap3A_54 = vector.load %arg12[%swap3A, %swap3A_53] : memref<128x768xf32, #tpu.memory_space<vmem>>, vector<128x768xf32>
    tpu.vector_store %arg12[%swap3A, %swap3A_53], %logistic3A_52 {strides = array<i32>} : memref<128x768xf32, #tpu.memory_space<vmem>>, vector<128x768xf32>,
    %swap3A_55 = arith.constant 0 : index
    %swap3A_56 = arith.constant 0 : index
    %swap3A_57 = vector.load %arg13[%swap3A_55, %swap3A_56] : memref<128x4xf32, #tpu.memory_space<vmem>>, vector<128x4xf32>
    tpu.vector_store %arg13[%swap3A_55, %swap3A_56], %max3A_24 {strides = array<i32>} : memref<128x4xf32, #tpu.memory_space<vmem>>, vector<128x4xf32>,
    %get3A_58 = arith.constant 0 : index
    %get3A_59 = arith.constant 0 : index
    %get3A_60 = vector.load %arg10[%get3A_58, %get3A_59] : memref<4x1xf32, #tpu.memory_space<vmem>>, vector<4x1xf32>
    %dot_general3A_61 = arith.constant dense<0.000000e+00> : vector<128x1xf32>
    %dot_general3A_62 = tpu.matmul %max3A_24, %get3A_60, %dot_general3A_61 {dimension_numbers = #tpu.dot_dimension_numbers<[1], [0], [0], [1], [0, 0, 1, 1], [], []>, transpose_lhs_hint = false} : vector<128x4xf32>, vector<4x1xf32>, vector<128x1xf32> -> vector<128x1xf32>
    %get3A_63 = arith.constant 0 : index
    %get3A_64 = arith.constant 0 : index
    %get3A_65 = vector.load %arg11[%get3A_63, %get3A_64] : memref<1x1xf32, #tpu.memory_space<vmem>>, vector<1x1xf32>
    %add3A_66 = vector.broadcast %get3A_65 : vector<1x1xf32> to vector<128x1xf32>
    %add3A_67 = arith.addf %dot_general3A_62, %add3A_66 : vector<128x1xf32>
    %swap3A_68 = arith.constant 0 : index
    %swap3A_69 = arith.constant 0 : index
    %swap3A_70 = vector.load %arg14[%swap3A_68, %swap3A_69] : memref<128x1xf32, #tpu.memory_space<vmem>>, vector<128x1xf32>
    tpu.vector_store %arg14[%swap3A_68, %swap3A_69], %add3A_67 {strides = array<i32>} : memref<128x1xf32, #tpu.memory_space<vmem>>, vector<128x1xf32>,
    return
  }
  func.func @transform_0(%arg0: i32) -> (i32, i32) {
    %c0_i32 = arith.constant 0 : i32
    %c0_i32_0 = arith.constant 0 : i32
    return %arg0, %c0_i32 : i32, i32
  }
  func.func @transform_1(%arg0: i32) -> (i32, i32) {
    %c0_i32 = arith.constant 0 : i32
    %c0_i32_0 = arith.constant 0 : i32
    %c0_i32_1 = arith.constant 0 : i32
    return %c0_i32, %c0_i32_0 : i32, i32
  }
  func.func @transform_2(%arg0: i32) -> (i32, i32) {
    %c0_i32 = arith.constant 0 : i32
    %c0_i32_0 = arith.constant 0 : i32
    %c0_i32_1 = arith.constant 0 : i32
    return %c0_i32, %c0_i32_0 : i32, i32
  }
  func.func @transform_3(%arg0: i32) -> (i32, i32) {
    %c0_i32 = arith.constant 0 : i32
    %c0_i32_0 = arith.constant 0 : i32
    %c0_i32_1 = arith.constant 0 : i32
    return %c0_i32, %c0_i32_0 : i32, i32
  }
  func.func @transform_4(%arg0: i32) -> (i32, i32) {
    %c0_i32 = arith.constant 0 : i32
    %c0_i32_0 = arith.constant 0 : i32
    %c0_i32_1 = arith.constant 0 : i32
    return %c0_i32, %c0_i32_0 : i32, i32
  }
  func.func @transform_5(%arg0: i32) -> (i32, i32) {
    %c0_i32 = arith.constant 0 : i32
    %c0_i32_0 = arith.constant 0 : i32
    %c0_i32_1 = arith.constant 0 : i32
    return %c0_i32, %c0_i32_0 : i32, i32
  }
  func.func @transform_6(%arg0: i32) -> (i32, i32) {
    %c0_i32 = arith.constant 0 : i32
    %c0_i32_0 = arith.constant 0 : i32
    %c0_i32_1 = arith.constant 0 : i32
    return %c0_i32, %c0_i32_0 : i32, i32
  }
  func.func @transform_7(%arg0: i32) -> (i32, i32) {
    %c0_i32 = arith.constant 0 : i32
    %c0_i32_0 = arith.constant 0 : i32
    %c0_i32_1 = arith.constant 0 : i32
    return %c0_i32, %c0_i32_0 : i32, i32
  }
  func.func @transform_8(%arg0: i32) -> (i32, i32) {
    %c0_i32 = arith.constant 0 : i32
    %c0_i32_0 = arith.constant 0 : i32
    %c0_i32_1 = arith.constant 0 : i32
    return %c0_i32, %c0_i32_0 : i32, i32
  }
  func.func @transform_9(%arg0: i32) -> (i32, i32) {
    %c0_i32 = arith.constant 0 : i32
    %c0_i32_0 = arith.constant 0 : i32
    %c0_i32_1 = arith.constant 0 : i32
    return %c0_i32, %c0_i32_0 : i32, i32
  }
  func.func @transform_10(%arg0: i32) -> (i32, i32) {
    %c0_i32 = arith.constant 0 : i32
    %c0_i32_0 = arith.constant 0 : i32
    %c0_i32_1 = arith.constant 0 : i32
    return %c0_i32, %c0_i32_0 : i32, i32
  }
  func.func @transform_11(%arg0: i32) -> (i32, i32) {
    %c0_i32 = arith.constant 0 : i32
    %c0_i32_0 = arith.constant 0 : i32
    return %arg0, %c0_i32 : i32, i32
  }
  func.func @transform_12(%arg0: i32) -> (i32, i32) {
    %c0_i32 = arith.constant 0 : i32
    %c0_i32_0 = arith.constant 0 : i32
    return %arg0, %c0_i32 : i32, i32
  }
  func.func @transform_13(%arg0: i32) -> (i32, i32) {
    %c0_i32 = arith.constant 0 : i32
    %c0_i32_0 = arith.constant 0 : i32
    return %arg0, %c0_i32 : i32, i32
  }
}

module attributes {stable_mosaic.version = 14 : i64} {
  func.func @_mm_body(%arg0: i32, %arg1: memref<1024x128xf32, #tpu.memory_space<vmem>>, %arg2: memref<128x8xf32, #tpu.memory_space<vmem>>, %arg3: memref<1024x8xf32, #tpu.memory_space<vmem>>) attributes {dimension_semantics = [#tpu.dimension_semantics<arbitrary>], iteration_bounds = array<i64: 10>, scalar_prefetch = 0 : i64, scratch_operands = 0 : i64, tpu.core_type = #tpu.core_type<tc>, window_params = [{transform_indices = @transform_0, window_bounds = array<i64: 1024, 128>}, {pipeline_mode = #tpu.pipeline_mode<synchronous>, transform_indices = @transform_1, window_bounds = array<i64: 128, 8>}, {transform_indices = @transform_2, window_bounds = array<i64: 1024, 8>}]} {
    %get3A = arith.constant 0 : index
    %get3A_0 = arith.constant 0 : index
    %get3A_1 = vector.load %arg1[%get3A, %get3A_0] : memref<1024x128xf32, #tpu.memory_space<vmem>>, vector<1024x128xf32>
    %get3A_2 = arith.constant 0 : index
    %get3A_3 = arith.constant 0 : index
    %get3A_4 = vector.load %arg2[%get3A_2, %get3A_3] : memref<128x8xf32, #tpu.memory_space<vmem>>, vector<128x8xf32>
    %dot_general3A = arith.constant dense<0.000000e+00> : vector<1024x8xf32>
    %dot_general3A_5 = tpu.matmul %get3A_1, %get3A_4, %dot_general3A {dimension_numbers = #tpu.dot_dimension_numbers<[1], [0], [0], [1], [0, 0, 1, 1], [], []>, transpose_lhs_hint = false} : vector<1024x128xf32>, vector<128x8xf32>, vector<1024x8xf32> -> vector<1024x8xf32>
    %swap3A = arith.constant 0 : index
    %swap3A_6 = arith.constant 0 : index
    %swap3A_7 = vector.load %arg3[%swap3A, %swap3A_6] : memref<1024x8xf32, #tpu.memory_space<vmem>>, vector<1024x8xf32>
    tpu.vector_store %arg3[%swap3A, %swap3A_6], %dot_general3A_5 {strides = array<i32>} : memref<1024x8xf32, #tpu.memory_space<vmem>>, vector<1024x8xf32>,
    return
  }
  func.func @transform_0(%arg0: i32) -> (i32, i32) {
    %c0_i32 = arith.constant 0 : i32
    %c0_i32_0 = arith.constant 0 : i32
    return %arg0, %c0_i32 : i32, i32
  }
  func.func @transform_1(%arg0: i32) -> (i32, i32) {
    %c0_i32 = arith.constant 0 : i32
    %c0_i32_0 = arith.constant 0 : i32
    %c0_i32_1 = arith.constant 0 : i32
    return %c0_i32, %c0_i32_0 : i32, i32
  }
  func.func @transform_2(%arg0: i32) -> (i32, i32) {
    %c0_i32 = arith.constant 0 : i32
    %c0_i32_0 = arith.constant 0 : i32
    return %arg0, %c0_i32 : i32, i32
  }
}

</mosaic_0001>

<sc_bundles>
// kernel: kernel.5.cloned.1.call-start
scs
__scs_entry_jumppad:
0x0: {  	(pc) =	sbr.rel $0x88, $3  }
0x1: {  	(tag) =	ssettag $0x0;
	lr =	simm.s32 $0x1  }
0x2: {  	[smem:$0x3F8F] =	sst lr;
	_ =	strace $0xD0000000  }
0x3: {  	_ = 	snop  }
0x4: {  	_ = 	snop  }
0x5: {  	_ = 	snop  }
0x6: {  	_ = 	snop  }
0x7: {  	_ = 	snop  }
__scs_overlays_trampoline_lowered:
0x8: {  	[smem:$0x3F9E] =	sst s0  }
0x9: {  	[smem:$0x3F9F] =	sst s1  }
0xa: {  	[smem:$0x3FA0] =	sst s2  }
0xb: {  	[smem:$0x3FA1] =	sst s3  }
0xc: {  	[smem:$0x3FA2] =	sst s4  }
0xd: {  	[smem:$0x3FA3] =	sst s5  }
0xe: {  	[smem:$0x3FA4] =	sst s6  }
0xf: {  	[smem:$0x3FA5] =	sst s7  }
0x10: {  	[smem:$0x3FA6] =	sst s8  }
0x11: {  	[smem:$0x3FA7] =	sst s9;
	s0 =	simm.s32 @!p0 $0x0  }
0x12: {  	s1 =	sld [smem:$0x3F8D];
	s0 =	simm.s32 @p0 $0x1  }
0x13: {  	[smem:$0x3FA8] =	sst s0;
	s0 =	simm.s32 @!p1 $0x0  }
0x14: {  	s2 =	sld [smem:$0x3F8C];
	s0 =	simm.s32 @p1 $0x1  }
0x15: {  	[smem:$0x3FA9] =	sst s0;
	s0 =	simm.s32 @!p2 $0x0  }
0x16: {  	s3 =	sld [smem:$0x3FDB];
	s0 =	simm.s32 @p2 $0x1  }
0x17: {  	s4 =	simm.s32 $0x1BF5;
	[smem:$0x3FAB] =	sst s0  }
0x18: {  	s0 =	sld [smem:$0x3F8E];
	_ =	swait.ge [sflag:s4], $0x0  }
0x19: {  	s7 =	sld [smem:$0x3F8F]  }
0x1a: {  	s8 =	sadd.s32 $0xFFFFE003, lr  }
0x1b: {  	s9 =	sadd.s32 $0xFFFFFEF7, lr;
	s5 =	simm.s32 $0xFFFFFFFF;
	p2 =	slt.u32 s8, $0xFFFFF086  }
0x1c: {  	p1 =	slt.u32 s9, $0xF7A;
	s5 =	simm.s32 @!p2 $0x0  }
0x1d: {  	s5 =	simm.s32 @p1 $0x1;
	p0 =	seq.s32 s7, s2  }
0x1e: {  	s7 =	smul.u32 @!p0 $0xF7A, s2;
	p2 =	seq.s32 @!p0 s5, $0x0  }
0x1f: {  	s9 =	smul.u32 $0xF7A, s1;
	s8 =	simm.s32 @!p0 $0x1BF5;
	p2 =	por !p2, p0  }
0x20: {  	[sflag:s8] =	ssyncset.s32 @!p0 $0xFFFFF086;
	s6 =	sadd.s32 @!p0 s3, s7;
	s7 =	simm.s32 @!p0 $0x108  }
0x21: {  	s3 =	sadd.s32 s3, s9;
	s6 =	sadd.s32 @!p0 $0x88, s6;
	s7 =	simm.s32 @p2 $0x1082  }
0x22: {  	[simem:s7], [sflag:s8] =	dma.local @!p0 [hbm:s6], $0xF7A  }
0x23: {  	s9 =	sor.u32 $0xD0000000, s2;
	s6 =	simm.s32 $0x108;
	_ =	swait.ge @!p0 [sflag:s8], $0x0  }
0x24: {  	s3 =	sadd.s32 $0x88, s3;
	s6 =	simm.s32 @!p1 $0x1082;
	[sflag:s4] =	ssyncset.s32 $0xFFFFF086  }
0x25: {  	[simem:s6], [sflag:s4] =	dma.local [hbm:s3], $0xF7A  }
0x26: {  	[smem:$0x3F8F] =	sst s1;
	(tag) =	ssettag s2;
	_ =	strace s9  }
0x27: {  	s1 =	sld [smem:$0x3F9F]  }
0x28: {  	s2 =	sld [smem:$0x3FA0]  }
0x29: {  	s4 =	sld [smem:$0x3FA2]  }
0x2a: {  	p0 =	seq.s32 s5, $0x0;
	s5 =	sld [smem:$0x3FA3]  }
0x2b: {  	s6 =	sld [smem:$0x3FA4]  }
0x2c: {  	s7 =	sld [smem:$0x3FA5]  }
0x2d: {  	s3 =	simm.s32 $0x108;
	s8 =	sld [smem:$0x3FA6]  }
0x2e: {  	s3 =	simm.s32 @!p0 $0x1082;
	s9 =	sld [smem:$0x3FA7]  }
0x2f: {  	lr =	sadd.s32 s0, s3;
	s0 =	sld [smem:$0x3F9E]  }
0x30: {  	s3 =	sld [smem:$0x3FA1]  }
0x31: {  	[smem:$0x3FAA] =	sst s10  }
0x32: {  	s10 =	sld [smem:$0x3FA8];
	_ =	sdelay $0x3  }
0x33: {  	p0 =	seq.s32 s10, $0x1;
	s10 =	sld [smem:$0x3FAA];
	_ =	sdelay $0x3  }
0x34: {  	[smem:$0x3FAA] =	sst s10  }
0x35: {  	s10 =	sld [smem:$0x3FA9];
	_ =	sdelay $0x3  }
0x36: {  	p1 =	seq.s32 s10, $0x1;
	s10 =	sld [smem:$0x3FAA];
	_ =	sdelay $0x3  }
0x37: {  	[smem:$0x3FAA] =	sst s10  }
0x38: {  	s10 =	sld [smem:$0x3FAB]  }
0x39: {  	_ = 	snop;
	(pc) =	sbr.ind lr, $3  }
0x3a: {  	_ = 	snop  }
0x3b: {  	_ = 	snop  }
0x3c: {  	p2 =	seq.s32 s10, $0x1;
	s10 =	sld [smem:$0x3FAA]  }
0x3d: {  	_ =	shalt  }
0x3e: {  	_ =	shalt  }
0x3f: {  	_ =	shalt  }
0x40: {  	_ =	shalt  }
0x41: {  	_ =	shalt  }
0x42: {  	_ =	shalt  }
0x43: {  	_ =	shalt  }
0x44: {  	_ =	shalt  }
0x45: {  	_ =	shalt  }
0x46: {  	_ =	shalt  }
0x47: {  	_ =	shalt  }
0x48: {  	_ =	shalt  }
0x49: {  	_ =	shalt  }
0x4a: {  	_ =	shalt  }
0x4b: {  	_ =	shalt  }
0x4c: {  	_ =	shalt  }
0x4d: {  	_ =	shalt  }
0x4e: {  	_ =	shalt  }
0x4f: {  	_ =	shalt  }
0x50: {  	_ =	shalt  }
0x51: {  	_ =	shalt  }
0x52: {  	_ =	shalt  }
0x53: {  	_ =	shalt  }
0x54: {  	_ =	shalt  }
0x55: {  	_ =	shalt  }
0x56: {  	_ =	shalt  }
0x57: {  	_ =	shalt  }
0x58: {  	_ =	shalt  }
0x59: {  	_ =	shalt  }
0x5a: {  	_ =	shalt  }
0x5b: {  	_ =	shalt  }
0x5c: {  	_ =	shalt  }
0x5d: {  	_ =	shalt  }
0x5e: {  	_ =	shalt  }
0x5f: {  	_ =	shalt  }
0x60: {  	_ =	shalt  }
0x61: {  	_ =	shalt  }
0x62: {  	_ =	shalt  }
0x63: {  	_ =	shalt  }
0x64: {  	_ =	shalt  }
0x65: {  	_ =	shalt  }
0x66: {  	_ =	shalt  }
0x67: {  	_ =	shalt  }
0x68: {  	_ =	shalt  }
0x69: {  	_ =	shalt  }
0x6a: {  	_ =	shalt  }
0x6b: {  	_ =	shalt  }
0x6c: {  	_ =	shalt  }
0x6d: {  	_ =	shalt  }
0x6e: {  	_ =	shalt  }
0x6f: {  	_ =	shalt  }
0x70: {  	_ =	shalt  }
0x71: {  	_ =	shalt  }
0x72: {  	_ =	shalt  }
0x73: {  	_ =	shalt  }
0x74: {  	_ =	shalt  }
0x75: {  	_ =	shalt  }
0x76: {  	_ =	shalt  }
0x77: {  	_ =	shalt  }
0x78: {  	_ =	shalt  }
0x79: {  	_ =	shalt  }
0x7a: {  	_ =	shalt  }
0x7b: {  	_ =	shalt  }
0x7c: {  	_ =	shalt  }
0x7d: {  	_ =	shalt  }
0x7e: {  	_ =	shalt  }
0x7f: {  	_ =	shalt  }
0x80: {  	_ =	shalt  }
0x81: {  	_ =	shalt  }
0x82: {  	_ =	shalt  }
0x83: {  	_ =	shalt  }
0x84: {  	_ =	shalt  }
0x85: {  	_ =	shalt  }
0x86: {  	_ =	shalt  }
0x87: {  	_ =	shalt  }
.Lfunc_end0:
.L_simem_size_0:
called_computation_lowered:
.L_overlay_start_0:
0x88: {  	s0 =	sld [smem:$0x3FD9]  }
0x89: {  	s1 =	sld [smem:$0x3FFE];
	_ =	sdelay $0x3  }
0x8a: {  	s0 =	sadd.s32 s1, s0  }
0x8b: {  	[smem:$0x3FB6] =	sst s0  }
0x8c: {  	_ = 	snop  }
0x8d: {  	s0 =	sld [smem:$0x3FD0];
	_ =	sdelay $0x2  }
0x8e: {  	s13 =	simm.s32 $0xA;
	s2 =	simm.s32 $0x10  }
0x8f: {  	[smem:s2], [sflag:s13] =	dma.local [hbm:s0], $0x1  }
0x90: {  	_ =	swait.eq [sflag:s13], $0x1  }
0x91: {  	[sflag:s13] =	ssyncset.done $0x0  }
0x92: {  	s14 =	sld [smem:$0x11];
	[sflag:s13] =	ssyncadd.s32 $0xFFFFFFFF  }
0x93: {  	s15 =	sld [smem:$0x12];
	(tm) =	ssettm $0x1  }
0x94: {  	s16 =	sld [smem:$0x3FFB];
	_ =	sdelay $0x3  }
0x95: {  	_ =	strace s16  }
0x96: {  	s2 =	sld [smem:$0x3FFC];
	_ =	sdelay $0x3  }
0x97: {  	_ =	strace s2  }
0x98: {  	s2 =	sld [smem:$0x3FFD];
	_ =	sdelay $0x3  }
0x99: {  	_ =	strace s2  }
0x9a: {  	_ =	strace $0x8FFFFFFF  }
0x9b: {  	s17 =	sld [smem:$0x3FDB];
	_ =	sdelay $0x1  }
0x9c: {  	s3 =	simm.s32 $_scs_section_size  }
0x9d: {  	s4 =	simm.s32 $_size__tile_overlayer_lowered;
	s5 =	simm.s32 $_tile_overlayer_lowered  }
0x9e: {  	s20 =	simm.s32 $0x1BFF;
	s19 =	sshll.u32 s5, $0x1;
	s2 =	sadd.s32 s3, s17  }
0x9f: {  	s6 =	simm.s32 $0x0;
	s18 =	sshll.u32 s4, $0x1;
	s4 =	sadd.s32 s19, s2  }
0xa0: {  	[timem:s6], [sflag:s20] =	dma.local [hbm:s4], s18  }
0xa1: {  	_ =	swait.ge [sflag:s20], s18  }
0xa2: {  	s3 =	ssub.s32 $0x0, s18;
	[sflag:s20] =	ssyncset.done $0x0  }
0xa3: {  	[sflag:s20] =	ssyncadd.s32 s3;
	_ =	sdelay $0x1  }
0xa4: {  	s21 =	simm.s32 $0x1B8B  }
0xa5: {  	_ =	swait.ge [sflag:s21], $0x1  }
0xa6: {  	[sflag:s21] =	ssyncset.done $0x0  }
0xa7: {  	s23 =	simm.s32 $0x1B8E;
	s22 =	sld [smem:$0x3FFE];
	[sflag:s21] =	ssyncadd.s32 $0xFFFFFFFF  }
0xa8: {  	s24 =	simm.s32 $execute0_lowered;
	[smem:$0x3FD2] =	sst s23  }
0xa9: {  	s4 =	sshll.u32 s24, $0x1;
	_ =	strace $0x80000046;
	[dreg:$0x1] =	wrdreg $0xFFFFFFFF  }
0xaa: {  	s25 =	simm.s32 $_size_execute0_lowered;
	s2 =	sadd.s32 s2, s4;
	[dreg:$0x0] =	wrdreg $0x0  }
0xab: {  	s4 =	sshll.u32 s25, $0x1;
	[dreg:$0x2] =	wrdreg s2  }
0xac: {  	[dreg:$0x3] =	wrdreg s4  }
0xad: {  	[dreg:$0x4] =	wrdreg $0xC0  }
0xae: {  	_ =	task [dreg:s6], $0x5FFFF  }
0xaf: {  	[dreg:$0x1] =	wrdreg $0xFFFFFFFF  }
0xb0: {  	[dreg:$0x0] =	wrdreg $0x60  }
0xb1: {  	[dreg:$0x2] =	wrdreg s22  }
0xb2: {  	[dreg:$0x3] =	wrdreg s15  }
0xb3: {  	[dreg:$0x4] =	wrdreg s14  }
0xb4: {  	[dreg:$0x5] =	wrdreg $0x14D800  }
0xb5: {  	[dreg:$0x6] =	wrdreg $0x14B000  }
0xb6: {  	[dreg:$0x7] =	wrdreg $0x175800  }
0xb7: {  	[dreg:$0x8] =	wrdreg $0x189800  }
0xb8: {  	[dreg:$0x9] =	wrdreg $0x1B1800  }
0xb9: {  	[dreg:$0xa] =	wrdreg $0x1C5800  }
0xba: {  	[dreg:$0xb] =	wrdreg $0x19D800  }
0xbb: {  	[dreg:$0xc] =	wrdreg $0x9  }
0xbc: {  	_ =	task.clear_ibuf [dreg:s6], $0xDFFFF;
	_ =	strace $0x90000046  }
0xbd: {  	s26 =	simm.s32 $0x9;
	_ =	strace $0x80000048  }
0xbe: {  	_ =	swait.ge [sflag:s26], $0x1  }
0xbf: {  	[sflag:s26] =	ssyncadd.s32 $0xFFFFFFFF  }
0xc0: {  	_ =	strace $0x90000048  }
0xc1: {  	_ =	sfence  }
0xc2: {  	s28 =	sld [smem:$0x0];
	_ =	sdelay $0x1  }
0xc3: {  	s29 =	srdreg.scid  }
0xc4: {  	s30 =	sshll.u32 s29, $0xD;
	s31 =	sshrl.u32 s29, $0x2  }
0xc5: {  	s1 =	sand.u32 $0x1, s29;
	s2 =	sand.u32 $0x4000, s30;
	s0 =	sadd.s32 s31, s28  }
0xc6: {  	s1 =	sor.u32 s2, s1;
	s0 =	sshll.u32 s0, $0x11  }
0xc7: {  	s0 =	sor.u32 s0, s1  }
0xc8: {  	s0 =	sadd.s32 $0x8F2B, s0  }
0xc9: {  	[sflag:s0] =	ssyncadd.remote.s32 $0x1  }
0xca: {  	_ =	sfence.sel $0xFFFF  }
0xcb: {  	[dreg:$0x0] =	wrdreg $0xFFFFFFFF;
	(pc) =	sbr.abs _section_cstart, $3  }
0xcc: {  	[dreg:$0x1] =	wrdreg $0xFFFFFFFF  }
0xcd: {  	_ =	task.clear_ibuf [dreg:s6], $0x2FFFF;
	_ =	strace $0x9FFFFFFF  }
0xce: {  	(tm) =	ssettm $0x7FFFFFFF  }
0xcf: {  	_ =	shalt  }
tec
execute0_lowered:
.L_overlay_start_1:
0x0: {  	(tag) =	ssettag $0x1  }
0x1: {  	s2 =	rddreg [dreg:$0x0]  }
0x2: {  	s4 =	rddreg [dreg:$0x1]  }
0x3: {  	s3 =	rddreg [dreg:$0x2]  }
0x4: {  	s13 =	rddreg [dreg:$0x3]  }
0x5: {  	s10 =	rddreg [dreg:$0x4]  }
0x6: {  	s12 =	rddreg [dreg:$0x5]  }
0x7: {  	s11 =	rddreg [dreg:$0x6]  }
0x8: {  	s7 =	rddreg [dreg:$0x7];
	s0 =	stileid.u32  }
0x9: {  	s5 =	rddreg [dreg:$0x8];
	s6 =	smul.u32 $0x9C4, s0  }
0xa: {  	s8 =	rddreg [dreg:$0x9];
	s9 =	simm.s32 $0x0  }
0xb: {  	[smem:$0x7FF] =	sst s9;
	s6 =	sadd.s32 s6, s2  }
0xc: {  	s15 =	simm.s32 $0x9;
	_ =	strace $0x80000047;
	s14 =	sadd.s32 $0xC000, s6  }
0xd: {  	[tilespmem:s9], [sflag:$0x9] =	stream.linear.gather [hbm4b:s14+s9], $0x4E20, $0x38;
	[tilespmem:$0x1C7C0] =	vst v63  }
0xe: {  	_ =	swait.ge [sflag:s15], $0x4E20  }
0xf: {  	[sflag:s15] =	ssyncset.done $0x0  }
0x10: {  	s28 =	simm.s32 $0x4E20;
	s6 =	sadd.s32 $0x2200, s6;
	[sflag:s15] =	ssyncadd.s32 $0xFFFFB1E0  }
0x11: {  	[tilespmem:s28], [sflag:$0x9] =	stream.linear.gather [hbm4b:s6+s9], $0x4E20, $0x38;
	[tilespmem:$0x1C7C0] =	vst v63  }
0x12: {  	_ =	swait.ge [sflag:s15], $0x4E20  }
0x13: {  	[sflag:s15] =	ssyncset.done $0x0  }
0x14: {  	s29 =	simm.s32 $0x148C0;
	[sflag:s15] =	ssyncadd.s32 $0xFFFFB1E0  }
0x15: {  	[tilespmem:s29], [sflag:$0x9] =	stream.linear.gather [hbm4b:s3+s9], $0x40, $0x38;
	[tilespmem:$0x1C7C0] =	vst v63  }
0x16: {  	_ =	swait.ge [sflag:s15], $0x40  }
0x17: {  	[sflag:s15] =	ssyncset.done $0x0  }
0x18: {  	s31 =	simm.s32 $0x9C40;
	s30 =	sadd.s32 $0x18600, s2;
	[sflag:s15] =	ssyncadd.s32 $0xFFFFFFC0  }
0x19: {  	[tilespmem:s31], [sflag:$0x9] =	stream.linear.gather [hbm4b:s30+s9], $0x2800, $0x38;
	[tilespmem:$0x1C7C0] =	vst v63  }
0x1a: {  	_ =	swait.ge [sflag:s15], $0x2800  }
0x1b: {  	s14 =	sadd.s32 $0x15E00, s2;
	s6 =	sadd.s32 $0x1E00, s2;
	[sflag:s15] =	ssyncset.done $0x0  }
0x1c: {  	v0 =	vimm.f32 $0.0e+00;
	s3 =	sadd.s32 $0x18C00, s2;
	s2 =	sadd.s32 $0x19000, s2;
	[sflag:s15] =	ssyncadd.s32 $0xFFFFD800  }
.LBB2_1:
0x1d: {  	p0 =	sne.s32 s9, $0x9FC0  }
.Ltmp0:
0x1e: {  	_ = 	snop;
	(pc) =	sbr.rel @p0 .LBB2_1-.Ltmp0, $3  }
0x1f: {  	_ =	sdelay $0x1  }
0x20: {  	s15 =	sshra.s32 s9, $0x2  }
0x21: {  	s9 =	sadd.s32 $0x40, s9;
	[tilespmem:s15+$0xC440] =	vst v0  }
0x22: {  	s9 =	simm.s32 $0xC440;
	s16 =	simm.s32 $0x0;
	s15 =	simm.s32 $0x40  }
.LBB2_3:
0x23: {  	p0 =	sne.s32 s15, $0x13840;
	v0 =	vld [tilespmem:s16+$0x4E20];
	_ =	sdelay $0x4  }
0x24: {  	(xrf1) =	vunique.msk.u32 $0xffff, v0;
	_ =	sdelay $0xd  }
0x25: {  	_, v1, vm0 =	vpop (xrf1);
	_ =	sdelay $0x1  }
.Ltmp1:
0x26: {  	(pc) =	sbr.rel @p0 .LBB2_3-.Ltmp1, $3  }
0x27: {  	_ = 	snop  }
0x28: {  	v1 =	vcvt.s32.f32 v1;
	_ =	sdelay $0x1  }
0x29: {  	s16 =	sshra.s32 s15, $0x2;
	s15 =	sadd.s32 $0x40, s15;
	[tilespmem:v0+s9+$0x0] =	vst.idx.add.f32.msk vm0, v1  }
0x2a: {  	v0 =	vld [tilespmem:s16+$0x4E20];
	_ =	sdelay $0x4  }
0x2b: {  	(xrf1) =	vunique.msk.u32 $0xffff, v0;
	_ =	sdelay $0xd  }
0x2c: {  	_, v1, vm0 =	vpop (xrf1);
	_ =	sdelay $0x2  }
0x2d: {  	s15 =	smul.u32 $0xA000, s0  }
0x2e: {  	v1 =	vcvt.s32.f32 v1  }
0x2f: {  	s15 =	sshrl.u32 s15, $0x2  }
0x30: {  	s31 =	simm.s32 $0xC440;
	s30 =	sadd.s32 s15, s13;
	s15 =	simm.s32 $0x9;
	[tilespmem:v0+s9+$0x0] =	vst.idx.add.f32.msk vm0, v1  }
0x31: {  	[spmem:s30] =	stream.linear.scatter [tilespmem:s31], [sflag:$0x9], $0x2800, $0x38;
	[tilespmem:$0x1C7C0] =	vst v63  }
0x32: {  	_ =	swait.ge [sflag:s15], $0x2800  }
0x33: {  	[sflag:s15] =	ssyncset.done $0x0  }
0x34: {  	[sflag:s15] =	ssyncadd.s32 $0xFFFFD800  }
0x35: {  	v63 =	vimm.f32 $0.0e+00;
	[bflag:$0x0] =	sbarrier.arrive $0xFFFF  }
0x36: {  	[tilespmem:$0xEEC0] =	vst v63  }
0x37: {  	[tilespmem:$0xEED0] =	vst v63  }
0x38: {  	[tilespmem:$0xEEE0] =	vst v63  }
0x39: {  	[tilespmem:$0xEEF0] =	vst v63  }
0x3a: {  	[tilespmem:$0xEF00] =	vst v63  }
0x3b: {  	[tilespmem:$0xEF10] =	vst v63  }
0x3c: {  	[tilespmem:$0xEF20] =	vst v63  }
0x3d: {  	[tilespmem:$0xEF30] =	vst v63  }
0x3e: {  	[tilespmem:$0xEF40] =	vst v63  }
0x3f: {  	[tilespmem:$0xEF50] =	vst v63  }
0x40: {  	[tilespmem:$0xEF60] =	vst v63  }
0x41: {  	[tilespmem:$0xEF70] =	vst v63  }
0x42: {  	[tilespmem:$0xEF80] =	vst v63  }
0x43: {  	[tilespmem:$0xEF90] =	vst v63  }
0x44: {  	[tilespmem:$0xEFA0] =	vst v63  }
0x45: {  	[tilespmem:$0xEFB0] =	vst v63  }
0x46: {  	[tilespmem:$0xEFC0] =	vst v63  }
0x47: {  	[tilespmem:$0xEFD0] =	vst v63  }
0x48: {  	[tilespmem:$0xEFE0] =	vst v63  }
0x49: {  	[tilespmem:$0xEFF0] =	vst v63  }
0x4a: {  	[tilespmem:$0xF000] =	vst v63  }
0x4b: {  	[tilespmem:$0xF010] =	vst v63  }
0x4c: {  	[tilespmem:$0xF020] =	vst v63  }
0x4d: {  	[tilespmem:$0xF030] =	vst v63  }
0x4e: {  	[tilespmem:$0xF040] =	vst v63  }
0x4f: {  	[tilespmem:$0xF050] =	vst v63  }
0x50: {  	[tilespmem:$0xF060] =	vst v63  }
0x51: {  	[tilespmem:$0xF070] =	vst v63  }
0x52: {  	[tilespmem:$0xF080] =	vst v63  }
0x53: {  	[tilespmem:$0xF090] =	vst v63  }
0x54: {  	[tilespmem:$0xF0A0] =	vst v63  }
0x55: {  	[tilespmem:$0xF0B0] =	vst v63  }
0x56: {  	[tilespmem:$0xF0C0] =	vst v63  }
0x57: {  	[tilespmem:$0xF0D0] =	vst v63  }
0x58: {  	[tilespmem:$0xF0E0] =	vst v63  }
0x59: {  	[tilespmem:$0xF0F0] =	vst v63  }
0x5a: {  	[tilespmem:$0xF100] =	vst v63  }
0x5b: {  	s9 =	smul.u32 $0x280, s0;
	[tilespmem:$0xF110] =	vst v63  }
0x5c: {  	[tilespmem:$0xF120] =	vst v63  }
0x5d: {  	s16 =	simm.s32 $0x0;
	s17 =	simm.s32 $0xEC40;
	s13 =	sadd.s32 s9, s13;
	[tilespmem:$0xF130] =	vst v63  }
.LBB2_5:
0x5e: {  	s18 =	smul.u32 $0xA000, s16;
	_ =	sdelay $0x1  }
0x5f: {  	s18 =	sshra.s32 s18, $0x2  }
0x60: {  	s18 =	sadd.s32 s18, s13  }
0x61: {  	[tilespmem:s17], [sflag:$0x9] =	stream.linear.gather [spmem:s18], $0x280, $0x38;
	[tilespmem:$0x1C7C0] =	vst v63  }
0x62: {  	_ =	swait.ge [sflag:s15], $0x280  }
0x63: {  	[sflag:s15] =	ssyncset.done $0x0  }
0x64: {  	s18 =	simm.s32 $0x0;
	[sflag:s15] =	ssyncadd.s32 $0xFFFFFD80  }
0x65: {  	s19 =	simm.s32 $0x40;
	v0 =	vld [tilespmem:s18+$0xEC40]  }
.LBB2_6:
0x66: {  	p0 =	sne.s32 s19, $0x9C0;
	v1 =	vld [tilespmem:s18+$0xEEC0];
	_ =	sdelay $0x2  }
.Ltmp2:
0x67: {  	(pc) =	sbr.rel @p0 .LBB2_6-.Ltmp2, $4  }
0x68: {  	_ = 	snop  }
0x69: {  	v1 =	vadd.f32 v0, v1  }
0x6a: {  	s20 =	sshra.s32 s19, $0x2  }
0x6b: {  	s19 =	sadd.s32 $0x40, s19;
	v0 =	vld [tilespmem:s20+$0xEC40];
	[tilespmem:s18+$0xEEC0] =	vst v1;
	s18 =	smov.u32 s20  }
0x6c: {  	v1 =	vld [tilespmem:s18+$0xEEC0]  }
0x6d: {  	s16 =	sadd.s32 $0x1, s16  }
0x6e: {  	p0 =	sne.s32 s16, $0x10  }
.Ltmp3:
0x6f: {  	_ = 	snop;
	(pc) =	sbr.rel @p0 .LBB2_5-.Ltmp3, $3  }
0x70: {  	_ = 	snop  }
0x71: {  	v0 =	vadd.f32 v0, v1;
	_ =	sdelay $0x1  }
0x72: {  	[tilespmem:s18+$0xEEC0] =	vst v0  }
0x73: {  	s15 =	simm.s32 $0x0  }
0x74: {  	v0 =	vld [tilespmem:s15+$0xEEC0];
	_ =	sdelay $0x4  }
0x75: {  	s13 =	simm.s32 $0x10;
	v0 =	vadd.f32 $1.000000000e+00, v0  }
0x76: {  	v1 =	vld [tilespmem:s13+$0xEEC0]  }
0x77: {  	v2 =	vshra.s32 v0, $0x1;
	v3 =	vmul.f32 $5.000000000e-01, v0  }
0x78: {  	v0 =	vsub.s32 $0x5F3759DF, v2  }
0x79: {  	v2 =	vmul.f32 v0, v3  }
0x7a: {  	s16 =	simm.s32 $0x20  }
0x7b: {  	v4 =	vld [tilespmem:s16+$0xEEC0];
	v1 =	vadd.f32 $1.000000000e+00, v1;
	v2 =	vmul.f32 v0, v2;
	_ =	sdelay $0x1  }
0x7c: {  	v5 =	vshra.s32 v1, $0x1;
	v7 =	vmul.f32 $5.000000000e-01, v1;
	v1 =	vsub.f32 $1.500000000e+00, v2  }
0x7d: {  	v2 =	vsub.s32 $0x5F3759DF, v5  }
0x7e: {  	v5 =	vmul.f32 v2, v7;
	v1 =	vmul.f32 v0, v1  }
0x7f: {  	s17 =	simm.s32 $0x30;
	v0 =	vadd.f32 $1.000000000e+00, v4  }
0x80: {  	v4 =	vld [tilespmem:s17+$0xEEC0];
	v5 =	vmul.f32 v2, v5;
	v6 =	vmul.f32 v1, v3  }
0x81: {  	v8 =	vshra.s32 v0, $0x1;
	v0 =	vmul.f32 $5.000000000e-01, v0  }
0x82: {  	v5 =	vsub.f32 $1.500000000e+00, v5;
	v8 =	vsub.s32 $0x5F3759DF, v8;
	v6 =	vmul.f32 v6, v1  }
0x83: {  	v9 =	vmul.f32 v8, v0  }
0x84: {  	v2 =	vmul.f32 v2, v5;
	v5 =	vsub.f32 $1.500000000e+00, v6  }
0x85: {  	v4 =	vadd.f32 $1.000000000e+00, v4;
	v9 =	vmul.f32 v8, v9  }
0x86: {  	s18 =	simm.s32 $0x40;
	v10 =	vmul.f32 v2, v7;
	v5 =	vmul.f32 v5, v1  }
0x87: {  	v6 =	vld [tilespmem:s18+$0xEEC0];
	v11 =	vshra.s32 v4, $0x1;
	v1 =	vmul.f32 $5.000000000e-01, v4;
	v4 =	vsub.f32 $1.500000000e+00, v9  }
0x88: {  	v12 =	vsub.s32 $0x5F3759DF, v11;
	v9 =	vmul.f32 v10, v2;
	v3 =	vmul.f32 v5, v3  }
0x89: {  	v10 =	vmul.f32 v12, v1;
	v4 =	vmul.f32 v8, v4  }
0x8a: {  	v8 =	vsub.f32 $1.500000000e+00, v9;
	v3 =	vmul.f32 v3, v5  }
0x8b: {  	v9 =	vmul.f32 v12, v10;
	v10 =	vmul.f32 v4, v0  }
0x8c: {  	s19 =	simm.s32 $0x50;
	v6 =	vadd.f32 $1.000000000e+00, v6;
	v2 =	vmul.f32 v8, v2  }
0x8d: {  	v13 =	vsub.f32 $1.500000000e+00, v3;
	v14 =	vsub.f32 $1.500000000e+00, v9;
	v9 =	vmul.f32 v10, v4;
	v10 =	vld [tilespmem:s19+$0xEEC0]  }
0x8e: {  	v11 =	vshra.s32 v6, $0x1;
	v3 =	vmul.f32 $5.000000000e-01, v6  }
0x8f: {  	v6 =	vsub.s32 $0x5F3759DF, v11;
	v8 =	vmul.f32 v2, v7;
	v5 =	vmul.f32 v13, v5  }
0x90: {  	s20 =	simm.s32 $0x180;
	v11 =	vmul.f32 v6, v3;
	v7 =	vmul.f32 v12, v14  }
.LBB2_9:
0x91: {  	s21 =	sshra.s32 s20, $0x2  }
0x92: {  	v12 =	vadd.f32 $1.000000000e+00, v10;
	v9 =	vsub.f32 $1.500000000e+00, v9;
	v8 =	vmul.f32 v8, v2;
	[tilespmem:s15+$0xF140] =	vst v5;
	s15 =	smov.u32 s13;
	s13 =	smov.u32 s16;
	p0 =	sne.s32 s20, $0x9C0  }
.Ltmp4:
0x93: {  	s16 =	smov.u32 s17;
	s17 =	smov.u32 s18;
	v10 =	vld [tilespmem:s21+$0xEEC0];
	v5 =	vmul.f32 v6, v11;
	v11 =	vmul.f32 v7, v1;
	(pc) =	sbr.rel @p0 .LBB2_9-.Ltmp4, $4  }
0x94: {  	s20 =	sadd.s32 $0x40, s20;
	s18 =	smov.u32 s19;
	v13 =	vshra.s32 v12, $0x1;
	v14 =	vmul.f32 v9, v4;
	v15 =	vsub.f32 $1.500000000e+00, v8;
	v4 =	vmovc v7  }
0x95: {  	s19 =	smov.u32 s21;
	v12 =	vmul.f32 $5.000000000e-01, v12;
	v7 =	vsub.f32 $1.500000000e+00, v5;
	v9 =	vmul.f32 v11, v4  }
0x96: {  	v13 =	vsub.s32 $0x5F3759DF, v13;
	v8 =	vmul.f32 v14, v0;
	v5 =	vmul.f32 v15, v2;
	v2 =	vmovc v14;
	v0 =	vmovc v1  }
0x97: {  	v11 =	vmul.f32 v13, v12;
	v1 =	vmovc v3;
	v3 =	vmovc v12;
	v7 =	vmul.f32 v6, v7;
	v6 =	vmov v13  }
0x98: {  	v10 =	vadd.f32 $1.000000000e+00, v10;
	_ =	sdelay $0x1  }
0x99: {  	v12 =	vshra.s32 v10, $0x1;
	v10 =	vmul.f32 $5.000000000e-01, v10  }
0x9a: {  	v12 =	vsub.s32 $0x5F3759DF, v12  }
0x9b: {  	v13 =	vmul.f32 v12, v10  }
0x9c: {  	v11 =	vmul.f32 v6, v11  }
0x9d: {  	v13 =	vmul.f32 v12, v13  }
0x9e: {  	v11 =	vsub.f32 $1.500000000e+00, v11  }
0x9f: {  	v13 =	vsub.f32 $1.500000000e+00, v13  }
0xa0: {  	v6 =	vmul.f32 v6, v11  }
0xa1: {  	v58 =	vmul.f32 v7, v1;
	v12 =	vmul.f32 v12, v13  }
0xa2: {  	v59 =	vmul.f32 v6, v3  }
0xa3: {  	v11 =	vmul.f32 v58, v7;
	v14 =	vmul.f32 v12, v10  }
0xa4: {  	v9 =	vsub.f32 $1.500000000e+00, v9;
	v13 =	vmul.f32 v59, v6  }
0xa5: {  	v11 =	vsub.f32 $1.500000000e+00, v11;
	v14 =	vmul.f32 v14, v12  }
0xa6: {  	v4 =	vmul.f32 v9, v4;
	v60 =	vsub.f32 $1.500000000e+00, v13  }
0xa7: {  	v8 =	vmul.f32 v8, v2;
	v7 =	vmul.f32 v11, v7;
	v61 =	vsub.f32 $1.500000000e+00, v14  }
0xa8: {  	v0 =	vmul.f32 v4, v0;
	v6 =	vmul.f32 v60, v6  }
0xa9: {  	v1 =	vmul.f32 v7, v1;
	v62 =	vmul.f32 v61, v12  }
0xaa: {  	v0 =	vmul.f32 v0, v4;
	v3 =	vmul.f32 v6, v3  }
0xab: {  	v8 =	vsub.f32 $1.500000000e+00, v8;
	v1 =	vmul.f32 v1, v7;
	v10 =	vmul.f32 v62, v10  }
0xac: {  	v0 =	vsub.f32 $1.500000000e+00, v0;
	v3 =	vmul.f32 v3, v6  }
0xad: {  	v2 =	vmul.f32 v8, v2;
	v1 =	vsub.f32 $1.500000000e+00, v1;
	v63 =	vmul.f32 v10, v62  }
0xae: {  	[tilespmem:s15+$0xF140] =	vst v5;
	v0 =	vmul.f32 v0, v4;
	v3 =	vsub.f32 $1.500000000e+00, v3  }
0xaf: {  	[tilespmem:s13+$0xF140] =	vst v2;
	v1 =	vmul.f32 v1, v7;
	v2 =	vsub.f32 $1.500000000e+00, v63  }
0xb0: {  	[tilespmem:s16+$0xF140] =	vst v0;
	v0 =	vmul.f32 v3, v6  }
0xb1: {  	[tilespmem:s17+$0xF140] =	vst v1;
	v1 =	vmul.f32 v2, v62  }
0xb2: {  	s26 =	sadd.s32 s9, s10;
	[tilespmem:s18+$0xF140] =	vst v0  }
0xb3: {  	s10 =	simm.s32 $0xF140;
	s28 =	simm.s32 $0x9;
	s13 =	smul.u32 $0x1400, s0;
	[tilespmem:s19+$0xF140] =	vst v1  }
0xb4: {  	v1 =	vlaneseq.u32;
	[spmem:s26] =	stream.linear.scatter [tilespmem:s10], [sflag:$0x9], $0x280, $0x38;
	[tilespmem:$0x1C7C0] =	vst v63  }
0xb5: {  	s29 =	simm.s32 $0x0;
	v0 =	vshrl.u32 v1, $0x3;
	_ =	swait.ge [sflag:s28], $0x280  }
0xb6: {  	s30 =	sshrl.u32 s13, $0x3;
	v3 =	vor.u32 s29, v0;
	[sflag:s28] =	ssyncset.done $0x0  }
0xb7: {  	s17 =	sadd.s32 s14, s30;
	s14 =	simm.s32 $0xF3C0;
	v1 =	vand.u32 $0x7, v1;
	v2 =	vshll.u32 v3, $0x3;
	[sflag:s28] =	ssyncadd.s32 $0xFFFFFD80  }
0xb8: {  	v2 =	vor.u32 v1, v2;
	[tilespmem:s14], [sflag:$0x9] =	stream.linear.gather [hbm4b:s17+s29], $0x1400, $0x38;
	[tilespmem:$0x1C7C0] =	vst v63  }
0xb9: {  	_ =	swait.ge [sflag:s28], $0x1400  }
0xba: {  	[sflag:s28] =	ssyncset.done $0x0  }
0xbb: {  	[sflag:s28] =	ssyncadd.s32 $0xFFFFEC00  }
0xbc: {  	v4 =	vld.idx.msk [tilespmem:v3+s10+$0x0], $0xffff  }
0xbd: {  	v5 =	vld.idx.msk [tilespmem:v2+s14+$0x0], $0xffff  }
0xbe: {  	s31 =	simm.s32 $0x2  }
0xbf: {  	s15 =	simm.s32 $0x4;
	v3 =	vor.u32 s31, v0  }
.LBB2_11:
0xc0: {  	p0 =	sne.s32 s15, $0x27E;
	v6 =	vshll.u32 v3, $0x3  }
0xc1: {  	v6 =	vor.u32 v1, v6  }
0xc2: {  	v4 =	vmul.f32 v4, v5;
	_ =	sdelay $0x1  }
0xc3: {  	[tilespmem:v2+s14+$0x0] =	vst.idx.msk $0xffff, v4;
	v2 =	vmov v6  }
.Ltmp5:
0xc4: {  	v4 =	vld.idx.msk [tilespmem:v3+s10+$0x0], $0xffff;
	(pc) =	sbr.rel @p0 .LBB2_11-.Ltmp5, $2  }
0xc5: {  	v5 =	vld.idx.msk [tilespmem:v6+s14+$0x0], $0xffff;
	_ =	sdelay $0x2  }
0xc6: {  	v3 =	vor.u32 s15, v0;
	s15 =	sadd.s32 $0x2, s15  }
0xc7: {  	v0 =	vshll.u32 v3, $0x3  }
0xc8: {  	v0 =	vor.u32 v1, v0  }
0xc9: {  	v1 =	vmul.f32 v4, v5;
	_ =	sdelay $0x1  }
0xca: {  	[tilespmem:v2+s14+$0x0] =	vst.idx.msk $0xffff, v1  }
0xcb: {  	v1 =	vld.idx.msk [tilespmem:v3+s10+$0x0], $0xffff  }
0xcc: {  	v2 =	vld.idx.msk [tilespmem:v0+s14+$0x0], $0xffff;
	_ =	sdelay $0x4  }
0xcd: {  	v1 =	vmul.f32 v1, v2;
	_ =	sdelay $0x1  }
0xce: {  	s30 =	simm.s32 $0xF3C0;
	[tilespmem:v0+s14+$0x0] =	vst.idx.msk $0xffff, v1;
	v1 =	vlaneseq.u32  }
0xcf: {  	s31 =	simm.s32 $0x0;
	s15 =	simm.s32 $0x9;
	s14 =	sadd.s32 s13, s12;
	v0 =	vshrl.u32 v1, $0x3  }
0xd0: {  	v2 =	vmov s31;
	[spmem:s14] =	stream.linear.scatter [tilespmem:s30], [sflag:$0x9], $0x1400, $0x38;
	v0 =	vmul.u32 $0x8, v0;
	[tilespmem:$0x1C7C0] =	vst v63  }
0xd1: {  	v2 =	vshll.u32 v2, $0x3;
	_ =	swait.ge [sflag:s15], $0x1400  }
0xd2: {  	v1 =	vand.u32 $0x7, v1;
	[sflag:s15] =	ssyncset.done $0x0;
	v3 =	vor.u32 v0, v2  }
0xd3: {  	s10 =	simm.s32 $0x107C0;
	[sflag:s15] =	ssyncadd.s32 $0xFFFFEC00;
	v2 =	vimm.f32 $0.0e+00;
	s15 =	simm.s32 $0x2;
	v3 =	vor.u32 v1, v3  }
.LBB2_13:
0xd4: {  	p0 =	sne.s32 s15, $0x27E  }
.Ltmp6:
0xd5: {  	_ = 	snop;
	(pc) =	sbr.rel @p0 .LBB2_13-.Ltmp6, $4  }
0xd6: {  	v4 =	vmov s15  }
0xd7: {  	v4 =	vshll.u32 v4, $0x3  }
0xd8: {  	v4 =	vor.u32 v0, v4  }
0xd9: {  	s15 =	sadd.s32 $0x2, s15;
	[tilespmem:v3+s10+$0x0] =	vst.idx.msk $0xffff, v2;
	v3 =	vor.u32 v1, v4  }
0xda: {  	_ =	sdelay $0x3  }
0xdb: {  	[tilespmem:v3+s10+$0x0] =	vst.idx.msk $0xffff, v2;
	s15 =	sadd.s32 s13, s11;
	s16 =	simm.s32 $0x107C0;
	s17 =	simm.s32 $0x9  }
0xdc: {  	[spmem:s15] =	stream.linear.scatter [tilespmem:s16], [sflag:$0x9], $0x1400, $0x38;
	[tilespmem:$0x1C7C0] =	vst v63  }
0xdd: {  	_ =	swait.ge [sflag:s17], $0x1400  }
0xde: {  	[sflag:s17] =	ssyncset.done $0x0  }
0xdf: {  	s10 =	sadd.s32 s13, s7;
	s18 =	smul.u32 $0x900, s0;
	[sflag:s17] =	ssyncadd.s32 $0xFFFFEC00  }
0xe0: {  	[spmem:s10] =	stream.linear.scatter [tilespmem:s16], [sflag:$0x9], $0x1400, $0x38;
	[tilespmem:$0x1C7C0] =	vst v63  }
0xe1: {  	_ =	swait.ge [sflag:s17], $0x1400  }
0xe2: {  	s18 =	sshrl.u32 s18, $0x2;
	[sflag:s17] =	ssyncset.done $0x0  }
0xe3: {  	s18 =	sadd.s32 s18, s5;
	[sflag:s17] =	ssyncadd.s32 $0xFFFFEC00  }
0xe4: {  	[spmem:s18] =	stream.linear.scatter [tilespmem:s16], [sflag:$0x9], $0x240, $0x38;
	[tilespmem:$0x1C7C0] =	vst v63  }
0xe5: {  	_ =	swait.ge [sflag:s17], $0x240  }
0xe6: {  	[sflag:s17] =	ssyncset.done $0x0  }
0xe7: {  	s26 =	simm.s32 $0x0;
	[sflag:s17] =	ssyncadd.s32 $0xFFFFFDC0  }
0xe8: {  	s16 =	simm.s32 $0xC8;
	s17 =	simm.s32 $0x12FC0;
	[bflag:$0x0] =	sbarrier.arrive $0xFFFF  }
0xe9: {  	[tilespmem:s17], [sflag:$0x1] =	stream.indirect.gather [spmem:s12], $0x8, s26, s16, $0xb8;
	[tilespmem:$0x1C7C0] =	vst v63  }
0xea: {  	s19 =	simm.s32 $0x1;
	s18 =	simm.s32 $0x13600  }
0xeb: {  	[tilespmem:s18], [sflag:$0x2] =	stream.indirect.gather [spmem:s12], $0x8, s16, s16, $0xb8;
	[tilespmem:$0x1C7C0] =	vst v63  }
0xec: {  	_ =	swait.ge [sflag:s19], $0x640  }
0xed: {  	[sflag:s19] =	ssyncset.done $0x0  }
0xee: {  	s20 =	simm.s32 $0x4E20;
	[sflag:s19] =	ssyncadd.s32 $0xFFFFF9C0  }
0xef: {  	[spmem:s11] =	stream.indirect.scatter.add.f32 [tilespmem:s17], [sflag:$0x5], $0x8, s20, s16, $0xb8;
	[tilespmem:$0x1C7C0] =	vst v63  }
0xf0: {  	s21 =	simm.s32 $0x190;
	s20 =	simm.s32 $0x13C40  }
0xf1: {  	[tilespmem:s20], [sflag:$0x3] =	stream.indirect.gather [spmem:s12], $0x8, s21, s16, $0xb8;
	[tilespmem:$0x1C7C0] =	vst v63  }
0xf2: {  	s21 =	simm.s32 $0x2  }
0xf3: {  	_ =	swait.ge [sflag:s21], $0x640  }
0xf4: {  	[sflag:s21] =	ssyncset.done $0x0  }
0xf5: {  	s22 =	simm.s32 $0x4EE8;
	[sflag:s21] =	ssyncadd.s32 $0xFFFFF9C0  }
0xf6: {  	[spmem:s11] =	stream.indirect.scatter.add.f32 [tilespmem:s18], [sflag:$0x6], $0x8, s22, s16, $0xb8;
	[tilespmem:$0x1C7C0] =	vst v63  }
0xf7: {  	s23 =	simm.s32 $0x258;
	s22 =	simm.s32 $0x14280  }
0xf8: {  	[tilespmem:s22], [sflag:$0x4] =	stream.indirect.gather [spmem:s12], $0x8, s23, s16, $0xb8;
	[tilespmem:$0x1C7C0] =	vst v63  }
0xf9: {  	s23 =	simm.s32 $0x3  }
0xfa: {  	_ =	swait.ge [sflag:s23], $0x640  }
0xfb: {  	[sflag:s23] =	ssyncset.done $0x0  }
0xfc: {  	s24 =	simm.s32 $0x4FB0;
	[sflag:s23] =	ssyncadd.s32 $0xFFFFF9C0  }
0xfd: {  	[spmem:s11] =	stream.indirect.scatter.add.f32 [tilespmem:s20], [sflag:$0x7], $0x8, s24, s16, $0xb8;
	[tilespmem:$0x1C7C0] =	vst v63  }
0xfe: {  	s24 =	simm.s32 $0x5  }
0xff: {  	_ =	swait.ge [sflag:s24], $0x640  }
0x100: {  	[sflag:s24] =	ssyncset.done $0x0  }
0x101: {  	s25 =	simm.s32 $0x320;
	[sflag:s24] =	ssyncadd.s32 $0xFFFFF9C0  }
0x102: {  	[tilespmem:s17], [sflag:$0x1] =	stream.indirect.gather [spmem:s12], $0x8, s25, s16, $0xb8;
	[tilespmem:$0x1C7C0] =	vst v63  }
0x103: {  	s25 =	simm.s32 $0x4  }
0x104: {  	_ =	swait.ge [sflag:s25], $0x640  }
0x105: {  	[sflag:s25] =	ssyncset.done $0x0  }
0x106: {  	s26 =	simm.s32 $0x5078;
	[sflag:s25] =	ssyncadd.s32 $0xFFFFF9C0  }
0x107: {  	[spmem:s11] =	stream.indirect.scatter.add.f32 [tilespmem:s22], [sflag:$0x8], $0x8, s26, s16, $0xb8;
	[tilespmem:$0x1C7C0] =	vst v63  }
0x108: {  	s26 =	simm.s32 $0x6  }
0x109: {  	_ =	swait.ge [sflag:s26], $0x640  }
0x10a: {  	[sflag:s26] =	ssyncset.done $0x0  }
0x10b: {  	s28 =	simm.s32 $0x3E8;
	[sflag:s26] =	ssyncadd.s32 $0xFFFFF9C0  }
0x10c: {  	[tilespmem:s18], [sflag:$0x2] =	stream.indirect.gather [spmem:s12], $0x8, s28, s16, $0xb8;
	[tilespmem:$0x1C7C0] =	vst v63  }
0x10d: {  	_ =	swait.ge [sflag:s19], $0x640  }
0x10e: {  	[sflag:s19] =	ssyncset.done $0x0  }
0x10f: {  	s29 =	simm.s32 $0x5140;
	s28 =	simm.s32 $0x7;
	[sflag:s19] =	ssyncadd.s32 $0xFFFFF9C0  }
0x110: {  	[spmem:s11] =	stream.indirect.scatter.add.f32 [tilespmem:s17], [sflag:$0x5], $0x8, s29, s16, $0xb8;
	[tilespmem:$0x1C7C0] =	vst v63  }
0x111: {  	_ =	swait.ge [sflag:s28], $0x640  }
0x112: {  	[sflag:s28] =	ssyncset.done $0x0  }
0x113: {  	s29 =	simm.s32 $0x4B0;
	[sflag:s28] =	ssyncadd.s32 $0xFFFFF9C0  }
0x114: {  	[tilespmem:s20], [sflag:$0x3] =	stream.indirect.gather [spmem:s12], $0x8, s29, s16, $0xb8;
	[tilespmem:$0x1C7C0] =	vst v63  }
0x115: {  	_ =	swait.ge [sflag:s21], $0x640  }
0x116: {  	[sflag:s21] =	ssyncset.done $0x0  }
0x117: {  	s30 =	simm.s32 $0x5208;
	s29 =	simm.s32 $0x8;
	[sflag:s21] =	ssyncadd.s32 $0xFFFFF9C0  }
0x118: {  	[spmem:s11] =	stream.indirect.scatter.add.f32 [tilespmem:s18], [sflag:$0x6], $0x8, s30, s16, $0xb8;
	[tilespmem:$0x1C7C0] =	vst v63  }
0x119: {  	_ =	swait.ge [sflag:s29], $0x640  }
0x11a: {  	[sflag:s29] =	ssyncset.done $0x0  }
0x11b: {  	s30 =	simm.s32 $0x578;
	[sflag:s29] =	ssyncadd.s32 $0xFFFFF9C0  }
0x11c: {  	[tilespmem:s22], [sflag:$0x4] =	stream.indirect.gather [spmem:s12], $0x8, s30, s16, $0xb8;
	[tilespmem:$0x1C7C0] =	vst v63  }
0x11d: {  	_ =	swait.ge [sflag:s23], $0x640  }
0x11e: {  	[sflag:s23] =	ssyncset.done $0x0  }
0x11f: {  	s30 =	simm.s32 $0x52D0;
	[sflag:s23] =	ssyncadd.s32 $0xFFFFF9C0  }
0x120: {  	[spmem:s11] =	stream.indirect.scatter.add.f32 [tilespmem:s20], [sflag:$0x7], $0x8, s30, s16, $0xb8;
	[tilespmem:$0x1C7C0] =	vst v63  }
0x121: {  	_ =	swait.ge [sflag:s24], $0x640  }
0x122: {  	[sflag:s24] =	ssyncset.done $0x0  }
0x123: {  	s30 =	simm.s32 $0x640;
	[sflag:s24] =	ssyncadd.s32 $0xFFFFF9C0  }
0x124: {  	[tilespmem:s17], [sflag:$0x1] =	stream.indirect.gather [spmem:s12], $0x8, s30, s16, $0xb8;
	[tilespmem:$0x1C7C0] =	vst v63  }
0x125: {  	_ =	swait.ge [sflag:s25], $0x640  }
0x126: {  	[sflag:s25] =	ssyncset.done $0x0  }
0x127: {  	s31 =	simm.s32 $0x5398;
	s30 =	simm.s32 $0xC80;
	[sflag:s25] =	ssyncadd.s32 $0xFFFFF9C0  }
.LBB2_15:
0x128: {  	[spmem:s11] =	stream.indirect.scatter.add.f32 [tilespmem:s22], [sflag:$0x8], $0x8, s31, s16, $0xb8;
	[tilespmem:$0x1C7C0] =	vst v63  }
0x129: {  	s31 =	smov.u32 s30;
	s30 =	sadd.s32 $0xC80, s30;
	_ =	swait.ge [sflag:s26], $0x640  }
0x12a: {  	s31 =	sshra.s32 s31, $0x2;
	p0 =	sne.s32 s30, $0x11F80;
	[sflag:s26] =	ssyncset.done $0x0  }
0x12b: {  	s1 =	sadd.s32 $0x3E8, s31;
	[sflag:s26] =	ssyncadd.s32 $0xFFFFF9C0  }
0x12c: {  	[tilespmem:s18], [sflag:$0x2] =	stream.indirect.gather [spmem:s12], $0x8, s1, s16, $0xb8;
	[tilespmem:$0x1C7C0] =	vst v63  }
0x12d: {  	_ =	swait.ge [sflag:s19], $0x640  }
0x12e: {  	[sflag:s19] =	ssyncset.done $0x0  }
0x12f: {  	s1 =	sadd.s32 $0x5140, s31;
	[sflag:s19] =	ssyncadd.s32 $0xFFFFF9C0  }
0x130: {  	[spmem:s11] =	stream.indirect.scatter.add.f32 [tilespmem:s17], [sflag:$0x5], $0x8, s1, s16, $0xb8;
	[tilespmem:$0x1C7C0] =	vst v63  }
0x131: {  	_ =	swait.ge [sflag:s28], $0x640  }
0x132: {  	[sflag:s28] =	ssyncset.done $0x0  }
0x133: {  	s1 =	sadd.s32 $0x4B0, s31;
	[sflag:s28] =	ssyncadd.s32 $0xFFFFF9C0  }
0x134: {  	[tilespmem:s20], [sflag:$0x3] =	stream.indirect.gather [spmem:s12], $0x8, s1, s16, $0xb8;
	[tilespmem:$0x1C7C0] =	vst v63  }
0x135: {  	_ =	swait.ge [sflag:s21], $0x640  }
0x136: {  	[sflag:s21] =	ssyncset.done $0x0  }
0x137: {  	s1 =	sadd.s32 $0x5208, s31;
	[sflag:s21] =	ssyncadd.s32 $0xFFFFF9C0  }
0x138: {  	[spmem:s11] =	stream.indirect.scatter.add.f32 [tilespmem:s18], [sflag:$0x6], $0x8, s1, s16, $0xb8;
	[tilespmem:$0x1C7C0] =	vst v63  }
0x139: {  	_ =	swait.ge [sflag:s29], $0x640  }
0x13a: {  	[sflag:s29] =	ssyncset.done $0x0  }
0x13b: {  	s1 =	sadd.s32 $0x578, s31;
	[sflag:s29] =	ssyncadd.s32 $0xFFFFF9C0  }
0x13c: {  	[tilespmem:s22], [sflag:$0x4] =	stream.indirect.gather [spmem:s12], $0x8, s1, s16, $0xb8;
	[tilespmem:$0x1C7C0] =	vst v63  }
0x13d: {  	_ =	swait.ge [sflag:s23], $0x640  }
0x13e: {  	[sflag:s23] =	ssyncset.done $0x0  }
0x13f: {  	s1 =	sadd.s32 $0x52D0, s31;
	[sflag:s23] =	ssyncadd.s32 $0xFFFFF9C0  }
0x140: {  	[spmem:s11] =	stream.indirect.scatter.add.f32 [tilespmem:s20], [sflag:$0x7], $0x8, s1, s16, $0xb8;
	[tilespmem:$0x1C7C0] =	vst v63  }
0x141: {  	_ =	swait.ge [sflag:s24], $0x640  }
0x142: {  	[sflag:s24] =	ssyncset.done $0x0  }
.Ltmp7:
0x143: {  	s1 =	sadd.s32 $0x640, s31;
	[sflag:s24] =	ssyncadd.s32 $0xFFFFF9C0;
	(pc) =	sbr.rel @p0 .LBB2_15-.Ltmp7, $4  }
0x144: {  	[tilespmem:s17], [sflag:$0x1] =	stream.indirect.gather [spmem:s12], $0x8, s1, s16, $0xb8;
	[tilespmem:$0x1C7C0] =	vst v63  }
0x145: {  	_ =	swait.ge [sflag:s25], $0x640  }
0x146: {  	[sflag:s25] =	ssyncset.done $0x0  }
0x147: {  	s31 =	sadd.s32 $0x5398, s31;
	[sflag:s25] =	ssyncadd.s32 $0xFFFFF9C0  }
0x148: {  	[spmem:s11] =	stream.indirect.scatter.add.f32 [tilespmem:s22], [sflag:$0x8], $0x8, s31, s16, $0xb8;
	[tilespmem:$0x1C7C0] =	vst v63  }
0x149: {  	s1 =	simm.s32 $0x6  }
0x14a: {  	_ =	swait.ge [sflag:s1], $0x640  }
0x14b: {  	s22 =	simm.s32 $0xC8;
	s17 =	simm.s32 $0x4BC8;
	[sflag:s1] =	ssyncset.done $0x0  }
0x14c: {  	s18 =	simm.s32 $0x13600;
	s23 =	simm.s32 $0x1;
	[sflag:s1] =	ssyncadd.s32 $0xFFFFF9C0  }
0x14d: {  	[tilespmem:s18], [sflag:$0x2] =	stream.indirect.gather [spmem:s12], $0x8, s17, s22, $0xb8;
	[tilespmem:$0x1C7C0] =	vst v63  }
0x14e: {  	_ =	swait.ge [sflag:s23], $0x640  }
0x14f: {  	s19 =	sshra.s32 s30, $0x2;
	s20 =	simm.s32 $0x12FC0;
	[sflag:s23] =	ssyncset.done $0x0  }
0x150: {  	s24 =	sadd.s32 $0x5140, s19;
	s17 =	simm.s32 $0x7;
	[sflag:s23] =	ssyncadd.s32 $0xFFFFF9C0  }
0x151: {  	[spmem:s11] =	stream.indirect.scatter.add.f32 [tilespmem:s20], [sflag:$0x5], $0x8, s24, s22, $0xb8;
	[tilespmem:$0x1C7C0] =	vst v63  }
0x152: {  	_ =	swait.ge [sflag:s17], $0x640  }
0x153: {  	s21 =	simm.s32 $0x13C40;
	[sflag:s17] =	ssyncset.done $0x0  }
0x154: {  	s26 =	simm.s32 $0x2;
	s25 =	sadd.s32 $0x4B0, s19;
	[sflag:s17] =	ssyncadd.s32 $0xFFFFF9C0  }
0x155: {  	[tilespmem:s21], [sflag:$0x3] =	stream.indirect.gather [spmem:s12], $0x8, s25, s22, $0xb8;
	[tilespmem:$0x1C7C0] =	vst v63  }
0x156: {  	_ =	swait.ge [sflag:s26], $0x640  }
0x157: {  	[sflag:s26] =	ssyncset.done $0x0  }
0x158: {  	s28 =	simm.s32 $0x99E8;
	s29 =	simm.s32 $0x8;
	[sflag:s26] =	ssyncadd.s32 $0xFFFFF9C0  }
0x159: {  	[spmem:s11] =	stream.indirect.scatter.add.f32 [tilespmem:s18], [sflag:$0x6], $0x8, s28, s22, $0xb8;
	[tilespmem:$0x1C7C0] =	vst v63  }
0x15a: {  	_ =	swait.ge [sflag:s29], $0x640  }
0x15b: {  	s31 =	simm.s32 $0x14280;
	[sflag:s29] =	ssyncset.done $0x0  }
0x15c: {  	s30 =	sadd.s32 $0x578, s19;
	s20 =	simm.s32 $0x3;
	[sflag:s29] =	ssyncadd.s32 $0xFFFFF9C0  }
0x15d: {  	[tilespmem:s31], [sflag:$0x4] =	stream.indirect.gather [spmem:s12], $0x8, s30, s22, $0xb8;
	[tilespmem:$0x1C7C0] =	vst v63  }
0x15e: {  	_ =	swait.ge [sflag:s20], $0x640  }
0x15f: {  	[sflag:s20] =	ssyncset.done $0x0  }
0x160: {  	s23 =	sadd.s32 $0x52D0, s19;
	s24 =	simm.s32 $0x5;
	[sflag:s20] =	ssyncadd.s32 $0xFFFFF9C0  }
0x161: {  	[spmem:s11] =	stream.indirect.scatter.add.f32 [tilespmem:s21], [sflag:$0x7], $0x8, s23, s22, $0xb8;
	[tilespmem:$0x1C7C0] =	vst v63  }
0x162: {  	_ =	swait.ge [sflag:s24], $0x640  }
0x163: {  	[sflag:s24] =	ssyncset.done $0x0  }
0x164: {  	s25 =	simm.s32 $0x4;
	[sflag:s24] =	ssyncadd.s32 $0xFFFFF9C0  }
0x165: {  	_ =	swait.ge [sflag:s25], $0x640  }
0x166: {  	[sflag:s25] =	ssyncset.done $0x0  }
0x167: {  	s26 =	sadd.s32 $0x5398, s19;
	[sflag:s25] =	ssyncadd.s32 $0xFFFFF9C0  }
0x168: {  	[spmem:s11] =	stream.indirect.scatter.add.f32 [tilespmem:s31], [sflag:$0x8], $0x8, s26, s22, $0xb8;
	[tilespmem:$0x1C7C0] =	vst v63  }
0x169: {  	_ =	swait.ge [sflag:s1], $0x640  }
0x16a: {  	[sflag:s1] =	ssyncset.done $0x0  }
0x16b: {  	[sflag:s1] =	ssyncadd.s32 $0xFFFFF9C0  }
0x16c: {  	_ =	swait.ge [sflag:s17], $0x640  }
0x16d: {  	[sflag:s17] =	ssyncset.done $0x0  }
0x16e: {  	[sflag:s17] =	ssyncadd.s32 $0xFFFFF9C0  }
0x16f: {  	_ =	swait.ge [sflag:s29], $0x640  }
0x170: {  	[sflag:s29] =	ssyncset.done $0x0  }
0x171: {  	s28 =	simm.s32 $0x9;
	[sflag:s29] =	ssyncadd.s32 $0xFFFFF9C0  }
0x172: {  	v1 =	vlaneseq.u32;
	s11 =	simm.s32 $0xF3C0;
	s29 =	simm.s32 $0x0;
	[bflag:$0x0] =	sbarrier.arrive $0xFFFF  }
0x173: {  	v0 =	vshrl.u32 v1, $0x3;
	[tilespmem:s11], [sflag:$0x9] =	stream.linear.gather [spmem:s15], $0x1400, $0x38;
	[tilespmem:$0x1C7C0] =	vst v63  }
0x174: {  	v3 =	vor.u32 s29, v0;
	_ =	swait.ge [sflag:s28], $0x1400  }
0x175: {  	v1 =	vand.u32 $0x7, v1;
	v2 =	vshll.u32 v3, $0x3;
	[sflag:s28] =	ssyncset.done $0x0  }
0x176: {  	s12 =	simm.s32 $0x107C0;
	v2 =	vor.u32 v1, v2;
	[sflag:s28] =	ssyncadd.s32 $0xFFFFEC00  }
0x177: {  	[tilespmem:s12], [sflag:$0x9] =	stream.linear.gather [spmem:s14], $0x1400, $0x38;
	[tilespmem:$0x1C7C0] =	vst v63  }
0x178: {  	_ =	swait.ge [sflag:s28], $0x1400  }
0x179: {  	[sflag:s28] =	ssyncset.done $0x0  }
0x17a: {  	[sflag:s28] =	ssyncadd.s32 $0xFFFFEC00  }
0x17b: {  	v5 =	vld.idx.msk [tilespmem:v2+s12+$0x0], $0xffff  }
0x17c: {  	v6 =	vld.idx.msk [tilespmem:v2+s11+$0x0], $0xffff  }
0x17d: {  	s14 =	simm.s32 $0xF140  }
0x17e: {  	v4 =	vld.idx.msk [tilespmem:v3+s14+$0x0], $0xffff  }
0x17f: {  	s30 =	simm.s32 $0x148C0  }
0x180: {  	v3 =	vld.idx.msk [tilespmem:v1+s30+$0x0], $0xffff  }
0x181: {  	v5 =	vadd.f32 v5, v6;
	_ =	sdelay $0x1  }
0x182: {  	s31 =	simm.s32 $0x2;
	v7 =	vmul.f32 v5, v4  }
0x183: {  	v5 =	vor.u32 s31, v0  }
0x184: {  	s15 =	simm.s32 $0x4;
	v6 =	vshll.u32 v5, $0x3;
	v7 =	vadd.f32 v7, v3  }
.LBB2_17:
0x185: {  	p0 =	sne.s32 s15, $0x27E;
	v6 =	vor.u32 v1, v6  }
0x186: {  	v7 =	vmax.f32 v7, $0.0e+00  }
0x187: {  	v4 =	vmul.f32 v7, v4;
	_ =	sdelay $0x1  }
0x188: {  	[tilespmem:v2+s11+$0x0] =	vst.idx.msk $0xffff, v4;
	v2 =	vmov v6  }
0x189: {  	v7 =	vld.idx.msk [tilespmem:v6+s12+$0x0], $0xffff  }
0x18a: {  	v6 =	vld.idx.msk [tilespmem:v6+s11+$0x0], $0xffff;
	_ =	sdelay $0x1  }
0x18b: {  	v4 =	vld.idx.msk [tilespmem:v5+s14+$0x0], $0xffff;
	_ =	sdelay $0x3  }
.Ltmp8:
0x18c: {  	v5 =	vadd.f32 v7, v6;
	(pc) =	sbr.rel @p0 .LBB2_17-.Ltmp8, $4  }
0x18d: {  	_ = 	snop  }
0x18e: {  	v7 =	vmul.f32 v5, v4  }
0x18f: {  	v5 =	vor.u32 s15, v0  }
0x190: {  	s15 =	sadd.s32 $0x2, s15;
	v6 =	vshll.u32 v5, $0x3;
	v7 =	vadd.f32 v7, v3  }
0x191: {  	v0 =	vor.u32 v1, v6  }
0x192: {  	v1 =	vmax.f32 v7, $0.0e+00  }
0x193: {  	v1 =	vmul.f32 v1, v4;
	_ =	sdelay $0x1  }
0x194: {  	[tilespmem:v2+s11+$0x0] =	vst.idx.msk $0xffff, v1  }
0x195: {  	v1 =	vld.idx.msk [tilespmem:v0+s12+$0x0], $0xffff  }
0x196: {  	v2 =	vld.idx.msk [tilespmem:v0+s11+$0x0], $0xffff;
	_ =	sdelay $0x1  }
0x197: {  	v4 =	vld.idx.msk [tilespmem:v5+s14+$0x0], $0xffff;
	_ =	sdelay $0x2  }
0x198: {  	v1 =	vadd.f32 v1, v2;
	_ =	sdelay $0x1  }
0x199: {  	v1 =	vmul.f32 v1, v4;
	_ =	sdelay $0x1  }
0x19a: {  	v9 =	vlaneseq.u32;
	v1 =	vadd.f32 v1, v3  }
0x19b: {  	v2 =	vand.u32 $0x3, v9  }
0x19c: {  	v3 =	vor.u32 $0x10, v2;
	v1 =	vmax.f32 v1, $0.0e+00  }
0x19d: {  	v5 =	vor.u32 $0x14, v2;
	v1 =	vmul.f32 v1, v4  }
0x19e: {  	v4 =	vor.u32 $0x18, v2  }
0x19f: {  	[tilespmem:v0+s11+$0x0] =	vst.idx.msk $0xffff, v1;
	v0 =	vor.u32 $0x20, v2  }
0x1a0: {  	s1 =	simm.s32 $0x148C0;
	v11 =	vor.u32 $0x2C, v9  }
0x1a1: {  	v8 =	vor.u32 $0x1C, v2;
	v7 =	vld.idx.msk [tilespmem:v3+s1+$0x0], $0xffff  }
0x1a2: {  	v1 =	vor.u32 $0x24, v2;
	v6 =	vld.idx.msk [tilespmem:v5+s1+$0x0], $0xffff  }
0x1a3: {  	v10 =	vor.u32 $0x28, v2;
	v5 =	vld.idx.msk [tilespmem:v4+s1+$0x0], $0xffff  }
0x1a4: {  	v3 =	vld.idx.msk [tilespmem:v0+s1+$0x0], $0xffff  }
0x1a5: {  	v0 =	vld.idx.msk [tilespmem:v11+s1+$0x0], $0xffff  }
0x1a6: {  	v4 =	vld.idx.msk [tilespmem:v8+s1+$0x0], $0xffff  }
0x1a7: {  	v8 =	vshrl.u32 v9, $0x3;
	v2 =	vld.idx.msk [tilespmem:v1+s1+$0x0], $0xffff  }
0x1a8: {  	s12 =	simm.s32 $0x107C0;
	s14 =	simm.s32 $0x0;
	s11 =	simm.s32 $0x0;
	v9 =	vand.u32 $0x7, v9;
	v8 =	vmul.u32 $0x8, v8;
	v1 =	vld.idx.msk [tilespmem:v10+s1+$0x0], $0xffff;
	v10 =	vimm.f32 $0.0e+00  }
.LBB2_19:
0x1a9: {  	v11 =	vmov s14  }
0x1aa: {  	v11 =	vshll.u32 v11, $0x3  }
0x1ab: {  	v11 =	vor.u32 v8, v11  }
0x1ac: {  	p0 =	sne.s32 s14, $0x27E;
	v11 =	vor.u32 v9, v11  }
.Ltmp9:
0x1ad: {  	_ = 	snop;
	(pc) =	sbr.rel @p0 .LBB2_19-.Ltmp9, $2  }
0x1ae: {  	_ =	sdelay $0x2  }
0x1af: {  	s14 =	sadd.s32 $0x2, s14;
	[tilespmem:v11+s12+$0x0] =	vst.idx.msk $0xffff, v10  }
0x1b0: {  	v8 =	vlaneseq.u32  }
0x1b1: {  	v9 =	vshrl.u32 v8, $0x2  }
0x1b2: {  	v10 =	vmov s11;
	v9 =	vmul.u32 $0x8, v9  }
0x1b3: {  	v10 =	vshll.u32 v10, $0x3  }
0x1b4: {  	v10 =	vor.u32 v9, v10;
	_ =	sdelay $0x1  }
0x1b5: {  	v11 =	vor.u32 $0x1, v10;
	_ =	sdelay $0x1  }
0x1b6: {  	s11 =	simm.s32 $0xF3C0;
	v12 =	vor.u32 $0x2, v10  }
0x1b7: {  	v13 =	vld.idx.msk [tilespmem:v10+s11+$0x0], $0xffff  }
0x1b8: {  	v14 =	vor.u32 $0x3, v10  }
0x1b9: {  	v11 =	vld.idx.msk [tilespmem:v11+s11+$0x0], $0xffff;
	_ =	sdelay $0x1  }
0x1ba: {  	v15 =	vor.u32 $0x4, v10;
	v12 =	vld.idx.msk [tilespmem:v12+s11+$0x0], $0xffff  }
0x1bb: {  	v13 =	vmul.f32 v13, v7  }
0x1bc: {  	v14 =	vld.idx.msk [tilespmem:v14+s11+$0x0], $0xffff  }
0x1bd: {  	v16 =	vor.u32 $0x5, v10;
	v11 =	vmul.f32 v11, v6;
	v13 =	vadd.f32 $0.0e+00, v13;
	_ =	sdelay $0x1  }
0x1be: {  	v17 =	vor.u32 $0x6, v10;
	v15 =	vld.idx.msk [tilespmem:v15+s11+$0x0], $0xffff;
	v12 =	vmul.f32 v12, v5;
	v11 =	vadd.f32 v11, v13;
	_ =	sdelay $0x1  }
0x1bf: {  	v11 =	vadd.f32 v12, v11;
	v12 =	vmul.f32 v14, v4;
	v14 =	vor.u32 $0x7, v10  }
0x1c0: {  	v13 =	vld.idx.msk [tilespmem:v16+s11+$0x0], $0xffff;
	_ =	sdelay $0x1  }
0x1c1: {  	v63 =	vld.idx.msk [tilespmem:v17+s11+$0x0], $0xffff;
	v11 =	vadd.f32 v12, v11;
	v12 =	vmul.f32 v15, v3;
	_ =	sdelay $0x1  }
0x1c2: {  	v12 =	vadd.f32 v12, v11;
	v11 =	vld.idx.msk [tilespmem:v14+s11+$0x0], $0xffff  }
0x1c3: {  	v13 =	vmul.f32 v13, v2  }
0x1c4: {  	s1 =	simm.s32 $0x4;
	v8 =	vand.u32 $0x3, v8  }
0x1c5: {  	s12 =	simm.s32 $0x107C0;
	s14 =	simm.s32 $0x8;
	v14 =	vmov s1;
	v12 =	vadd.f32 v13, v12;
	v13 =	vmul.f32 v63, v1  }
.LBB2_21:
0x1c6: {  	p0 =	sne.s32 s14, $0x27C;
	v14 =	vshll.u32 v14, $0x3;
	v15 =	vor.u32 v8, v10  }
0x1c7: {  	v11 =	vmul.f32 v11, v0;
	v10 =	vor.u32 v9, v14;
	v12 =	vadd.f32 v13, v12;
	_ =	sdelay $0x1  }
0x1c8: {  	v13 =	vor.u32 $0x1, v10;
	v11 =	vadd.f32 v11, v12;
	_ =	sdelay $0x1  }
0x1c9: {  	v12 =	vor.u32 $0x2, v10;
	[tilespmem:v15+s12+$0x0] =	vst.idx.msk $0xffff, v11  }
0x1ca: {  	v11 =	vld.idx.msk [tilespmem:v10+s11+$0x0], $0xffff  }
0x1cb: {  	v14 =	vor.u32 $0x3, v10  }
0x1cc: {  	v13 =	vld.idx.msk [tilespmem:v13+s11+$0x0], $0xffff  }
0x1cd: {  	v15 =	vor.u32 $0x4, v10  }
0x1ce: {  	v12 =	vld.idx.msk [tilespmem:v12+s11+$0x0], $0xffff  }
0x1cf: {  	v16 =	vor.u32 $0x5, v10  }
0x1d0: {  	v11 =	vmul.f32 v11, v7;
	v14 =	vld.idx.msk [tilespmem:v14+s11+$0x0], $0xffff  }
0x1d1: {  	v17 =	vor.u32 $0x6, v10  }
0x1d2: {  	v11 =	vadd.f32 $0.0e+00, v11;
	v13 =	vmul.f32 v13, v6;
	v15 =	vld.idx.msk [tilespmem:v15+s11+$0x0], $0xffff  }
0x1d3: {  	v18 =	vor.u32 $0x7, v10  }
0x1d4: {  	v11 =	vadd.f32 v13, v11;
	v12 =	vmul.f32 v12, v5;
	v13 =	vld.idx.msk [tilespmem:v16+s11+$0x0], $0xffff;
	_ =	sdelay $0x1  }
0x1d5: {  	v11 =	vadd.f32 v12, v11;
	v12 =	vmul.f32 v14, v4;
	v16 =	vld.idx.msk [tilespmem:v17+s11+$0x0], $0xffff;
	_ =	sdelay $0x1  }
.Ltmp10:
0x1d6: {  	v12 =	vadd.f32 v12, v11;
	v14 =	vmul.f32 v15, v3;
	v11 =	vld.idx.msk [tilespmem:v18+s11+$0x0], $0xffff;
	(pc) =	sbr.rel @p0 .LBB2_21-.Ltmp10, $3  }
0x1d7: {  	_ = 	snop  }
0x1d8: {  	v12 =	vadd.f32 v14, v12;
	v13 =	vmul.f32 v13, v2;
	_ =	sdelay $0x1  }
0x1d9: {  	v14 =	vmov s14;
	s14 =	sadd.s32 $0x4, s14;
	v12 =	vadd.f32 v13, v12;
	v13 =	vmul.f32 v16, v1  }
0x1da: {  	v14 =	vshll.u32 v14, $0x3;
	v10 =	vor.u32 v8, v10  }
0x1db: {  	v11 =	vmul.f32 v11, v0;
	v9 =	vor.u32 v9, v14;
	v12 =	vadd.f32 v13, v12;
	_ =	sdelay $0x1  }
0x1dc: {  	v52 =	vor.u32 $0x1, v9;
	v11 =	vadd.f32 v11, v12;
	_ =	sdelay $0x1  }
0x1dd: {  	v53 =	vor.u32 $0x2, v9;
	[tilespmem:v10+s12+$0x0] =	vst.idx.msk $0xffff, v11  }
0x1de: {  	v10 =	vld.idx.msk [tilespmem:v9+s11+$0x0], $0xffff  }
0x1df: {  	v54 =	vor.u32 $0x3, v9  }
0x1e0: {  	v13 =	vld.idx.msk [tilespmem:v52+s11+$0x0], $0xffff  }
0x1e1: {  	v14 =	vor.u32 $0x4, v9  }
0x1e2: {  	v12 =	vld.idx.msk [tilespmem:v53+s11+$0x0], $0xffff  }
0x1e3: {  	v15 =	vor.u32 $0x5, v9;
	v7 =	vmul.f32 v10, v7  }
0x1e4: {  	v55 =	vld.idx.msk [tilespmem:v54+s11+$0x0], $0xffff  }
0x1e5: {  	v56 =	vor.u32 $0x6, v9;
	v6 =	vmul.f32 v13, v6;
	v7 =	vadd.f32 $0.0e+00, v7  }
0x1e6: {  	v57 =	vld.idx.msk [tilespmem:v14+s11+$0x0], $0xffff  }
0x1e7: {  	v58 =	vor.u32 $0x7, v9;
	v5 =	vmul.f32 v12, v5;
	v6 =	vadd.f32 v6, v7  }
0x1e8: {  	v59 =	vld.idx.msk [tilespmem:v15+s11+$0x0], $0xffff  }
0x1e9: {  	v4 =	vmul.f32 v55, v4;
	v5 =	vadd.f32 v5, v6  }
0x1ea: {  	v60 =	vld.idx.msk [tilespmem:v56+s11+$0x0], $0xffff  }
0x1eb: {  	v3 =	vmul.f32 v57, v3;
	v4 =	vadd.f32 v4, v5  }
0x1ec: {  	v61 =	vld.idx.msk [tilespmem:v58+s11+$0x0], $0xffff  }
0x1ed: {  	v2 =	vmul.f32 v59, v2;
	v3 =	vadd.f32 v3, v4;
	_ =	sdelay $0x1  }
0x1ee: {  	v1 =	vmul.f32 v60, v1;
	v2 =	vadd.f32 v2, v3  }
0x1ef: {  	v62 =	vor.u32 v8, v9  }
0x1f0: {  	v63 =	vmul.f32 v61, v0;
	v1 =	vadd.f32 v1, v2;
	_ =	sdelay $0x1  }
0x1f1: {  	v0 =	vadd.f32 v63, v1;
	_ =	sdelay $0x1  }
0x1f2: {  	s1 =	simm.s32 $0x107C0;
	s15 =	simm.s32 $0x9;
	s11 =	sadd.s32 s13, s8;
	[tilespmem:v62+s12+$0x0] =	vst.idx.msk $0xffff, v0  }
0x1f3: {  	[spmem:s11] =	stream.linear.scatter [tilespmem:s1], [sflag:$0x9], $0x1400, $0x38;
	[tilespmem:$0x1C7C0] =	vst v63  }
0x1f4: {  	_ =	swait.ge [sflag:s15], $0x1400  }
0x1f5: {  	[sflag:s15] =	ssyncset.done $0x0  }
0x1f6: {  	s16 =	simm.s32 $0x0;
	[sflag:s15] =	ssyncadd.s32 $0xFFFFEC00  }
0x1f7: {  	s13 =	simm.s32 $0x12FC0;
	s12 =	simm.s32 $0xC8;
	[bflag:$0x0] =	sbarrier.arrive $0xFFFF  }
0x1f8: {  	[tilespmem:s13], [sflag:$0x1] =	stream.indirect.gather [spmem:s8], $0x8, s16, s12, $0xb8;
	[tilespmem:$0x1C7C0] =	vst v63  }
0x1f9: {  	s14 =	simm.s32 $0x13600;
	s15 =	simm.s32 $0x1  }
0x1fa: {  	[tilespmem:s14], [sflag:$0x2] =	stream.indirect.gather [spmem:s8], $0x8, s12, s12, $0xb8;
	[tilespmem:$0x1C7C0] =	vst v63  }
0x1fb: {  	_ =	swait.ge [sflag:s15], $0x640  }
0x1fc: {  	[sflag:s15] =	ssyncset.done $0x0  }
0x1fd: {  	s17 =	simm.s32 $0x4E20;
	[sflag:s15] =	ssyncadd.s32 $0xFFFFF9C0  }
0x1fe: {  	[spmem:s7] =	stream.indirect.scatter.add.f32 [tilespmem:s13], [sflag:$0x5], $0x8, s17, s12, $0xb8;
	[tilespmem:$0x1C7C0] =	vst v63  }
0x1ff: {  	s18 =	simm.s32 $0x190;
	s16 =	simm.s32 $0x13C40;
	s17 =	simm.s32 $0x2  }
0x200: {  	[tilespmem:s16], [sflag:$0x3] =	stream.indirect.gather [spmem:s8], $0x8, s18, s12, $0xb8;
	[tilespmem:$0x1C7C0] =	vst v63  }
0x201: {  	_ =	swait.ge [sflag:s17], $0x640  }
0x202: {  	[sflag:s17] =	ssyncset.done $0x0  }
0x203: {  	s19 =	simm.s32 $0x4EE8;
	[sflag:s17] =	ssyncadd.s32 $0xFFFFF9C0  }
0x204: {  	[spmem:s7] =	stream.indirect.scatter.add.f32 [tilespmem:s14], [sflag:$0x6], $0x8, s19, s12, $0xb8;
	[tilespmem:$0x1C7C0] =	vst v63  }
0x205: {  	s20 =	simm.s32 $0x258;
	s18 =	simm.s32 $0x14280;
	s19 =	simm.s32 $0x3  }
0x206: {  	[tilespmem:s18], [sflag:$0x4] =	stream.indirect.gather [spmem:s8], $0x8, s20, s12, $0xb8;
	[tilespmem:$0x1C7C0] =	vst v63  }
0x207: {  	_ =	swait.ge [sflag:s19], $0x640  }
0x208: {  	[sflag:s19] =	ssyncset.done $0x0  }
0x209: {  	s21 =	simm.s32 $0x4FB0;
	s20 =	simm.s32 $0x5;
	[sflag:s19] =	ssyncadd.s32 $0xFFFFF9C0  }
0x20a: {  	[spmem:s7] =	stream.indirect.scatter.add.f32 [tilespmem:s16], [sflag:$0x7], $0x8, s21, s12, $0xb8;
	[tilespmem:$0x1C7C0] =	vst v63  }
0x20b: {  	_ =	swait.ge [sflag:s20], $0x640  }
0x20c: {  	[sflag:s20] =	ssyncset.done $0x0  }
0x20d: {  	s22 =	simm.s32 $0x320;
	s21 =	simm.s32 $0x4;
	[sflag:s20] =	ssyncadd.s32 $0xFFFFF9C0  }
0x20e: {  	[tilespmem:s13], [sflag:$0x1] =	stream.indirect.gather [spmem:s8], $0x8, s22, s12, $0xb8;
	[tilespmem:$0x1C7C0] =	vst v63  }
0x20f: {  	_ =	swait.ge [sflag:s21], $0x640  }
0x210: {  	[sflag:s21] =	ssyncset.done $0x0  }
0x211: {  	s23 =	simm.s32 $0x5078;
	s22 =	simm.s32 $0x6;
	[sflag:s21] =	ssyncadd.s32 $0xFFFFF9C0  }
0x212: {  	[spmem:s7] =	stream.indirect.scatter.add.f32 [tilespmem:s18], [sflag:$0x8], $0x8, s23, s12, $0xb8;
	[tilespmem:$0x1C7C0] =	vst v63  }
0x213: {  	_ =	swait.ge [sflag:s22], $0x640  }
0x214: {  	[sflag:s22] =	ssyncset.done $0x0  }
0x215: {  	s24 =	simm.s32 $0x3E8;
	[sflag:s22] =	ssyncadd.s32 $0xFFFFF9C0  }
0x216: {  	[tilespmem:s14], [sflag:$0x2] =	stream.indirect.gather [spmem:s8], $0x8, s24, s12, $0xb8;
	[tilespmem:$0x1C7C0] =	vst v63  }
0x217: {  	_ =	swait.ge [sflag:s15], $0x640  }
0x218: {  	[sflag:s15] =	ssyncset.done $0x0  }
0x219: {  	s25 =	simm.s32 $0x5140;
	s23 =	simm.s32 $0x7;
	[sflag:s15] =	ssyncadd.s32 $0xFFFFF9C0  }
0x21a: {  	[spmem:s7] =	stream.indirect.scatter.add.f32 [tilespmem:s13], [sflag:$0x5], $0x8, s25, s12, $0xb8;
	[tilespmem:$0x1C7C0] =	vst v63  }
0x21b: {  	_ =	swait.ge [sflag:s23], $0x640  }
0x21c: {  	[sflag:s23] =	ssyncset.done $0x0  }
0x21d: {  	s26 =	simm.s32 $0x4B0;
	[sflag:s23] =	ssyncadd.s32 $0xFFFFF9C0  }
0x21e: {  	[tilespmem:s16], [sflag:$0x3] =	stream.indirect.gather [spmem:s8], $0x8, s26, s12, $0xb8;
	[tilespmem:$0x1C7C0] =	vst v63  }
0x21f: {  	_ =	swait.ge [sflag:s17], $0x640  }
0x220: {  	[sflag:s17] =	ssyncset.done $0x0  }
0x221: {  	s28 =	simm.s32 $0x5208;
	s24 =	simm.s32 $0x8;
	[sflag:s17] =	ssyncadd.s32 $0xFFFFF9C0  }
0x222: {  	[spmem:s7] =	stream.indirect.scatter.add.f32 [tilespmem:s14], [sflag:$0x6], $0x8, s28, s12, $0xb8;
	[tilespmem:$0x1C7C0] =	vst v63  }
0x223: {  	_ =	swait.ge [sflag:s24], $0x640  }
0x224: {  	[sflag:s24] =	ssyncset.done $0x0  }
0x225: {  	s29 =	simm.s32 $0x578;
	[sflag:s24] =	ssyncadd.s32 $0xFFFFF9C0  }
0x226: {  	[tilespmem:s18], [sflag:$0x4] =	stream.indirect.gather [spmem:s8], $0x8, s29, s12, $0xb8;
	[tilespmem:$0x1C7C0] =	vst v63  }
0x227: {  	_ =	swait.ge [sflag:s19], $0x640  }
0x228: {  	[sflag:s19] =	ssyncset.done $0x0  }
0x229: {  	s30 =	simm.s32 $0x52D0;
	[sflag:s19] =	ssyncadd.s32 $0xFFFFF9C0  }
0x22a: {  	[spmem:s7] =	stream.indirect.scatter.add.f32 [tilespmem:s16], [sflag:$0x7], $0x8, s30, s12, $0xb8;
	[tilespmem:$0x1C7C0] =	vst v63  }
0x22b: {  	_ =	swait.ge [sflag:s20], $0x640  }
0x22c: {  	[sflag:s20] =	ssyncset.done $0x0  }
0x22d: {  	s31 =	simm.s32 $0x640;
	[sflag:s20] =	ssyncadd.s32 $0xFFFFF9C0  }
0x22e: {  	[tilespmem:s13], [sflag:$0x1] =	stream.indirect.gather [spmem:s8], $0x8, s31, s12, $0xb8;
	[tilespmem:$0x1C7C0] =	vst v63  }
0x22f: {  	_ =	swait.ge [sflag:s21], $0x640  }
0x230: {  	[sflag:s21] =	ssyncset.done $0x0  }
0x231: {  	s25 =	simm.s32 $0xC80;
	s26 =	simm.s32 $0x5398;
	[sflag:s21] =	ssyncadd.s32 $0xFFFFF9C0  }
.LBB2_23:
0x232: {  	[spmem:s7] =	stream.indirect.scatter.add.f32 [tilespmem:s18], [sflag:$0x8], $0x8, s26, s12, $0xb8;
	[tilespmem:$0x1C7C0] =	vst v63  }
0x233: {  	s1 =	smov.u32 s25;
	s25 =	sadd.s32 $0xC80, s25;
	_ =	swait.ge [sflag:s22], $0x640  }
0x234: {  	s26 =	sshra.s32 s1, $0x2;
	p0 =	sne.s32 s25, $0x11F80;
	[sflag:s22] =	ssyncset.done $0x0  }
0x235: {  	s1 =	sadd.s32 $0x3E8, s26;
	[sflag:s22] =	ssyncadd.s32 $0xFFFFF9C0  }
0x236: {  	[tilespmem:s14], [sflag:$0x2] =	stream.indirect.gather [spmem:s8], $0x8, s1, s12, $0xb8;
	[tilespmem:$0x1C7C0] =	vst v63  }
0x237: {  	_ =	swait.ge [sflag:s15], $0x640  }
0x238: {  	[sflag:s15] =	ssyncset.done $0x0  }
0x239: {  	s1 =	sadd.s32 $0x5140, s26;
	[sflag:s15] =	ssyncadd.s32 $0xFFFFF9C0  }
0x23a: {  	[spmem:s7] =	stream.indirect.scatter.add.f32 [tilespmem:s13], [sflag:$0x5], $0x8, s1, s12, $0xb8;
	[tilespmem:$0x1C7C0] =	vst v63  }
0x23b: {  	_ =	swait.ge [sflag:s23], $0x640  }
0x23c: {  	[sflag:s23] =	ssyncset.done $0x0  }
0x23d: {  	s1 =	sadd.s32 $0x4B0, s26;
	[sflag:s23] =	ssyncadd.s32 $0xFFFFF9C0  }
0x23e: {  	[tilespmem:s16], [sflag:$0x3] =	stream.indirect.gather [spmem:s8], $0x8, s1, s12, $0xb8;
	[tilespmem:$0x1C7C0] =	vst v63  }
0x23f: {  	_ =	swait.ge [sflag:s17], $0x640  }
0x240: {  	[sflag:s17] =	ssyncset.done $0x0  }
0x241: {  	s1 =	sadd.s32 $0x5208, s26;
	[sflag:s17] =	ssyncadd.s32 $0xFFFFF9C0  }
0x242: {  	[spmem:s7] =	stream.indirect.scatter.add.f32 [tilespmem:s14], [sflag:$0x6], $0x8, s1, s12, $0xb8;
	[tilespmem:$0x1C7C0] =	vst v63  }
0x243: {  	_ =	swait.ge [sflag:s24], $0x640  }
0x244: {  	[sflag:s24] =	ssyncset.done $0x0  }
0x245: {  	s1 =	sadd.s32 $0x578, s26;
	[sflag:s24] =	ssyncadd.s32 $0xFFFFF9C0  }
0x246: {  	[tilespmem:s18], [sflag:$0x4] =	stream.indirect.gather [spmem:s8], $0x8, s1, s12, $0xb8;
	[tilespmem:$0x1C7C0] =	vst v63  }
0x247: {  	_ =	swait.ge [sflag:s19], $0x640  }
0x248: {  	[sflag:s19] =	ssyncset.done $0x0  }
0x249: {  	s1 =	sadd.s32 $0x52D0, s26;
	[sflag:s19] =	ssyncadd.s32 $0xFFFFF9C0  }
0x24a: {  	[spmem:s7] =	stream.indirect.scatter.add.f32 [tilespmem:s16], [sflag:$0x7], $0x8, s1, s12, $0xb8;
	[tilespmem:$0x1C7C0] =	vst v63  }
0x24b: {  	_ =	swait.ge [sflag:s20], $0x640  }
0x24c: {  	[sflag:s20] =	ssyncset.done $0x0  }
.Ltmp11:
0x24d: {  	s1 =	sadd.s32 $0x640, s26;
	[sflag:s20] =	ssyncadd.s32 $0xFFFFF9C0;
	(pc) =	sbr.rel @p0 .LBB2_23-.Ltmp11, $4  }
0x24e: {  	[tilespmem:s13], [sflag:$0x1] =	stream.indirect.gather [spmem:s8], $0x8, s1, s12, $0xb8;
	[tilespmem:$0x1C7C0] =	vst v63  }
0x24f: {  	_ =	swait.ge [sflag:s21], $0x640  }
0x250: {  	[sflag:s21] =	ssyncset.done $0x0  }
0x251: {  	s26 =	sadd.s32 $0x5398, s26;
	[sflag:s21] =	ssyncadd.s32 $0xFFFFF9C0  }
0x252: {  	[spmem:s7] =	stream.indirect.scatter.add.f32 [tilespmem:s18], [sflag:$0x8], $0x8, s26, s12, $0xb8;
	[tilespmem:$0x1C7C0] =	vst v63  }
0x253: {  	s1 =	simm.s32 $0x6  }
0x254: {  	_ =	swait.ge [sflag:s1], $0x640  }
0x255: {  	s12 =	simm.s32 $0xC8;
	s13 =	simm.s32 $0x4BC8;
	[sflag:s1] =	ssyncset.done $0x0  }
0x256: {  	s14 =	simm.s32 $0x13600;
	s26 =	simm.s32 $0x1;
	[sflag:s1] =	ssyncadd.s32 $0xFFFFF9C0  }
0x257: {  	[tilespmem:s14], [sflag:$0x2] =	stream.indirect.gather [spmem:s8], $0x8, s13, s12, $0xb8;
	[tilespmem:$0x1C7C0] =	vst v63  }
0x258: {  	_ =	swait.ge [sflag:s26], $0x640  }
0x259: {  	s15 =	sshra.s32 s25, $0x2;
	s16 =	simm.s32 $0x12FC0;
	[sflag:s26] =	ssyncset.done $0x0  }
0x25a: {  	s29 =	simm.s32 $0x7;
	s28 =	sadd.s32 $0x5140, s15;
	[sflag:s26] =	ssyncadd.s32 $0xFFFFF9C0  }
0x25b: {  	[spmem:s7] =	stream.indirect.scatter.add.f32 [tilespmem:s16], [sflag:$0x5], $0x8, s28, s12, $0xb8;
	[tilespmem:$0x1C7C0] =	vst v63  }
0x25c: {  	_ =	swait.ge [sflag:s29], $0x640  }
0x25d: {  	s17 =	simm.s32 $0x13C40;
	[sflag:s29] =	ssyncset.done $0x0  }
0x25e: {  	s31 =	simm.s32 $0x2;
	s30 =	sadd.s32 $0x4B0, s15;
	[sflag:s29] =	ssyncadd.s32 $0xFFFFF9C0  }
0x25f: {  	[tilespmem:s17], [sflag:$0x3] =	stream.indirect.gather [spmem:s8], $0x8, s30, s12, $0xb8;
	[tilespmem:$0x1C7C0] =	vst v63  }
0x260: {  	_ =	swait.ge [sflag:s31], $0x640  }
0x261: {  	[sflag:s31] =	ssyncset.done $0x0  }
0x262: {  	s18 =	simm.s32 $0x99E8;
	s19 =	simm.s32 $0x8;
	[sflag:s31] =	ssyncadd.s32 $0xFFFFF9C0  }
0x263: {  	[spmem:s7] =	stream.indirect.scatter.add.f32 [tilespmem:s14], [sflag:$0x6], $0x8, s18, s12, $0xb8;
	[tilespmem:$0x1C7C0] =	vst v63  }
0x264: {  	_ =	swait.ge [sflag:s19], $0x640  }
0x265: {  	s21 =	simm.s32 $0x14280;
	[sflag:s19] =	ssyncset.done $0x0  }
0x266: {  	s22 =	simm.s32 $0x3;
	s20 =	sadd.s32 $0x578, s15;
	[sflag:s19] =	ssyncadd.s32 $0xFFFFF9C0  }
0x267: {  	[tilespmem:s21], [sflag:$0x4] =	stream.indirect.gather [spmem:s8], $0x8, s20, s12, $0xb8;
	[tilespmem:$0x1C7C0] =	vst v63  }
0x268: {  	_ =	swait.ge [sflag:s22], $0x640  }
0x269: {  	[sflag:s22] =	ssyncset.done $0x0  }
0x26a: {  	s24 =	simm.s32 $0x5;
	s23 =	sadd.s32 $0x52D0, s15;
	[sflag:s22] =	ssyncadd.s32 $0xFFFFF9C0  }
0x26b: {  	[spmem:s7] =	stream.indirect.scatter.add.f32 [tilespmem:s17], [sflag:$0x7], $0x8, s23, s12, $0xb8;
	[tilespmem:$0x1C7C0] =	vst v63  }
0x26c: {  	_ =	swait.ge [sflag:s24], $0x640  }
0x26d: {  	[sflag:s24] =	ssyncset.done $0x0  }
0x26e: {  	s25 =	simm.s32 $0x4;
	[sflag:s24] =	ssyncadd.s32 $0xFFFFF9C0  }
0x26f: {  	_ =	swait.ge [sflag:s25], $0x640  }
0x270: {  	[sflag:s25] =	ssyncset.done $0x0  }
0x271: {  	s26 =	sadd.s32 $0x5398, s15;
	[sflag:s25] =	ssyncadd.s32 $0xFFFFF9C0  }
0x272: {  	[spmem:s7] =	stream.indirect.scatter.add.f32 [tilespmem:s21], [sflag:$0x8], $0x8, s26, s12, $0xb8;
	[tilespmem:$0x1C7C0] =	vst v63  }
0x273: {  	_ =	swait.ge [sflag:s1], $0x640  }
0x274: {  	[sflag:s1] =	ssyncset.done $0x0  }
0x275: {  	[sflag:s1] =	ssyncadd.s32 $0xFFFFF9C0  }
0x276: {  	_ =	swait.ge [sflag:s29], $0x640  }
0x277: {  	[sflag:s29] =	ssyncset.done $0x0  }
0x278: {  	[sflag:s29] =	ssyncadd.s32 $0xFFFFF9C0  }
0x279: {  	_ =	swait.ge [sflag:s19], $0x640  }
0x27a: {  	[sflag:s19] =	ssyncset.done $0x0  }
0x27b: {  	s28 =	simm.s32 $0x9;
	[sflag:s19] =	ssyncadd.s32 $0xFFFFF9C0  }
0x27c: {  	v1 =	vlaneseq.u32;
	s7 =	simm.s32 $0xF3C0;
	s29 =	simm.s32 $0x0;
	[bflag:$0x0] =	sbarrier.arrive $0xFFFF  }
0x27d: {  	v0 =	vshrl.u32 v1, $0x2;
	[tilespmem:s7], [sflag:$0x9] =	stream.linear.gather [spmem:s10], $0x1400, $0x38;
	[tilespmem:$0x1C7C0] =	vst v63  }
0x27e: {  	v5 =	vor.u32 s29, v0;
	_ =	swait.ge [sflag:s28], $0x1400  }
0x27f: {  	v1 =	vand.u32 $0x3, v1;
	v2 =	vshll.u32 v5, $0x3;
	[sflag:s28] =	ssyncset.done $0x0  }
0x280: {  	s8 =	simm.s32 $0x107C0;
	v3 =	vor.u32 v1, v2;
	[sflag:s28] =	ssyncadd.s32 $0xFFFFEC00  }
0x281: {  	[tilespmem:s8], [sflag:$0x9] =	stream.linear.gather [spmem:s11], $0x1400, $0x38;
	[tilespmem:$0x1C7C0] =	vst v63  }
0x282: {  	_ =	swait.ge [sflag:s28], $0x1400  }
0x283: {  	[sflag:s28] =	ssyncset.done $0x0  }
0x284: {  	[sflag:s28] =	ssyncadd.s32 $0xFFFFEC00  }
0x285: {  	v2 =	vor.u32 $0x8, v1;
	v6 =	vld.idx.msk [tilespmem:v3+s8+$0x0], $0xffff  }
0x286: {  	v7 =	vld.idx.msk [tilespmem:v3+s7+$0x0], $0xffff  }
0x287: {  	s10 =	simm.s32 $0xF140  }
0x288: {  	v5 =	vld.idx.msk [tilespmem:v5+s10+$0x0], $0xffff  }
0x289: {  	s30 =	simm.s32 $0x148C0  }
0x28a: {  	s31 =	simm.s32 $0x4;
	v2 =	vld.idx.msk [tilespmem:v2+s30+$0x0], $0xffff  }
0x28b: {  	v4 =	vor.u32 s31, v0;
	v6 =	vadd.f32 v6, v7  }
0x28c: {  	s11 =	simm.s32 $0x8;
	v7 =	vshll.u32 v4, $0x3  }
.LBB2_25:
0x28d: {  	p0 =	sne.s32 s11, $0x27C;
	v7 =	vor.u32 v1, v7;
	v5 =	vmul.f32 v6, v5;
	_ =	sdelay $0x1  }
0x28e: {  	v5 =	vadd.f32 v5, v2;
	_ =	sdelay $0x1  }
0x28f: {  	[tilespmem:v3+s7+$0x0] =	vst.idx.msk $0xffff, v5;
	v3 =	vmov v7  }
0x290: {  	v6 =	vld.idx.msk [tilespmem:v7+s8+$0x0], $0xffff  }
0x291: {  	v7 =	vld.idx.msk [tilespmem:v7+s7+$0x0], $0xffff;
	_ =	sdelay $0x1  }
0x292: {  	v5 =	vld.idx.msk [tilespmem:v4+s10+$0x0], $0xffff  }
.Ltmp12:
0x293: {  	(pc) =	sbr.rel @p0 .LBB2_25-.Ltmp12, $3  }
0x294: {  	_ =	sdelay $0x1  }
0x295: {  	v4 =	vor.u32 s11, v0;
	v6 =	vadd.f32 v6, v7  }
0x296: {  	s11 =	sadd.s32 $0x4, s11;
	v7 =	vshll.u32 v4, $0x3  }
0x297: {  	v1 =	vor.u32 v1, v7;
	v0 =	vmul.f32 v6, v5;
	_ =	sdelay $0x1  }
0x298: {  	v0 =	vadd.f32 v0, v2;
	_ =	sdelay $0x1  }
0x299: {  	[tilespmem:v3+s7+$0x0] =	vst.idx.msk $0xffff, v0  }
0x29a: {  	v0 =	vld.idx.msk [tilespmem:v1+s8+$0x0], $0xffff  }
0x29b: {  	v3 =	vld.idx.msk [tilespmem:v1+s7+$0x0], $0xffff;
	_ =	sdelay $0x1  }
0x29c: {  	v4 =	vld.idx.msk [tilespmem:v4+s10+$0x0], $0xffff;
	_ =	sdelay $0x2  }
0x29d: {  	v0 =	vadd.f32 v0, v3;
	_ =	sdelay $0x1  }
0x29e: {  	s1 =	simm.s32 $0x0;
	v3 =	vmul.f32 v0, v4;
	v0 =	vlaneseq.u32  }
0x29f: {  	v63 =	vmov s1;
	v0 =	vmul.u32 $0x8, v0  }
0x2a0: {  	v2 =	vadd.f32 v3, v2;
	v3 =	vshll.u32 v63, $0x3  }
0x2a1: {  	v3 =	vor.u32 v0, v3  }
0x2a2: {  	[tilespmem:v1+s7+$0x0] =	vst.idx.msk $0xffff, v2;
	v2 =	vor.u32 $0x4, v3  }
0x2a3: {  	s8 =	simm.s32 $0x10;
	s10 =	sadd.s32 $0x0, s9;
	v1 =	vimm.f32 $1.000000000e+00;
	s7 =	simm.s32 $0xF3C0  }
.LBB2_27:
0x2a4: {  	p0 =	sne.s32 s8, $0x270  }
0x2a5: {  	v3 =	vmov s8;
	p1 =	slt.u32 s10, $0x2710;
	s1 =	smov.u32 s8;
	s8 =	sadd.s32 $0x10, s8  }
.Ltmp13:
0x2a6: {  	v3 =	vshll.u32 v3, $0x3;
	v4 =	vpsel !p1, $0x0, v1;
	(pc) =	sbr.rel @p0 .LBB2_27-.Ltmp13, $3  }
0x2a7: {  	v3 =	vor.u32 v0, v3;
	[tilespmem:v2+s7+$0x0] =	vst.idx.msk $0xffff, v4  }
0x2a8: {  	v2 =	vor.u32 $0x4, v3;
	_ =	sdelay $0x1  }
0x2a9: {  	s10 =	sadd.s32 s9, s1  }
0x2aa: {  	_ = 	snop  }
0x2ab: {  	s1 =	smul.u32 $0xA00, s0  }
0x2ac: {  	p0 =	slt.u32 s10, $0x2710  }
0x2ad: {  	s9 =	simm.s32 $0x80;
	v0 =	vpsel !p0, $0x0, v1;
	s1 =	sshrl.u32 s1, $0x2  }
0x2ae: {  	s18 =	simm.s32 $0x9;
	[tilespmem:v2+s7+$0x0] =	vst.idx.msk $0xffff, v0;
	s7 =	simm.s32 $0xF3C0;
	s8 =	sadd.s32 $0x9C40, s1  }
0x2af: {  	[spmem:s5] =	stream.indirect.scatter.add.f32 [tilespmem:s7], [sflag:$0x9], $0x8, s8, s9, $0xb8;
	[tilespmem:$0x1C7C0] =	vst v63  }
0x2b0: {  	_ =	swait.ge [sflag:s18], $0x400  }
0x2b1: {  	[sflag:s18] =	ssyncset.done $0x0  }
0x2b2: {  	s11 =	simm.s32 $0xF7C0;
	s19 =	sadd.s32 $0x9CC0, s1;
	[sflag:s18] =	ssyncadd.s32 $0xFFFFFC00  }
0x2b3: {  	[spmem:s5] =	stream.indirect.scatter.add.f32 [tilespmem:s11], [sflag:$0x9], $0x8, s19, s9, $0xb8;
	[tilespmem:$0x1C7C0] =	vst v63  }
0x2b4: {  	_ =	swait.ge [sflag:s18], $0x400  }
0x2b5: {  	[sflag:s18] =	ssyncset.done $0x0  }
0x2b6: {  	s21 =	simm.s32 $0xFBC0;
	s20 =	sadd.s32 $0x9D40, s1;
	[sflag:s18] =	ssyncadd.s32 $0xFFFFFC00  }
0x2b7: {  	[spmem:s5] =	stream.indirect.scatter.add.f32 [tilespmem:s21], [sflag:$0x9], $0x8, s20, s9, $0xb8;
	[tilespmem:$0x1C7C0] =	vst v63  }
0x2b8: {  	_ =	swait.ge [sflag:s18], $0x400  }
0x2b9: {  	[sflag:s18] =	ssyncset.done $0x0  }
0x2ba: {  	s23 =	simm.s32 $0xFFC0;
	s22 =	sadd.s32 $0x9DC0, s1;
	[sflag:s18] =	ssyncadd.s32 $0xFFFFFC00  }
0x2bb: {  	[spmem:s5] =	stream.indirect.scatter.add.f32 [tilespmem:s23], [sflag:$0x9], $0x8, s22, s9, $0xb8;
	[tilespmem:$0x1C7C0] =	vst v63  }
0x2bc: {  	_ =	swait.ge [sflag:s18], $0x400  }
0x2bd: {  	[sflag:s18] =	ssyncset.done $0x0  }
0x2be: {  	s24 =	simm.s32 $0x103C0;
	s1 =	sadd.s32 $0x9E40, s1;
	[sflag:s18] =	ssyncadd.s32 $0xFFFFFC00  }
0x2bf: {  	[spmem:s5] =	stream.indirect.scatter.add.f32 [tilespmem:s24], [sflag:$0x9], $0x8, s1, s9, $0xb8;
	[tilespmem:$0x1C7C0] =	vst v63  }
0x2c0: {  	_ =	swait.ge [sflag:s18], $0x400  }
0x2c1: {  	[sflag:s18] =	ssyncset.done $0x0  }
0x2c2: {  	s25 =	sshll.u32 s0, $0x9;
	[sflag:s18] =	ssyncadd.s32 $0xFFFFFC00  }
0x2c3: {  	s1 =	sadd.s32 s25, s5;
	[bflag:$0x0] =	sbarrier.arrive $0xFFFF  }
0x2c4: {  	[tilespmem:s7], [sflag:$0x9] =	stream.linear.gather [spmem:s1], $0x200, $0x38;
	[tilespmem:$0x1C7C0] =	vst v63  }
0x2c5: {  	_ =	swait.ge [sflag:s18], $0x200  }
0x2c6: {  	s28 =	simm.s32 $0x0;
	v1 =	vlaneseq.u32;
	s5 =	sshll.u32 s0, $0x6;
	[sflag:s18] =	ssyncset.done $0x0  }
0x2c7: {  	v0 =	vshrl.u32 v1, $0x2;
	s26 =	sadd.s32 s4, s5;
	s4 =	simm.s32 $0x11BC0;
	[sflag:s18] =	ssyncadd.s32 $0xFFFFFE00  }
0x2c8: {  	v2 =	vmov s28;
	v0 =	vmul.u32 $0x8, v0;
	[tilespmem:s4], [sflag:$0x9] =	stream.linear.gather [hbm4b:s26+s28], $0x200, $0x38;
	[tilespmem:$0x1C7C0] =	vst v63  }
0x2c9: {  	v2 =	vshll.u32 v2, $0x3;
	_ =	swait.ge [sflag:s18], $0x200  }
0x2ca: {  	v2 =	vor.u32 v0, v2;
	[sflag:s18] =	ssyncset.done $0x0  }
0x2cb: {  	s30 =	simm.s32 $0x14900;
	v3 =	vor.u32 $0x4, v2;
	s29 =	sadd.s32 s6, s5;
	[sflag:s18] =	ssyncadd.s32 $0xFFFFFE00  }
0x2cc: {  	[tilespmem:s30], [sflag:$0x9] =	stream.linear.gather [hbm4b:s29+s28], $0x200, $0x38;
	[tilespmem:$0x1C7C0] =	vst v63  }
0x2cd: {  	_ =	swait.ge [sflag:s18], $0x200  }
0x2ce: {  	[sflag:s18] =	ssyncset.done $0x0  }
0x2cf: {  	[sflag:s18] =	ssyncadd.s32 $0xFFFFFE00  }
0x2d0: {  	v4 =	vld.idx.msk [tilespmem:v3+s7+$0x0], $0xffff;
	_ =	sdelay $0x4  }
0x2d1: {  	v1 =	vand.u32 $0x3, v1;
	v7 =	vmax.f32 v4, $1.000000000e+00  }
0x2d2: {  	v5 =	vor.u32 v1, v2;
	(erf) = vrcp.f32 v7;
	_ =	sdelay $0x4  }
0x2d3: {  	s31 =	simm.s32 $0x4;
	v6 =	vld.idx.msk [tilespmem:v5+s7+$0x0], $0xffff  }
0x2d4: {  	v8 =	vmov s31;
	s8 =	simm.s32 $0x8;
	s6 =	simm.s32 $0x107C0;
	v3 =	vor.u32 $0x4, v1;
	v7 =	vld.idx.msk [tilespmem:v5+s4+$0x0], $0xffff  }
.LBB2_29:
0x2d5: {  	p0 =	sne.s32 s8, $0x3C;
	v8 =	vshll.u32 v8, $0x3  }
0x2d6: {  	v9 =	vor.u32 v3, v2;
	v2 =	vor.u32 v0, v8  }
0x2d7: {  	v8 =	vor.u32 $0x4, v2;
	v10 =	vpop (erf)  }
0x2d8: {  	v6 =	vmul.f32 v10, v6  }
0x2d9: {  	vm0 =	vgt.f32 v4, $0.0e+00  }
0x2da: {  	v4 =	vnsel vm0, $0x0, v6;
	[tilespmem:v5+s6+$0x0] =	vst.idx.msk $0xffff, v7  }
0x2db: {  	[tilespmem:v9+s6+$0x0] =	vst.idx.msk $0xffff, v4  }
0x2dc: {  	v4 =	vld.idx.msk [tilespmem:v8+s7+$0x0], $0xffff;
	_ =	sdelay $0x5  }
0x2dd: {  	v5 =	vor.u32 v1, v2;
	v6 =	vmax.f32 v4, $1.000000000e+00  }
0x2de: {  	(erf) = vrcp.f32 v6;
	_ =	sdelay $0x1  }
.Ltmp14:
0x2df: {  	(pc) =	sbr.rel @p0 .LBB2_29-.Ltmp14, $3  }
0x2e0: {  	_ = 	snop  }
0x2e1: {  	v6 =	vld.idx.msk [tilespmem:v5+s7+$0x0], $0xffff;
	_ =	sdelay $0x1  }
0x2e2: {  	v8 =	vmov s8;
	s8 =	sadd.s32 $0x4, s8;
	v7 =	vld.idx.msk [tilespmem:v5+s4+$0x0], $0xffff  }
0x2e3: {  	v8 =	vshll.u32 v8, $0x3  }
0x2e4: {  	v2 =	vor.u32 v3, v2;
	v0 =	vor.u32 v0, v8  }
0x2e5: {  	v8 =	vor.u32 $0x4, v0;
	v9 =	vpop (erf)  }
0x2e6: {  	v6 =	vmul.f32 v9, v6  }
0x2e7: {  	vm0 =	vgt.f32 v4, $0.0e+00  }
0x2e8: {  	[tilespmem:v5+s6+$0x0] =	vst.idx.msk $0xffff, v7;
	v4 =	vnsel vm0, $0x0, v6  }
0x2e9: {  	[tilespmem:v2+s6+$0x0] =	vst.idx.msk $0xffff, v4  }
0x2ea: {  	v2 =	vld.idx.msk [tilespmem:v8+s7+$0x0], $0xffff;
	_ =	sdelay $0x4  }
0x2eb: {  	v4 =	vmax.f32 v2, $1.000000000e+00  }
0x2ec: {  	v1 =	vor.u32 v1, v0;
	(erf) = vrcp.f32 v4;
	_ =	sdelay $0x4  }
0x2ed: {  	v4 =	vld.idx.msk [tilespmem:v1+s7+$0x0], $0xffff;
	_ =	sdelay $0x1  }
0x2ee: {  	v5 =	vld.idx.msk [tilespmem:v1+s4+$0x0], $0xffff  }
0x2ef: {  	v3 =	vor.u32 v3, v0  }
0x2f0: {  	v0 =	vpop (erf)  }
0x2f1: {  	v0 =	vmul.f32 v0, v4  }
0x2f2: {  	s1 =	simm.s32 $0x0;
	vm15 =	vgt.f32 v2, $0.0e+00;
	v2 =	vlaneseq.u32  }
0x2f3: {  	[tilespmem:v1+s6+$0x0] =	vst.idx.msk $0xffff, v5;
	v1 =	vmov s1;
	v4 =	vnsel vm15, $0x0, v0;
	v0 =	vmul.u32 $0x8, v2  }
0x2f4: {  	s29 =	sadd.s32 s3, s5;
	s3 =	simm.s32 $0x107C0;
	s30 =	simm.s32 $0x9;
	v1 =	vshll.u32 v1, $0x3;
	[tilespmem:v3+s6+$0x0] =	vst.idx.msk $0xffff, v4;
	v3 =	vimm.s32 $0xD  }
0x2f5: {  	[hbm4b:s29+s1] =	stream.linear.scatter [tilespmem:s3], [sflag:$0x9], $0x200, $0x38;
	v2 =	vor.u32 v0, v1;
	v1 =	vimm.s32 $0xC;
	[tilespmem:$0x1C7C0] =	vst v63  }
0x2f6: {  	_ =	swait.ge [sflag:s30], $0x200;
	v5 =	vor.u32 $0x4, v2  }
0x2f7: {  	v6 =	vor.u32 $0x5, v2;
	[sflag:s30] =	ssyncset.done $0x0  }
0x2f8: {  	s6 =	simm.s32 $0x148C0;
	[sflag:s30] =	ssyncadd.s32 $0xFFFFFE00  }
0x2f9: {  	v11 =	vld.idx.msk [tilespmem:v3+s6+$0x0], $0xffff  }
0x2fa: {  	v4 =	vimm.s32 $0xE;
	v8 =	vld.idx.msk [tilespmem:v1+s6+$0x0], $0xffff  }
0x2fb: {  	v9 =	vor.u32 $0x6, v2;
	v10 =	vld.idx.msk [tilespmem:v5+s3+$0x0], $0xffff  }
0x2fc: {  	s4 =	simm.s32 $0x14900;
	v6 =	vld.idx.msk [tilespmem:v6+s3+$0x0], $0xffff;
	v5 =	vimm.s32 $0xF  }
0x2fd: {  	v13 =	vor.u32 $0x7, v2;
	v7 =	vld.idx.msk [tilespmem:v2+s4+$0x0], $0xffff;
	_ =	sdelay $0x1  }
0x2fe: {  	v12 =	vld.idx.msk [tilespmem:v4+s6+$0x0], $0xffff  }
0x2ff: {  	v9 =	vld.idx.msk [tilespmem:v9+s3+$0x0], $0xffff;
	v8 =	vmul.f32 v10, v8  }
0x300: {  	v10 =	vmul.f32 v6, v11;
	v6 =	vld.idx.msk [tilespmem:v5+s6+$0x0], $0xffff  }
0x301: {  	v8 =	vadd.f32 v8, v7;
	v7 =	vld.idx.msk [tilespmem:v13+s3+$0x0], $0xffff;
	_ =	sdelay $0x1  }
0x302: {  	s31 =	simm.s32 $0x10  }
0x303: {  	v11 =	vmov s31;
	v9 =	vmul.f32 v9, v12;
	v8 =	vadd.f32 v10, v8  }
0x304: {  	s7 =	simm.s32 $0x20;
	v10 =	vshll.u32 v11, $0x3  }
.LBB2_31:
0x305: {  	p0 =	sne.s32 s7, $0x30;
	v10 =	vor.u32 v0, v10;
	v8 =	vadd.f32 v9, v8;
	v6 =	vmul.f32 v7, v6;
	_ =	sdelay $0x1  }
0x306: {  	v7 =	vor.u32 $0x4, v10;
	v6 =	vadd.f32 v6, v8;
	_ =	sdelay $0x1  }
0x307: {  	v8 =	vor.u32 $0x5, v10;
	[tilespmem:v2+s4+$0x0] =	vst.idx.msk $0xffff, v6;
	v2 =	vmov v10  }
0x308: {  	v9 =	vld.idx.msk [tilespmem:v10+s4+$0x0], $0xffff  }
0x309: {  	v6 =	vor.u32 $0x6, v2;
	v10 =	vld.idx.msk [tilespmem:v1+s6+$0x0], $0xffff  }
0x30a: {  	v7 =	vld.idx.msk [tilespmem:v7+s3+$0x0], $0xffff  }
0x30b: {  	v12 =	vor.u32 $0x7, v2;
	v11 =	vld.idx.msk [tilespmem:v3+s6+$0x0], $0xffff  }
0x30c: {  	v8 =	vld.idx.msk [tilespmem:v8+s3+$0x0], $0xffff  }
0x30d: {  	v13 =	vld.idx.msk [tilespmem:v4+s6+$0x0], $0xffff  }
0x30e: {  	v14 =	vld.idx.msk [tilespmem:v6+s3+$0x0], $0xffff  }
0x30f: {  	v6 =	vld.idx.msk [tilespmem:v5+s6+$0x0], $0xffff  }
0x310: {  	v10 =	vmul.f32 v7, v10;
	v7 =	vld.idx.msk [tilespmem:v12+s3+$0x0], $0xffff  }
.Ltmp15:
0x311: {  	(pc) =	sbr.rel @p0 .LBB2_31-.Ltmp15, $3  }
0x312: {  	v9 =	vadd.f32 v10, v9;
	v8 =	vmul.f32 v8, v11;
	_ =	sdelay $0x1  }
0x313: {  	v10 =	vmov s7;
	v8 =	vadd.f32 v8, v9;
	v9 =	vmul.f32 v14, v13  }
0x314: {  	s7 =	sadd.s32 $0x10, s7;
	v10 =	vshll.u32 v10, $0x3  }
0x315: {  	v0 =	vor.u32 v0, v10;
	v8 =	vadd.f32 v9, v8;
	v6 =	vmul.f32 v7, v6;
	_ =	sdelay $0x1  }
0x316: {  	v56 =	vor.u32 $0x4, v0;
	v6 =	vadd.f32 v6, v8;
	_ =	sdelay $0x1  }
0x317: {  	v57 =	vor.u32 $0x5, v0;
	[tilespmem:v2+s4+$0x0] =	vst.idx.msk $0xffff, v6  }
0x318: {  	v2 =	vld.idx.msk [tilespmem:v0+s4+$0x0], $0xffff  }
0x319: {  	v58 =	vor.u32 $0x6, v0;
	v1 =	vld.idx.msk [tilespmem:v1+s6+$0x0], $0xffff  }
0x31a: {  	v7 =	vld.idx.msk [tilespmem:v56+s3+$0x0], $0xffff  }
0x31b: {  	v59 =	vor.u32 $0x7, v0;
	v3 =	vld.idx.msk [tilespmem:v3+s6+$0x0], $0xffff  }
0x31c: {  	v8 =	vld.idx.msk [tilespmem:v57+s3+$0x0], $0xffff  }
0x31d: {  	v4 =	vld.idx.msk [tilespmem:v4+s6+$0x0], $0xffff  }
0x31e: {  	v6 =	vld.idx.msk [tilespmem:v58+s3+$0x0], $0xffff  }
0x31f: {  	v5 =	vld.idx.msk [tilespmem:v5+s6+$0x0], $0xffff;
	v1 =	vmul.f32 v7, v1  }
0x320: {  	v60 =	vld.idx.msk [tilespmem:v59+s3+$0x0], $0xffff  }
0x321: {  	v61 =	vmul.f32 v8, v3;
	v1 =	vadd.f32 v1, v2;
	_ =	sdelay $0x1  }
0x322: {  	v62 =	vmul.f32 v6, v4;
	v1 =	vadd.f32 v61, v1;
	_ =	sdelay $0x1  }
0x323: {  	v63 =	vmul.f32 v60, v5;
	v1 =	vadd.f32 v62, v1;
	_ =	sdelay $0x1  }
0x324: {  	v1 =	vadd.f32 v63, v1  }
0x325: {  	s1 =	sadd.s32 s2, s5  }
0x326: {  	s29 =	simm.s32 $0x0;
	s30 =	simm.s32 $0x14900;
	s31 =	simm.s32 $0x9;
	[tilespmem:v0+s4+$0x0] =	vst.idx.msk $0xffff, v1  }
0x327: {  	[hbm4b:s1+s29] =	stream.linear.scatter [tilespmem:s30], [sflag:$0x9], $0x200, $0x38;
	[tilespmem:$0x1C7C0] =	vst v63  }
0x328: {  	_ =	swait.ge [sflag:s31], $0x200  }
0x329: {  	[sflag:s31] =	ssyncset.done $0x0  }
0x32a: {  	[sflag:s31] =	ssyncadd.s32 $0xFFFFFE00  }
0x32b: {  	_ =	sfence.sel $0x180000  }
0x32c: {  	[bflag:$0x0] =	sbarrier.arrive $0xFFFF  }
0x32d: {  	_ =	strace $0x90000047  }
0x32e: {  	[bflag:$0x2] =	sbarrier.arrive $0xFFFF  }
0x32f: {  	p0 =	sne.s32 s0, $0x0;
	s0 =	rddreg [dreg:$0xa]  }
0x330: {  	s0 =	sadd.s32 @!p0 $0x100000, s0  }
0x331: {  	[sflag:s0] =	ssyncadd.tile.s32 @!p0 $0x1;
	_ =	shalt  }
.Lfunc_end2:
_tile_overlayer_lowered:
.L_overlay_start_2:
0x332: {  	(tag) =	ssettag $0x2  }
0x333: {  	s0 =	rddreg [dreg:$0x0];
	s2 =	stileid.u32  }
0x334: {  	s1 =	rddreg [dreg:$0x1];
	p0 =	sne.s32 s2, $0x0  }
0x335: {  	s3 =	rddreg [dreg:$0x2];
	[bflag:$0x3] =	sbarrier.arrive $0xFFFF;
	s2 =	simm.s32 @!p0 $0x1C09  }
0x336: {  	[timem:s3], [sflag:s2] =	dma.local @!p0 [hbm:s0], s1  }
0x337: {  	s0 =	simm.s32 @!p0 $0x9  }
0x338: {  	_ =	swait.ge @!p0 [sflag:s0], s1  }
0x339: {  	s1 =	ssub.s32 @!p0 $0x0, s1;
	[sflag:s0] =	ssyncset.done @!p0 $0x0  }
0x33a: {  	[sflag:s0] =	ssyncadd.s32 @!p0 s1  }
0x33b: {  	[bflag:$0x3] =	sbarrier.arrive $0xFFFF  }
0x33c: {  	_ =	shalt  }

</sc_bundles>
